<compile_context>
chip_gen: v7x
topology: tpu7x:2x2x1
jax: 0.10.2.dev20260603
libtpu: 0.0.44.dev20260713+nightly
codegen_flags: <defaults>
</compile_context>

<pallas_src>
import functools

import jax
import jax.numpy as jnp
from jax import lax
from jax.experimental import pallas as pl
from jax.experimental.pallas import tpu as pltpu
from jax.experimental.pallas import tpu_sc as plsc

_N = 10000
_E = 320000
_NOISE = 4

_NC = 2
_NS = 16
_NW = _NC * _NS
_CHUNK = 128
_GRP = 8
_CPW = 80
_EPAD = _NW * _CPW * _CHUNK
_NGRP = _CPW // _GRP
_NPAD = 10240
_RPT = _NPAD // _NS


def _make_seg_sum(width):
    mesh = plsc.VectorSubcoreMesh(
        core_axis_name="c", subcore_axis_name="s",
        num_cores=_NC, num_subcores=_NS,
    )

    @functools.partial(
        pl.kernel,
        out_type=jax.ShapeDtypeStruct((_NC, _NPAD, width), jnp.float32),
        mesh=mesh,
        compiler_params=pltpu.CompilerParams(use_tc_tiling_on_sc=False),
        scratch_types=[
            pltpu.VMEM_SHARED((_NPAD, width), jnp.float32),
            pltpu.VMEM((_CPW, _CHUNK), jnp.int32),
            pltpu.VMEM((_CPW, _CHUNK), jnp.int32),
            pltpu.VMEM((_GRP, _CHUNK, width), jnp.float32),
            pltpu.VMEM((_RPT, width), jnp.float32),
            pltpu.SemaphoreType.DMA,
            pltpu.SemaphoreType.DMA,
        ],
    )
    def seg_sum(msg_hbm, src_hbm, dst_hbm, zeros_hbm, out_hbm,
                shared, srci, dsti, rows, stage, gsem, ssem):
        c = lax.axis_index("c")
        s = lax.axis_index("s")
        w = c * _NS + s

        off = s * _RPT
        pltpu.sync_copy(zeros_hbm.at[pl.ds(off, _RPT)], stage)
        pltpu.sync_copy(stage, shared.at[pl.ds(off, _RPT)])

        crow = w * _CPW
        pltpu.sync_copy(src_hbm.at[pl.ds(crow, _CPW)], srci)
        pltpu.sync_copy(dst_hbm.at[pl.ds(crow, _CPW)], dsti)
        plsc.subcore_barrier()

        def group(t, carry):
            gd = [pltpu.async_copy(msg_hbm.at[srci.at[t * _GRP + j]],
                                   rows.at[j], gsem)
                  for j in range(_GRP)]
            sd = []
            for j in range(_GRP):
                gd[j].wait()
                sd.append(pltpu.async_copy(rows.at[j],
                                           shared.at[dsti.at[t * _GRP + j]],
                                           ssem, add=True))
            for d in sd:
                d.wait()
            return carry

        lax.fori_loop(0, _NGRP, group, 0)
        plsc.subcore_barrier()

        pltpu.sync_copy(shared.at[pl.ds(off, _RPT)], stage)
        pltpu.sync_copy(stage, out_hbm.at[c, pl.ds(off, _RPT)])

    return seg_sum


_seg_sum_16 = _make_seg_sum(16)
_seg_sum_8 = _make_seg_sum(8)


def _tc_msg1(x_ref, nz_ref, wcat_ref, ncat_ref, bcat_ref, w2_ref, b2_ref,
             msg1_ref, xu_ref):
    t = x_ref[...] @ wcat_ref[...] + nz_ref[...] @ ncat_ref[...] + bcat_ref[...]
    msg1_ref[...] = jnp.maximum(t[:, :16], 0.0) @ w2_ref[...] + b2_ref[...]
    xu_ref[...] = t[:, 16:]


def _tc_mid(xu_ref, aggp_ref, u1a_ref,
            uw2_ref, ub2_ref, e2w1_ref, e2b1_ref, e2w2_ref, e2b2_ref,
            h1_ref, msg2_ref):
    n = xu_ref.shape[0]
    agg = aggp_ref[0, :n] + aggp_ref[1, :n]
    xu = xu_ref[...]
    h_inner = jnp.maximum(xu + agg @ u1a_ref[...], 0.0) @ uw2_ref[...] + ub2_ref[...]
    h1 = jnp.maximum(
        jnp.maximum(xu + h_inner @ u1a_ref[...], 0.0) @ uw2_ref[...] + ub2_ref[...],
        0.0)
    h1_ref[...] = h1
    m = jnp.maximum(h1 @ e2w1_ref[...] + e2b1_ref[...], 0.0)
    msg2_ref[...] = m @ e2w2_ref[...] + e2b2_ref[...]


def _tc_out(h1_ref, aggp_ref, u2h_ref, u2a_ref, ub1_ref, uw2_ref, ub2_ref,
            ow_ref, ob_ref, out_ref):
    n = h1_ref.shape[0]
    agg = aggp_ref[0, :n] + aggp_ref[1, :n]
    hu = h1_ref[...] @ u2h_ref[...] + ub1_ref[...]
    h_inner = jnp.maximum(hu + agg @ u2a_ref[...], 0.0) @ uw2_ref[...] + ub2_ref[...]
    h2 = jnp.maximum(
        jnp.maximum(hu + h_inner @ u2a_ref[...], 0.0) @ uw2_ref[...] + ub2_ref[...],
        0.0)
    out_ref[...] = h2 @ ow_ref[...] + ob_ref[...]


def kernel(x, edge_index, c1e_w1, c1e_b1, c1e_w2, c1e_b2,
           c1u_w1, c1u_b1, c1u_w2, c1u_b2,
           c2e_w1, c2e_b1, c2e_w2, c2e_b2,
           c2u_w1, c2u_b1, c2u_w2, c2u_b2, out_w, out_b):
    n, d = x.shape
    noise = jax.random.normal(
        jax.random.key(1), (n * _NOISE,), dtype=jnp.float32).reshape(n, _NOISE)
    npad_e = _EPAD - _E
    src = jnp.concatenate(
        [edge_index[0], jnp.zeros((npad_e,), jnp.int32)]).reshape(-1, _CHUNK)
    dst = jnp.concatenate(
        [edge_index[1],
         _N + (jnp.arange(npad_e, dtype=jnp.int32) % (_NPAD - _N))]
    ).reshape(-1, _CHUNK)

    we_x, we_n = c1e_w1[:d], c1e_w1[d:]
    u1x, u1n, u1a = c1u_w1[:d], c1u_w1[d:d + _NOISE], c1u_w1[d + _NOISE:]
    u2h, u2a = c2u_w1[:16], c2u_w1[16:]
    r = lambda b: b.reshape(1, -1)

    wcat = jnp.concatenate([we_x, u1x], axis=1)
    ncat = jnp.concatenate([we_n, u1n], axis=1)
    bcat = jnp.concatenate([c1e_b1, c1u_b1]).reshape(1, -1)

    msg1, xu = pl.pallas_call(
        _tc_msg1,
        out_shape=(jax.ShapeDtypeStruct((n, 16), jnp.float32),
                   jax.ShapeDtypeStruct((n, 16), jnp.float32)),
    )(x, noise, wcat, ncat, bcat, c1e_w2, r(c1e_b2))

    agg1p = _seg_sum_16(msg1, src, dst, jnp.zeros((_NPAD, 16), jnp.float32))

    h1, msg2 = pl.pallas_call(
        _tc_mid,
        out_shape=(jax.ShapeDtypeStruct((n, 16), jnp.float32),
                   jax.ShapeDtypeStruct((n, 8), jnp.float32)),
    )(xu, agg1p, u1a, c1u_w2, r(c1u_b2),
      c2e_w1, r(c2e_b1), c2e_w2, r(c2e_b2))

    agg2p = _seg_sum_8(msg2, src, dst, jnp.zeros((_NPAD, 8), jnp.float32))

    return pl.pallas_call(
        _tc_out,
        out_shape=jax.ShapeDtypeStruct((n, 1), jnp.float32),
    )(h1, agg2p, u2h, u2a, r(c2u_b1), c2u_w2, r(c2u_b2), out_w, r(out_b))

# --- scband reference (transcript-rebuilt; emitter-appended) ---
"""Pipeline reference for scband-gnn-ncm-45019847197426 (READ-ONLY COPY).

The authoritative reference and input builder live on the scoring server;
editing this copy changes nothing except your own understanding.
"""

import jax, jax.numpy as jnp
import numpy as np

N = 10000
E = 320000
D = 128
NOISE_DIM = 4

def _mlp(x, w1, b1, w2, b2):
    h = jnp.maximum(x @ w1 + b1, 0.0)
    return h @ w2 + b2

def _conv(x, src, dst, ew1, eb1, ew2, eb2, uw1, ub1, uw2, ub2):
    # message: shared edge MLP on source node features
    msg = _mlp(x[src], ew1, eb1, ew2, eb2)
    # aggregate: scatter-add onto destination nodes (aggr='add', flow source_to_target)
    agg = jax.ops.segment_sum(msg, dst, num_segments=x.shape[0])
    # NOTE: in the torch module, update() is invoked twice (once inside propagate,
    # once explicitly in forward). We faithfully replicate that double application.
    h_inner = _mlp(jnp.concatenate([x, agg], axis=-1), uw1, ub1, uw2, ub2)
    return _mlp(jnp.concatenate([x, h_inner], axis=-1), uw1, ub1, uw2, ub2)

def setup_inputs(seed: int = 0):
    key = jax.random.key(seed)
    ks = jax.random.split(key, 32)
    inp = {}
    inp["x"] = jax.random.normal(ks[0], (N, D), dtype=jnp.float32)
    inp["edge_index"] = jax.random.randint(ks[1], (2, E), 0, N, dtype=jnp.int32)
    def w(k, shape, fan_in):
        return jax.random.uniform(k, shape, jnp.float32, -1.0, 1.0) / np.sqrt(fan_in)
    in1 = D + NOISE_DIM  # 132
    inp["c1e_w1"] = w(ks[2], (in1, 16), in1)
    inp["c1e_b1"] = w(ks[3], (16,), in1)
    inp["c1e_w2"] = w(ks[4], (16, 16), 16)
    inp["c1e_b2"] = w(ks[5], (16,), 16)
    inp["c1u_w1"] = w(ks[6], (in1 + 16, 16), in1 + 16)
    inp["c1u_b1"] = w(ks[7], (16,), in1 + 16)
    inp["c1u_w2"] = w(ks[8], (16, 16), 16)
    inp["c1u_b2"] = w(ks[9], (16,), 16)
    inp["c2e_w1"] = w(ks[10], (16, 8), 16)
    inp["c2e_b1"] = w(ks[11], (8,), 16)
    inp["c2e_w2"] = w(ks[12], (8, 8), 8)
    inp["c2e_b2"] = w(ks[13], (8,), 8)
    inp["c2u_w1"] = w(ks[14], (24, 8), 24)
    inp["c2u_b1"] = w(ks[15], (8,), 24)
    inp["c2u_w2"] = w(ks[16], (8, 8), 8)
    inp["c2u_b2"] = w(ks[17], (8,), 8)
    inp["out_w"] = w(ks[18], (8, 1), 8)
    inp["out_b"] = w(ks[19], (1,), 8)
    return inp

def reference(x, edge_index, c1e_w1, c1e_b1, c1e_w2, c1e_b2, c1u_w1, c1u_b1, c1u_w2, c1u_b2, c2e_w1, c2e_b1, c2e_w2, c2e_b2, c2u_w1, c2u_b1, c2u_w2, c2u_b2, out_w, out_b):
    src = edge_index[0]
    dst = edge_index[1]
    # exogenous noise U (fixed key for reproducibility; torch uses randn internally)
    noise = jax.random.normal(jax.random.key(1), (x.shape[0], NOISE_DIM), dtype=jnp.float32)
    xn = jnp.concatenate([x, noise], axis=1)
    h = jnp.maximum(_conv(xn, src, dst, c1e_w1, c1e_b1, c1e_w2, c1e_b2, c1u_w1, c1u_b1, c1u_w2, c1u_b2), 0.0)
    h = jnp.maximum(_conv(h, src, dst, c2e_w1, c2e_b1, c2e_w2, c2e_b2, c2u_w1, c2u_b1, c2u_w2, c2u_b2), 0.0)
    return h @ out_w + out_b

if __name__ == "__main__":
    import jax
    _d = setup_inputs()
    print(jax.jit(kernel)(*tuple(_d.values())))

</pallas_src>

<mosaic_0001>
#map = affine_map<(d0, d1) -> (0, 0)>
#map1 = affine_map<(d0, d1) -> (0, 0, 0)>
module attributes {stable_mosaic.version = 14 : i64} {
  func.func @seg_sum(%arg0: i32, %arg1: i32, %arg2: memref<10000x16xf32, #tpu.memory_space<hbm>>, %arg3: memref<2560x128xi32, #tpu.memory_space<hbm>>, %arg4: memref<2560x128xi32, #tpu.memory_space<hbm>>, %arg5: memref<10240x16xf32, #tpu.memory_space<hbm>>, %arg6: memref<2x10240x16xf32, #tpu.memory_space<hbm>>, %arg7: memref<10240x16xf32, #tpu.memory_space<vmem_shared>>, %arg8: memref<80x128xi32, #tpu.memory_space<vmem>>, %arg9: memref<80x128xi32, #tpu.memory_space<vmem>>, %arg10: memref<8x128x16xf32, #tpu.memory_space<vmem>>, %arg11: memref<640x16xf32, #tpu.memory_space<vmem>>, %arg12: memref<!tpu.dma_semaphore, #tpu.memory_space<semaphore_mem>>, %arg13: memref<!tpu.dma_semaphore, #tpu.memory_space<semaphore_mem>>) attributes {dimension_semantics = [#tpu.dimension_semantics<core_parallel>, #tpu.dimension_semantics<subcore_parallel>], iteration_bounds = array<i64: 2, 16>, scalar_prefetch = 0 : i64, scratch_operands = 7 : i64, tpu.core_type = #tpu.core_type<sc_vector_subcore>, window_params = [{transform_indices = #map}, {transform_indices = #map}, {transform_indices = #map}, {transform_indices = #map}, {transform_indices = #map1}]} {
    %mul3A = arith.constant 16 : i32
    %mul3A_0 = arith.muli %arg0, %mul3A : i32
    %add3A = arith.addi %mul3A_0, %arg1 : i32
    %mul3A_1 = arith.constant 640 : i32
    %mul3A_2 = arith.muli %arg1, %mul3A_1 : i32
    "tpu.region"() ({
      %run_scoped3A = tpu.sem_alloc : memref<!tpu.dma_semaphore, #tpu.memory_space<semaphore_mem>>
      %dma_start3A = arith.constant 0 : i32
      %dma_start3A_11 = tpu.memref_slice %arg5[%mul3A_2, %dma_start3A] : memref<10240x16xf32, #tpu.memory_space<hbm>> -> memref<640x16xf32, #tpu.memory_space<hbm>>
      %dma_start3A_12 = arith.constant 0 : i32
      %dma_start3A_13 = tpu.memref_slice %arg5[%mul3A_2, %dma_start3A_12] : memref<10240x16xf32, #tpu.memory_space<hbm>> -> memref<640x16xf32, #tpu.memory_space<hbm>>
      tpu.enqueue_dma source(%dma_start3A_13 : memref<640x16xf32, #tpu.memory_space<hbm>>) target(%arg11 : memref<640x16xf32, #tpu.memory_space<vmem>>) target_semaphore(%run_scoped3A : memref<!tpu.dma_semaphore, #tpu.memory_space<semaphore_mem>>)
      %dma_wait3A = arith.constant 0 : i32
      %dma_wait3A_14 = tpu.memref_slice %arg5[%mul3A_2, %dma_wait3A] : memref<10240x16xf32, #tpu.memory_space<hbm>> -> memref<640x16xf32, #tpu.memory_space<hbm>>
      %dma_wait3A_15 = arith.constant 0 : i32
      %dma_wait3A_16 = tpu.memref_slice %arg5[%mul3A_2, %dma_wait3A_15] : memref<10240x16xf32, #tpu.memory_space<hbm>> -> memref<640x16xf32, #tpu.memory_space<hbm>>
      tpu.wait_dma2 semaphore(%run_scoped3A : memref<!tpu.dma_semaphore, #tpu.memory_space<semaphore_mem>>) src(%dma_wait3A_16 : memref<640x16xf32, #tpu.memory_space<hbm>>) dst(%arg11 : memref<640x16xf32, #tpu.memory_space<vmem>>)
      tpu.yield
    }) : () -> ()
    "tpu.region"() ({
      %run_scoped3A = tpu.sem_alloc : memref<!tpu.dma_semaphore, #tpu.memory_space<semaphore_mem>>
      %dma_start3A = arith.constant 0 : i32
      %dma_start3A_11 = tpu.memref_slice %arg7[%mul3A_2, %dma_start3A] : memref<10240x16xf32, #tpu.memory_space<vmem_shared>> -> memref<640x16xf32, #tpu.memory_space<vmem_shared>>
      %dma_start3A_12 = arith.constant 0 : i32
      %dma_start3A_13 = tpu.memref_slice %arg7[%mul3A_2, %dma_start3A_12] : memref<10240x16xf32, #tpu.memory_space<vmem_shared>> -> memref<640x16xf32, #tpu.memory_space<vmem_shared>>
      tpu.enqueue_dma source(%arg11 : memref<640x16xf32, #tpu.memory_space<vmem>>) target(%dma_start3A_13 : memref<640x16xf32, #tpu.memory_space<vmem_shared>>) target_semaphore(%run_scoped3A : memref<!tpu.dma_semaphore, #tpu.memory_space<semaphore_mem>>)
      %dma_wait3A = arith.constant 0 : i32
      %dma_wait3A_14 = tpu.memref_slice %arg7[%mul3A_2, %dma_wait3A] : memref<10240x16xf32, #tpu.memory_space<vmem_shared>> -> memref<640x16xf32, #tpu.memory_space<vmem_shared>>
      %dma_wait3A_15 = arith.constant 0 : i32
      %dma_wait3A_16 = tpu.memref_slice %arg7[%mul3A_2, %dma_wait3A_15] : memref<10240x16xf32, #tpu.memory_space<vmem_shared>> -> memref<640x16xf32, #tpu.memory_space<vmem_shared>>
      tpu.wait_dma2 semaphore(%run_scoped3A : memref<!tpu.dma_semaphore, #tpu.memory_space<semaphore_mem>>) src(%arg11 : memref<640x16xf32, #tpu.memory_space<vmem>>) dst(%dma_wait3A_16 : memref<640x16xf32, #tpu.memory_space<vmem_shared>>)
      tpu.yield
    }) : () -> ()
    %mul3A_3 = arith.constant 80 : i32
    %mul3A_4 = arith.muli %add3A, %mul3A_3 : i32
    "tpu.region"() ({
      %run_scoped3A = tpu.sem_alloc : memref<!tpu.dma_semaphore, #tpu.memory_space<semaphore_mem>>
      %dma_start3A = arith.constant 0 : i32
      %dma_start3A_11 = tpu.memref_slice %arg3[%mul3A_4, %dma_start3A] : memref<2560x128xi32, #tpu.memory_space<hbm>> -> memref<80x128xi32, #tpu.memory_space<hbm>>
      %dma_start3A_12 = arith.constant 0 : i32
      %dma_start3A_13 = tpu.memref_slice %arg3[%mul3A_4, %dma_start3A_12] : memref<2560x128xi32, #tpu.memory_space<hbm>> -> memref<80x128xi32, #tpu.memory_space<hbm>>
      tpu.enqueue_dma source(%dma_start3A_13 : memref<80x128xi32, #tpu.memory_space<hbm>>) target(%arg8 : memref<80x128xi32, #tpu.memory_space<vmem>>) target_semaphore(%run_scoped3A : memref<!tpu.dma_semaphore, #tpu.memory_space<semaphore_mem>>)
      %dma_wait3A = arith.constant 0 : i32
      %dma_wait3A_14 = tpu.memref_slice %arg3[%mul3A_4, %dma_wait3A] : memref<2560x128xi32, #tpu.memory_space<hbm>> -> memref<80x128xi32, #tpu.memory_space<hbm>>
      %dma_wait3A_15 = arith.constant 0 : i32
      %dma_wait3A_16 = tpu.memref_slice %arg3[%mul3A_4, %dma_wait3A_15] : memref<2560x128xi32, #tpu.memory_space<hbm>> -> memref<80x128xi32, #tpu.memory_space<hbm>>
      tpu.wait_dma2 semaphore(%run_scoped3A : memref<!tpu.dma_semaphore, #tpu.memory_space<semaphore_mem>>) src(%dma_wait3A_16 : memref<80x128xi32, #tpu.memory_space<hbm>>) dst(%arg8 : memref<80x128xi32, #tpu.memory_space<vmem>>)
      tpu.yield
    }) : () -> ()
    "tpu.region"() ({
      %run_scoped3A = tpu.sem_alloc : memref<!tpu.dma_semaphore, #tpu.memory_space<semaphore_mem>>
      %dma_start3A = arith.constant 0 : i32
      %dma_start3A_11 = tpu.memref_slice %arg4[%mul3A_4, %dma_start3A] : memref<2560x128xi32, #tpu.memory_space<hbm>> -> memref<80x128xi32, #tpu.memory_space<hbm>>
      %dma_start3A_12 = arith.constant 0 : i32
      %dma_start3A_13 = tpu.memref_slice %arg4[%mul3A_4, %dma_start3A_12] : memref<2560x128xi32, #tpu.memory_space<hbm>> -> memref<80x128xi32, #tpu.memory_space<hbm>>
      tpu.enqueue_dma source(%dma_start3A_13 : memref<80x128xi32, #tpu.memory_space<hbm>>) target(%arg9 : memref<80x128xi32, #tpu.memory_space<vmem>>) target_semaphore(%run_scoped3A : memref<!tpu.dma_semaphore, #tpu.memory_space<semaphore_mem>>)
      %dma_wait3A = arith.constant 0 : i32
      %dma_wait3A_14 = tpu.memref_slice %arg4[%mul3A_4, %dma_wait3A] : memref<2560x128xi32, #tpu.memory_space<hbm>> -> memref<80x128xi32, #tpu.memory_space<hbm>>
      %dma_wait3A_15 = arith.constant 0 : i32
      %dma_wait3A_16 = tpu.memref_slice %arg4[%mul3A_4, %dma_wait3A_15] : memref<2560x128xi32, #tpu.memory_space<hbm>> -> memref<80x128xi32, #tpu.memory_space<hbm>>
      tpu.wait_dma2 semaphore(%run_scoped3A : memref<!tpu.dma_semaphore, #tpu.memory_space<semaphore_mem>>) src(%dma_wait3A_16 : memref<80x128xi32, #tpu.memory_space<hbm>>) dst(%arg9 : memref<80x128xi32, #tpu.memory_space<vmem>>)
      tpu.yield
    }) : () -> ()
    %barrier3A = arith.constant 0 : index
    tpu.barrier barrier_id(%barrier3A)
    %scan3A = arith.constant 0 : i32
    %scan3A_5 = arith.constant 0 : i32
    %scan3A_6 = arith.constant 10 : i32
    %scan3A_7 = arith.addi %scan3A_5, %scan3A_6 : i32
    %scan3A_8 = arith.constant 1 : i32
    scf.for %scan3A_11 = %scan3A_5 to %scan3A_7 step %scan3A_8  : i32 {
      %mul3A_12 = arith.constant 8 : i32
      %mul3A_13 = arith.muli %scan3A_11, %mul3A_12 : i32
      %add3A_14 = arith.constant 0 : i32
      %add3A_15 = arith.addi %mul3A_13, %add3A_14 : i32
      %dma_start3A = arith.constant 0 : i32
      %dma_start3A_16 = arith.constant 0 : i32
      %dma_start3A_17 = arith.constant 0 : i32
      %dma_start3A_18 = tpu.memref_slice %arg10[%dma_start3A, %dma_start3A_16, %dma_start3A_17] : memref<8x128x16xf32, #tpu.memory_space<vmem>> -> memref<1x128x16xf32, #tpu.memory_space<vmem>>
      %dma_start3A_19 = tpu.memref_squeeze %dma_start3A_18 : memref<1x128x16xf32, #tpu.memory_space<vmem>> -> memref<128x16xf32, #tpu.memory_space<vmem>>
      %dma_start3A_20 = arith.constant 0 : i32
      %dma_start3A_21 = tpu.memref_slice %arg8[%add3A_15, %dma_start3A_20] : memref<80x128xi32, #tpu.memory_space<vmem>> -> memref<1x128xi32, #tpu.memory_space<vmem>>
      %dma_start3A_22 = tpu.memref_squeeze %dma_start3A_21 : memref<1x128xi32, #tpu.memory_space<vmem>> -> memref<128xi32, #tpu.memory_space<vmem>>
      %dma_start3A_23 = arith.constant 0 : i32
      %dma_start3A_24 = arith.constant 0 : i32
      %dma_start3A_25 = tpu.memref_slice %arg2[%dma_start3A_23, %dma_start3A_24] : memref<10000x16xf32, #tpu.memory_space<hbm>> -> memref<10000x16xf32, #tpu.memory_space<hbm>>
      tpu.enqueue_indirect_dma source(%dma_start3A_25 : memref<10000x16xf32, #tpu.memory_space<hbm>>) target(%dma_start3A_19 : memref<128x16xf32, #tpu.memory_space<vmem>>) offsets(%dma_start3A_22 : memref<128xi32, #tpu.memory_space<vmem>>) semaphore(%arg12 : memref<!tpu.dma_semaphore, #tpu.memory_space<semaphore_mem>>)
      %mul3A_26 = arith.constant 8 : i32
      %mul3A_27 = arith.muli %scan3A_11, %mul3A_26 : i32
      %add3A_28 = arith.constant 1 : i32
      %add3A_29 = arith.addi %mul3A_27, %add3A_28 : i32
      %dma_start3A_30 = arith.constant 1 : i32
      %dma_start3A_31 = arith.constant 0 : i32
      %dma_start3A_32 = arith.constant 0 : i32
      %dma_start3A_33 = tpu.memref_slice %arg10[%dma_start3A_30, %dma_start3A_31, %dma_start3A_32] : memref<8x128x16xf32, #tpu.memory_space<vmem>> -> memref<1x128x16xf32, #tpu.memory_space<vmem>>
      %dma_start3A_34 = tpu.memref_squeeze %dma_start3A_33 : memref<1x128x16xf32, #tpu.memory_space<vmem>> -> memref<128x16xf32, #tpu.memory_space<vmem>>
      %dma_start3A_35 = arith.constant 0 : i32
      %dma_start3A_36 = tpu.memref_slice %arg8[%add3A_29, %dma_start3A_35] : memref<80x128xi32, #tpu.memory_space<vmem>> -> memref<1x128xi32, #tpu.memory_space<vmem>>
      %dma_start3A_37 = tpu.memref_squeeze %dma_start3A_36 : memref<1x128xi32, #tpu.memory_space<vmem>> -> memref<128xi32, #tpu.memory_space<vmem>>
      %dma_start3A_38 = arith.constant 0 : i32
      %dma_start3A_39 = arith.constant 0 : i32
      %dma_start3A_40 = tpu.memref_slice %arg2[%dma_start3A_38, %dma_start3A_39] : memref<10000x16xf32, #tpu.memory_space<hbm>> -> memref<10000x16xf32, #tpu.memory_space<hbm>>
      tpu.enqueue_indirect_dma source(%dma_start3A_40 : memref<10000x16xf32, #tpu.memory_space<hbm>>) target(%dma_start3A_34 : memref<128x16xf32, #tpu.memory_space<vmem>>) offsets(%dma_start3A_37 : memref<128xi32, #tpu.memory_space<vmem>>) semaphore(%arg12 : memref<!tpu.dma_semaphore, #tpu.memory_space<semaphore_mem>>)
      %mul3A_41 = arith.constant 8 : i32
      %mul3A_42 = arith.muli %scan3A_11, %mul3A_41 : i32
      %add3A_43 = arith.constant 2 : i32
      %add3A_44 = arith.addi %mul3A_42, %add3A_43 : i32
      %dma_start3A_45 = arith.constant 2 : i32
      %dma_start3A_46 = arith.constant 0 : i32
      %dma_start3A_47 = arith.constant 0 : i32
      %dma_start3A_48 = tpu.memref_slice %arg10[%dma_start3A_45, %dma_start3A_46, %dma_start3A_47] : memref<8x128x16xf32, #tpu.memory_space<vmem>> -> memref<1x128x16xf32, #tpu.memory_space<vmem>>
      %dma_start3A_49 = tpu.memref_squeeze %dma_start3A_48 : memref<1x128x16xf32, #tpu.memory_space<vmem>> -> memref<128x16xf32, #tpu.memory_space<vmem>>
      %dma_start3A_50 = arith.constant 0 : i32
      %dma_start3A_51 = tpu.memref_slice %arg8[%add3A_44, %dma_start3A_50] : memref<80x128xi32, #tpu.memory_space<vmem>> -> memref<1x128xi32, #tpu.memory_space<vmem>>
      %dma_start3A_52 = tpu.memref_squeeze %dma_start3A_51 : memref<1x128xi32, #tpu.memory_space<vmem>> -> memref<128xi32, #tpu.memory_space<vmem>>
      %dma_start3A_53 = arith.constant 0 : i32
      %dma_start3A_54 = arith.constant 0 : i32
      %dma_start3A_55 = tpu.memref_slice %arg2[%dma_start3A_53, %dma_start3A_54] : memref<10000x16xf32, #tpu.memory_space<hbm>> -> memref<10000x16xf32, #tpu.memory_space<hbm>>
      tpu.enqueue_indirect_dma source(%dma_start3A_55 : memref<10000x16xf32, #tpu.memory_space<hbm>>) target(%dma_start3A_49 : memref<128x16xf32, #tpu.memory_space<vmem>>) offsets(%dma_start3A_52 : memref<128xi32, #tpu.memory_space<vmem>>) semaphore(%arg12 : memref<!tpu.dma_semaphore, #tpu.memory_space<semaphore_mem>>)
      %mul3A_56 = arith.constant 8 : i32
      %mul3A_57 = arith.muli %scan3A_11, %mul3A_56 : i32
      %add3A_58 = arith.constant 3 : i32
      %add3A_59 = arith.addi %mul3A_57, %add3A_58 : i32
      %dma_start3A_60 = arith.constant 3 : i32
      %dma_start3A_61 = arith.constant 0 : i32
      %dma_start3A_62 = arith.constant 0 : i32
      %dma_start3A_63 = tpu.memref_slice %arg10[%dma_start3A_60, %dma_start3A_61, %dma_start3A_62] : memref<8x128x16xf32, #tpu.memory_space<vmem>> -> memref<1x128x16xf32, #tpu.memory_space<vmem>>
      %dma_start3A_64 = tpu.memref_squeeze %dma_start3A_63 : memref<1x128x16xf32, #tpu.memory_space<vmem>> -> memref<128x16xf32, #tpu.memory_space<vmem>>
      %dma_start3A_65 = arith.constant 0 : i32
      %dma_start3A_66 = tpu.memref_slice %arg8[%add3A_59, %dma_start3A_65] : memref<80x128xi32, #tpu.memory_space<vmem>> -> memref<1x128xi32, #tpu.memory_space<vmem>>
      %dma_start3A_67 = tpu.memref_squeeze %dma_start3A_66 : memref<1x128xi32, #tpu.memory_space<vmem>> -> memref<128xi32, #tpu.memory_space<vmem>>
      %dma_start3A_68 = arith.constant 0 : i32
      %dma_start3A_69 = arith.constant 0 : i32
      %dma_start3A_70 = tpu.memref_slice %arg2[%dma_start3A_68, %dma_start3A_69] : memref<10000x16xf32, #tpu.memory_space<hbm>> -> memref<10000x16xf32, #tpu.memory_space<hbm>>
      tpu.enqueue_indirect_dma source(%dma_start3A_70 : memref<10000x16xf32, #tpu.memory_space<hbm>>) target(%dma_start3A_64 : memref<128x16xf32, #tpu.memory_space<vmem>>) offsets(%dma_start3A_67 : memref<128xi32, #tpu.memory_space<vmem>>) semaphore(%arg12 : memref<!tpu.dma_semaphore, #tpu.memory_space<semaphore_mem>>)
      %mul3A_71 = arith.constant 8 : i32
      %mul3A_72 = arith.muli %scan3A_11, %mul3A_71 : i32
      %add3A_73 = arith.constant 4 : i32
      %add3A_74 = arith.addi %mul3A_72, %add3A_73 : i32
      %dma_start3A_75 = arith.constant 4 : i32
      %dma_start3A_76 = arith.constant 0 : i32
      %dma_start3A_77 = arith.constant 0 : i32
      %dma_start3A_78 = tpu.memref_slice %arg10[%dma_start3A_75, %dma_start3A_76, %dma_start3A_77] : memref<8x128x16xf32, #tpu.memory_space<vmem>> -> memref<1x128x16xf32, #tpu.memory_space<vmem>>
      %dma_start3A_79 = tpu.memref_squeeze %dma_start3A_78 : memref<1x128x16xf32, #tpu.memory_space<vmem>> -> memref<128x16xf32, #tpu.memory_space<vmem>>
      %dma_start3A_80 = arith.constant 0 : i32
      %dma_start3A_81 = tpu.memref_slice %arg8[%add3A_74, %dma_start3A_80] : memref<80x128xi32, #tpu.memory_space<vmem>> -> memref<1x128xi32, #tpu.memory_space<vmem>>
      %dma_start3A_82 = tpu.memref_squeeze %dma_start3A_81 : memref<1x128xi32, #tpu.memory_space<vmem>> -> memref<128xi32, #tpu.memory_space<vmem>>
      %dma_start3A_83 = arith.constant 0 : i32
      %dma_start3A_84 = arith.constant 0 : i32
      %dma_start3A_85 = tpu.memref_slice %arg2[%dma_start3A_83, %dma_start3A_84] : memref<10000x16xf32, #tpu.memory_space<hbm>> -> memref<10000x16xf32, #tpu.memory_space<hbm>>
      tpu.enqueue_indirect_dma source(%dma_start3A_85 : memref<10000x16xf32, #tpu.memory_space<hbm>>) target(%dma_start3A_79 : memref<128x16xf32, #tpu.memory_space<vmem>>) offsets(%dma_start3A_82 : memref<128xi32, #tpu.memory_space<vmem>>) semaphore(%arg12 : memref<!tpu.dma_semaphore, #tpu.memory_space<semaphore_mem>>)
      %mul3A_86 = arith.constant 8 : i32
      %mul3A_87 = arith.muli %scan3A_11, %mul3A_86 : i32
      %add3A_88 = arith.constant 5 : i32
      %add3A_89 = arith.addi %mul3A_87, %add3A_88 : i32
      %dma_start3A_90 = arith.constant 5 : i32
      %dma_start3A_91 = arith.constant 0 : i32
      %dma_start3A_92 = arith.constant 0 : i32
      %dma_start3A_93 = tpu.memref_slice %arg10[%dma_start3A_90, %dma_start3A_91, %dma_start3A_92] : memref<8x128x16xf32, #tpu.memory_space<vmem>> -> memref<1x128x16xf32, #tpu.memory_space<vmem>>
      %dma_start3A_94 = tpu.memref_squeeze %dma_start3A_93 : memref<1x128x16xf32, #tpu.memory_space<vmem>> -> memref<128x16xf32, #tpu.memory_space<vmem>>
      %dma_start3A_95 = arith.constant 0 : i32
      %dma_start3A_96 = tpu.memref_slice %arg8[%add3A_89, %dma_start3A_95] : memref<80x128xi32, #tpu.memory_space<vmem>> -> memref<1x128xi32, #tpu.memory_space<vmem>>
      %dma_start3A_97 = tpu.memref_squeeze %dma_start3A_96 : memref<1x128xi32, #tpu.memory_space<vmem>> -> memref<128xi32, #tpu.memory_space<vmem>>
      %dma_start3A_98 = arith.constant 0 : i32
      %dma_start3A_99 = arith.constant 0 : i32
      %dma_start3A_100 = tpu.memref_slice %arg2[%dma_start3A_98, %dma_start3A_99] : memref<10000x16xf32, #tpu.memory_space<hbm>> -> memref<10000x16xf32, #tpu.memory_space<hbm>>
      tpu.enqueue_indirect_dma source(%dma_start3A_100 : memref<10000x16xf32, #tpu.memory_space<hbm>>) target(%dma_start3A_94 : memref<128x16xf32, #tpu.memory_space<vmem>>) offsets(%dma_start3A_97 : memref<128xi32, #tpu.memory_space<vmem>>) semaphore(%arg12 : memref<!tpu.dma_semaphore, #tpu.memory_space<semaphore_mem>>)
      %mul3A_101 = arith.constant 8 : i32
      %mul3A_102 = arith.muli %scan3A_11, %mul3A_101 : i32
      %add3A_103 = arith.constant 6 : i32
      %add3A_104 = arith.addi %mul3A_102, %add3A_103 : i32
      %dma_start3A_105 = arith.constant 6 : i32
      %dma_start3A_106 = arith.constant 0 : i32
      %dma_start3A_107 = arith.constant 0 : i32
      %dma_start3A_108 = tpu.memref_slice %arg10[%dma_start3A_105, %dma_start3A_106, %dma_start3A_107] : memref<8x128x16xf32, #tpu.memory_space<vmem>> -> memref<1x128x16xf32, #tpu.memory_space<vmem>>
      %dma_start3A_109 = tpu.memref_squeeze %dma_start3A_108 : memref<1x128x16xf32, #tpu.memory_space<vmem>> -> memref<128x16xf32, #tpu.memory_space<vmem>>
      %dma_start3A_110 = arith.constant 0 : i32
      %dma_start3A_111 = tpu.memref_slice %arg8[%add3A_104, %dma_start3A_110] : memref<80x128xi32, #tpu.memory_space<vmem>> -> memref<1x128xi32, #tpu.memory_space<vmem>>
      %dma_start3A_112 = tpu.memref_squeeze %dma_start3A_111 : memref<1x128xi32, #tpu.memory_space<vmem>> -> memref<128xi32, #tpu.memory_space<vmem>>
      %dma_start3A_113 = arith.constant 0 : i32
      %dma_start3A_114 = arith.constant 0 : i32
      %dma_start3A_115 = tpu.memref_slice %arg2[%dma_start3A_113, %dma_start3A_114] : memref<10000x16xf32, #tpu.memory_space<hbm>> -> memref<10000x16xf32, #tpu.memory_space<hbm>>
      tpu.enqueue_indirect_dma source(%dma_start3A_115 : memref<10000x16xf32, #tpu.memory_space<hbm>>) target(%dma_start3A_109 : memref<128x16xf32, #tpu.memory_space<vmem>>) offsets(%dma_start3A_112 : memref<128xi32, #tpu.memory_space<vmem>>) semaphore(%arg12 : memref<!tpu.dma_semaphore, #tpu.memory_space<semaphore_mem>>)
      %mul3A_116 = arith.constant 8 : i32
      %mul3A_117 = arith.muli %scan3A_11, %mul3A_116 : i32
      %add3A_118 = arith.constant 7 : i32
      %add3A_119 = arith.addi %mul3A_117, %add3A_118 : i32
      %dma_start3A_120 = arith.constant 7 : i32
      %dma_start3A_121 = arith.constant 0 : i32
      %dma_start3A_122 = arith.constant 0 : i32
      %dma_start3A_123 = tpu.memref_slice %arg10[%dma_start3A_120, %dma_start3A_121, %dma_start3A_122] : memref<8x128x16xf32, #tpu.memory_space<vmem>> -> memref<1x128x16xf32, #tpu.memory_space<vmem>>
      %dma_start3A_124 = tpu.memref_squeeze %dma_start3A_123 : memref<1x128x16xf32, #tpu.memory_space<vmem>> -> memref<128x16xf32, #tpu.memory_space<vmem>>
      %dma_start3A_125 = arith.constant 0 : i32
      %dma_start3A_126 = tpu.memref_slice %arg8[%add3A_119, %dma_start3A_125] : memref<80x128xi32, #tpu.memory_space<vmem>> -> memref<1x128xi32, #tpu.memory_space<vmem>>
      %dma_start3A_127 = tpu.memref_squeeze %dma_start3A_126 : memref<1x128xi32, #tpu.memory_space<vmem>> -> memref<128xi32, #tpu.memory_space<vmem>>
      %dma_start3A_128 = arith.constant 0 : i32
      %dma_start3A_129 = arith.constant 0 : i32
      %dma_start3A_130 = tpu.memref_slice %arg2[%dma_start3A_128, %dma_start3A_129] : memref<10000x16xf32, #tpu.memory_space<hbm>> -> memref<10000x16xf32, #tpu.memory_space<hbm>>
      tpu.enqueue_indirect_dma source(%dma_start3A_130 : memref<10000x16xf32, #tpu.memory_space<hbm>>) target(%dma_start3A_124 : memref<128x16xf32, #tpu.memory_space<vmem>>) offsets(%dma_start3A_127 : memref<128xi32, #tpu.memory_space<vmem>>) semaphore(%arg12 : memref<!tpu.dma_semaphore, #tpu.memory_space<semaphore_mem>>)
      %dma_wait3A = arith.constant 0 : i32
      %dma_wait3A_131 = arith.constant 0 : i32
      %dma_wait3A_132 = arith.constant 0 : i32
      %dma_wait3A_133 = tpu.memref_slice %arg10[%dma_wait3A, %dma_wait3A_131, %dma_wait3A_132] : memref<8x128x16xf32, #tpu.memory_space<vmem>> -> memref<1x128x16xf32, #tpu.memory_space<vmem>>
      %dma_wait3A_134 = tpu.memref_squeeze %dma_wait3A_133 : memref<1x128x16xf32, #tpu.memory_space<vmem>> -> memref<128x16xf32, #tpu.memory_space<vmem>>
      %dma_wait3A_135 = arith.constant 0 : i32
      %dma_wait3A_136 = tpu.memref_slice %arg8[%add3A_15, %dma_wait3A_135] : memref<80x128xi32, #tpu.memory_space<vmem>> -> memref<1x128xi32, #tpu.memory_space<vmem>>
      %dma_wait3A_137 = tpu.memref_squeeze %dma_wait3A_136 : memref<1x128xi32, #tpu.memory_space<vmem>> -> memref<128xi32, #tpu.memory_space<vmem>>
      %dma_wait3A_138 = arith.constant 0 : i32
      %dma_wait3A_139 = arith.constant 0 : i32
      %dma_wait3A_140 = tpu.memref_slice %arg2[%dma_wait3A_138, %dma_wait3A_139] : memref<10000x16xf32, #tpu.memory_space<hbm>> -> memref<10000x16xf32, #tpu.memory_space<hbm>>
      tpu.wait_indirect_dma semaphore(%arg12 : memref<!tpu.dma_semaphore, #tpu.memory_space<semaphore_mem>>) src(%dma_wait3A_140 : memref<10000x16xf32, #tpu.memory_space<hbm>>) dst(%dma_wait3A_134 : memref<128x16xf32, #tpu.memory_space<vmem>>)
      %mul3A_141 = arith.constant 8 : i32
      %mul3A_142 = arith.muli %scan3A_11, %mul3A_141 : i32
      %add3A_143 = arith.constant 0 : i32
      %add3A_144 = arith.addi %mul3A_142, %add3A_143 : i32
      %dma_start3A_145 = arith.constant 0 : i32
      %dma_start3A_146 = arith.constant 0 : i32
      %dma_start3A_147 = arith.constant 0 : i32
      %dma_start3A_148 = tpu.memref_slice %arg10[%dma_start3A_145, %dma_start3A_146, %dma_start3A_147] : memref<8x128x16xf32, #tpu.memory_space<vmem>> -> memref<1x128x16xf32, #tpu.memory_space<vmem>>
      %dma_start3A_149 = tpu.memref_squeeze %dma_start3A_148 : memref<1x128x16xf32, #tpu.memory_space<vmem>> -> memref<128x16xf32, #tpu.memory_space<vmem>>
      %dma_start3A_150 = arith.constant 0 : i32
      %dma_start3A_151 = tpu.memref_slice %arg9[%add3A_144, %dma_start3A_150] : memref<80x128xi32, #tpu.memory_space<vmem>> -> memref<1x128xi32, #tpu.memory_space<vmem>>
      %dma_start3A_152 = tpu.memref_squeeze %dma_start3A_151 : memref<1x128xi32, #tpu.memory_space<vmem>> -> memref<128xi32, #tpu.memory_space<vmem>>
      %dma_start3A_153 = arith.constant 0 : i32
      %dma_start3A_154 = arith.constant 0 : i32
      %dma_start3A_155 = tpu.memref_slice %arg7[%dma_start3A_153, %dma_start3A_154] : memref<10240x16xf32, #tpu.memory_space<vmem_shared>> -> memref<10240x16xf32, #tpu.memory_space<vmem_shared>>
      tpu.enqueue_indirect_dma source(%dma_start3A_149 : memref<128x16xf32, #tpu.memory_space<vmem>>) target(%dma_start3A_155 : memref<10240x16xf32, #tpu.memory_space<vmem_shared>>) offsets(%dma_start3A_152 : memref<128xi32, #tpu.memory_space<vmem>>) semaphore(%arg13 : memref<!tpu.dma_semaphore, #tpu.memory_space<semaphore_mem>>) {add = true}
      %dma_wait3A_156 = arith.constant 1 : i32
      %dma_wait3A_157 = arith.constant 0 : i32
      %dma_wait3A_158 = arith.constant 0 : i32
      %dma_wait3A_159 = tpu.memref_slice %arg10[%dma_wait3A_156, %dma_wait3A_157, %dma_wait3A_158] : memref<8x128x16xf32, #tpu.memory_space<vmem>> -> memref<1x128x16xf32, #tpu.memory_space<vmem>>
      %dma_wait3A_160 = tpu.memref_squeeze %dma_wait3A_159 : memref<1x128x16xf32, #tpu.memory_space<vmem>> -> memref<128x16xf32, #tpu.memory_space<vmem>>
      %dma_wait3A_161 = arith.constant 0 : i32
      %dma_wait3A_162 = tpu.memref_slice %arg8[%add3A_29, %dma_wait3A_161] : memref<80x128xi32, #tpu.memory_space<vmem>> -> memref<1x128xi32, #tpu.memory_space<vmem>>
      %dma_wait3A_163 = tpu.memref_squeeze %dma_wait3A_162 : memref<1x128xi32, #tpu.memory_space<vmem>> -> memref<128xi32, #tpu.memory_space<vmem>>
      %dma_wait3A_164 = arith.constant 0 : i32
      %dma_wait3A_165 = arith.constant 0 : i32
      %dma_wait3A_166 = tpu.memref_slice %arg2[%dma_wait3A_164, %dma_wait3A_165] : memref<10000x16xf32, #tpu.memory_space<hbm>> -> memref<10000x16xf32, #tpu.memory_space<hbm>>
      tpu.wait_indirect_dma semaphore(%arg12 : memref<!tpu.dma_semaphore, #tpu.memory_space<semaphore_mem>>) src(%dma_wait3A_166 : memref<10000x16xf32, #tpu.memory_space<hbm>>) dst(%dma_wait3A_160 : memref<128x16xf32, #tpu.memory_space<vmem>>)
      %mul3A_167 = arith.constant 8 : i32
      %mul3A_168 = arith.muli %scan3A_11, %mul3A_167 : i32
      %add3A_169 = arith.constant 1 : i32
      %add3A_170 = arith.addi %mul3A_168, %add3A_169 : i32
      %dma_start3A_171 = arith.constant 1 : i32
      %dma_start3A_172 = arith.constant 0 : i32
      %dma_start3A_173 = arith.constant 0 : i32
      %dma_start3A_174 = tpu.memref_slice %arg10[%dma_start3A_171, %dma_start3A_172, %dma_start3A_173] : memref<8x128x16xf32, #tpu.memory_space<vmem>> -> memref<1x128x16xf32, #tpu.memory_space<vmem>>
      %dma_start3A_175 = tpu.memref_squeeze %dma_start3A_174 : memref<1x128x16xf32, #tpu.memory_space<vmem>> -> memref<128x16xf32, #tpu.memory_space<vmem>>
      %dma_start3A_176 = arith.constant 0 : i32
      %dma_start3A_177 = tpu.memref_slice %arg9[%add3A_170, %dma_start3A_176] : memref<80x128xi32, #tpu.memory_space<vmem>> -> memref<1x128xi32, #tpu.memory_space<vmem>>
      %dma_start3A_178 = tpu.memref_squeeze %dma_start3A_177 : memref<1x128xi32, #tpu.memory_space<vmem>> -> memref<128xi32, #tpu.memory_space<vmem>>
      %dma_start3A_179 = arith.constant 0 : i32
      %dma_start3A_180 = arith.constant 0 : i32
      %dma_start3A_181 = tpu.memref_slice %arg7[%dma_start3A_179, %dma_start3A_180] : memref<10240x16xf32, #tpu.memory_space<vmem_shared>> -> memref<10240x16xf32, #tpu.memory_space<vmem_shared>>
      tpu.enqueue_indirect_dma source(%dma_start3A_175 : memref<128x16xf32, #tpu.memory_space<vmem>>) target(%dma_start3A_181 : memref<10240x16xf32, #tpu.memory_space<vmem_shared>>) offsets(%dma_start3A_178 : memref<128xi32, #tpu.memory_space<vmem>>) semaphore(%arg13 : memref<!tpu.dma_semaphore, #tpu.memory_space<semaphore_mem>>) {add = true}
      %dma_wait3A_182 = arith.constant 2 : i32
      %dma_wait3A_183 = arith.constant 0 : i32
      %dma_wait3A_184 = arith.constant 0 : i32
      %dma_wait3A_185 = tpu.memref_slice %arg10[%dma_wait3A_182, %dma_wait3A_183, %dma_wait3A_184] : memref<8x128x16xf32, #tpu.memory_space<vmem>> -> memref<1x128x16xf32, #tpu.memory_space<vmem>>
      %dma_wait3A_186 = tpu.memref_squeeze %dma_wait3A_185 : memref<1x128x16xf32, #tpu.memory_space<vmem>> -> memref<128x16xf32, #tpu.memory_space<vmem>>
      %dma_wait3A_187 = arith.constant 0 : i32
      %dma_wait3A_188 = tpu.memref_slice %arg8[%add3A_44, %dma_wait3A_187] : memref<80x128xi32, #tpu.memory_space<vmem>> -> memref<1x128xi32, #tpu.memory_space<vmem>>
      %dma_wait3A_189 = tpu.memref_squeeze %dma_wait3A_188 : memref<1x128xi32, #tpu.memory_space<vmem>> -> memref<128xi32, #tpu.memory_space<vmem>>
      %dma_wait3A_190 = arith.constant 0 : i32
      %dma_wait3A_191 = arith.constant 0 : i32
      %dma_wait3A_192 = tpu.memref_slice %arg2[%dma_wait3A_190, %dma_wait3A_191] : memref<10000x16xf32, #tpu.memory_space<hbm>> -> memref<10000x16xf32, #tpu.memory_space<hbm>>
      tpu.wait_indirect_dma semaphore(%arg12 : memref<!tpu.dma_semaphore, #tpu.memory_space<semaphore_mem>>) src(%dma_wait3A_192 : memref<10000x16xf32, #tpu.memory_space<hbm>>) dst(%dma_wait3A_186 : memref<128x16xf32, #tpu.memory_space<vmem>>)
      %mul3A_193 = arith.constant 8 : i32
      %mul3A_194 = arith.muli %scan3A_11, %mul3A_193 : i32
      %add3A_195 = arith.constant 2 : i32
      %add3A_196 = arith.addi %mul3A_194, %add3A_195 : i32
      %dma_start3A_197 = arith.constant 2 : i32
      %dma_start3A_198 = arith.constant 0 : i32
      %dma_start3A_199 = arith.constant 0 : i32
      %dma_start3A_200 = tpu.memref_slice %arg10[%dma_start3A_197, %dma_start3A_198, %dma_start3A_199] : memref<8x128x16xf32, #tpu.memory_space<vmem>> -> memref<1x128x16xf32, #tpu.memory_space<vmem>>
      %dma_start3A_201 = tpu.memref_squeeze %dma_start3A_200 : memref<1x128x16xf32, #tpu.memory_space<vmem>> -> memref<128x16xf32, #tpu.memory_space<vmem>>
      %dma_start3A_202 = arith.constant 0 : i32
      %dma_start3A_203 = tpu.memref_slice %arg9[%add3A_196, %dma_start3A_202] : memref<80x128xi32, #tpu.memory_space<vmem>> -> memref<1x128xi32, #tpu.memory_space<vmem>>
      %dma_start3A_204 = tpu.memref_squeeze %dma_start3A_203 : memref<1x128xi32, #tpu.memory_space<vmem>> -> memref<128xi32, #tpu.memory_space<vmem>>
      %dma_start3A_205 = arith.constant 0 : i32
      %dma_start3A_206 = arith.constant 0 : i32
      %dma_start3A_207 = tpu.memref_slice %arg7[%dma_start3A_205, %dma_start3A_206] : memref<10240x16xf32, #tpu.memory_space<vmem_shared>> -> memref<10240x16xf32, #tpu.memory_space<vmem_shared>>
      tpu.enqueue_indirect_dma source(%dma_start3A_201 : memref<128x16xf32, #tpu.memory_space<vmem>>) target(%dma_start3A_207 : memref<10240x16xf32, #tpu.memory_space<vmem_shared>>) offsets(%dma_start3A_204 : memref<128xi32, #tpu.memory_space<vmem>>) semaphore(%arg13 : memref<!tpu.dma_semaphore, #tpu.memory_space<semaphore_mem>>) {add = true}
      %dma_wait3A_208 = arith.constant 3 : i32
      %dma_wait3A_209 = arith.constant 0 : i32
      %dma_wait3A_210 = arith.constant 0 : i32
      %dma_wait3A_211 = tpu.memref_slice %arg10[%dma_wait3A_208, %dma_wait3A_209, %dma_wait3A_210] : memref<8x128x16xf32, #tpu.memory_space<vmem>> -> memref<1x128x16xf32, #tpu.memory_space<vmem>>
      %dma_wait3A_212 = tpu.memref_squeeze %dma_wait3A_211 : memref<1x128x16xf32, #tpu.memory_space<vmem>> -> memref<128x16xf32, #tpu.memory_space<vmem>>
      %dma_wait3A_213 = arith.constant 0 : i32
      %dma_wait3A_214 = tpu.memref_slice %arg8[%add3A_59, %dma_wait3A_213] : memref<80x128xi32, #tpu.memory_space<vmem>> -> memref<1x128xi32, #tpu.memory_space<vmem>>
      %dma_wait3A_215 = tpu.memref_squeeze %dma_wait3A_214 : memref<1x128xi32, #tpu.memory_space<vmem>> -> memref<128xi32, #tpu.memory_space<vmem>>
      %dma_wait3A_216 = arith.constant 0 : i32
      %dma_wait3A_217 = arith.constant 0 : i32
      %dma_wait3A_218 = tpu.memref_slice %arg2[%dma_wait3A_216, %dma_wait3A_217] : memref<10000x16xf32, #tpu.memory_space<hbm>> -> memref<10000x16xf32, #tpu.memory_space<hbm>>
      tpu.wait_indirect_dma semaphore(%arg12 : memref<!tpu.dma_semaphore, #tpu.memory_space<semaphore_mem>>) src(%dma_wait3A_218 : memref<10000x16xf32, #tpu.memory_space<hbm>>) dst(%dma_wait3A_212 : memref<128x16xf32, #tpu.memory_space<vmem>>)
      %mul3A_219 = arith.constant 8 : i32
      %mul3A_220 = arith.muli %scan3A_11, %mul3A_219 : i32
      %add3A_221 = arith.constant 3 : i32
      %add3A_222 = arith.addi %mul3A_220, %add3A_221 : i32
      %dma_start3A_223 = arith.constant 3 : i32
      %dma_start3A_224 = arith.constant 0 : i32
      %dma_start3A_225 = arith.constant 0 : i32
      %dma_start3A_226 = tpu.memref_slice %arg10[%dma_start3A_223, %dma_start3A_224, %dma_start3A_225] : memref<8x128x16xf32, #tpu.memory_space<vmem>> -> memref<1x128x16xf32, #tpu.memory_space<vmem>>
      %dma_start3A_227 = tpu.memref_squeeze %dma_start3A_226 : memref<1x128x16xf32, #tpu.memory_space<vmem>> -> memref<128x16xf32, #tpu.memory_space<vmem>>
      %dma_start3A_228 = arith.constant 0 : i32
      %dma_start3A_229 = tpu.memref_slice %arg9[%add3A_222, %dma_start3A_228] : memref<80x128xi32, #tpu.memory_space<vmem>> -> memref<1x128xi32, #tpu.memory_space<vmem>>
      %dma_start3A_230 = tpu.memref_squeeze %dma_start3A_229 : memref<1x128xi32, #tpu.memory_space<vmem>> -> memref<128xi32, #tpu.memory_space<vmem>>
      %dma_start3A_231 = arith.constant 0 : i32
      %dma_start3A_232 = arith.constant 0 : i32
      %dma_start3A_233 = tpu.memref_slice %arg7[%dma_start3A_231, %dma_start3A_232] : memref<10240x16xf32, #tpu.memory_space<vmem_shared>> -> memref<10240x16xf32, #tpu.memory_space<vmem_shared>>
      tpu.enqueue_indirect_dma source(%dma_start3A_227 : memref<128x16xf32, #tpu.memory_space<vmem>>) target(%dma_start3A_233 : memref<10240x16xf32, #tpu.memory_space<vmem_shared>>) offsets(%dma_start3A_230 : memref<128xi32, #tpu.memory_space<vmem>>) semaphore(%arg13 : memref<!tpu.dma_semaphore, #tpu.memory_space<semaphore_mem>>) {add = true}
      %dma_wait3A_234 = arith.constant 4 : i32
      %dma_wait3A_235 = arith.constant 0 : i32
      %dma_wait3A_236 = arith.constant 0 : i32
      %dma_wait3A_237 = tpu.memref_slice %arg10[%dma_wait3A_234, %dma_wait3A_235, %dma_wait3A_236] : memref<8x128x16xf32, #tpu.memory_space<vmem>> -> memref<1x128x16xf32, #tpu.memory_space<vmem>>
      %dma_wait3A_238 = tpu.memref_squeeze %dma_wait3A_237 : memref<1x128x16xf32, #tpu.memory_space<vmem>> -> memref<128x16xf32, #tpu.memory_space<vmem>>
      %dma_wait3A_239 = arith.constant 0 : i32
      %dma_wait3A_240 = tpu.memref_slice %arg8[%add3A_74, %dma_wait3A_239] : memref<80x128xi32, #tpu.memory_space<vmem>> -> memref<1x128xi32, #tpu.memory_space<vmem>>
      %dma_wait3A_241 = tpu.memref_squeeze %dma_wait3A_240 : memref<1x128xi32, #tpu.memory_space<vmem>> -> memref<128xi32, #tpu.memory_space<vmem>>
      %dma_wait3A_242 = arith.constant 0 : i32
      %dma_wait3A_243 = arith.constant 0 : i32
      %dma_wait3A_244 = tpu.memref_slice %arg2[%dma_wait3A_242, %dma_wait3A_243] : memref<10000x16xf32, #tpu.memory_space<hbm>> -> memref<10000x16xf32, #tpu.memory_space<hbm>>
      tpu.wait_indirect_dma semaphore(%arg12 : memref<!tpu.dma_semaphore, #tpu.memory_space<semaphore_mem>>) src(%dma_wait3A_244 : memref<10000x16xf32, #tpu.memory_space<hbm>>) dst(%dma_wait3A_238 : memref<128x16xf32, #tpu.memory_space<vmem>>)
      %mul3A_245 = arith.constant 8 : i32
      %mul3A_246 = arith.muli %scan3A_11, %mul3A_245 : i32
      %add3A_247 = arith.constant 4 : i32
      %add3A_248 = arith.addi %mul3A_246, %add3A_247 : i32
      %dma_start3A_249 = arith.constant 4 : i32
      %dma_start3A_250 = arith.constant 0 : i32
      %dma_start3A_251 = arith.constant 0 : i32
      %dma_start3A_252 = tpu.memref_slice %arg10[%dma_start3A_249, %dma_start3A_250, %dma_start3A_251] : memref<8x128x16xf32, #tpu.memory_space<vmem>> -> memref<1x128x16xf32, #tpu.memory_space<vmem>>
      %dma_start3A_253 = tpu.memref_squeeze %dma_start3A_252 : memref<1x128x16xf32, #tpu.memory_space<vmem>> -> memref<128x16xf32, #tpu.memory_space<vmem>>
      %dma_start3A_254 = arith.constant 0 : i32
      %dma_start3A_255 = tpu.memref_slice %arg9[%add3A_248, %dma_start3A_254] : memref<80x128xi32, #tpu.memory_space<vmem>> -> memref<1x128xi32, #tpu.memory_space<vmem>>
      %dma_start3A_256 = tpu.memref_squeeze %dma_start3A_255 : memref<1x128xi32, #tpu.memory_space<vmem>> -> memref<128xi32, #tpu.memory_space<vmem>>
      %dma_start3A_257 = arith.constant 0 : i32
      %dma_start3A_258 = arith.constant 0 : i32
      %dma_start3A_259 = tpu.memref_slice %arg7[%dma_start3A_257, %dma_start3A_258] : memref<10240x16xf32, #tpu.memory_space<vmem_shared>> -> memref<10240x16xf32, #tpu.memory_space<vmem_shared>>
      tpu.enqueue_indirect_dma source(%dma_start3A_253 : memref<128x16xf32, #tpu.memory_space<vmem>>) target(%dma_start3A_259 : memref<10240x16xf32, #tpu.memory_space<vmem_shared>>) offsets(%dma_start3A_256 : memref<128xi32, #tpu.memory_space<vmem>>) semaphore(%arg13 : memref<!tpu.dma_semaphore, #tpu.memory_space<semaphore_mem>>) {add = true}
      %dma_wait3A_260 = arith.constant 5 : i32
      %dma_wait3A_261 = arith.constant 0 : i32
      %dma_wait3A_262 = arith.constant 0 : i32
      %dma_wait3A_263 = tpu.memref_slice %arg10[%dma_wait3A_260, %dma_wait3A_261, %dma_wait3A_262] : memref<8x128x16xf32, #tpu.memory_space<vmem>> -> memref<1x128x16xf32, #tpu.memory_space<vmem>>
      %dma_wait3A_264 = tpu.memref_squeeze %dma_wait3A_263 : memref<1x128x16xf32, #tpu.memory_space<vmem>> -> memref<128x16xf32, #tpu.memory_space<vmem>>
      %dma_wait3A_265 = arith.constant 0 : i32
      %dma_wait3A_266 = tpu.memref_slice %arg8[%add3A_89, %dma_wait3A_265] : memref<80x128xi32, #tpu.memory_space<vmem>> -> memref<1x128xi32, #tpu.memory_space<vmem>>
      %dma_wait3A_267 = tpu.memref_squeeze %dma_wait3A_266 : memref<1x128xi32, #tpu.memory_space<vmem>> -> memref<128xi32, #tpu.memory_space<vmem>>
      %dma_wait3A_268 = arith.constant 0 : i32
      %dma_wait3A_269 = arith.constant 0 : i32
      %dma_wait3A_270 = tpu.memref_slice %arg2[%dma_wait3A_268, %dma_wait3A_269] : memref<10000x16xf32, #tpu.memory_space<hbm>> -> memref<10000x16xf32, #tpu.memory_space<hbm>>
      tpu.wait_indirect_dma semaphore(%arg12 : memref<!tpu.dma_semaphore, #tpu.memory_space<semaphore_mem>>) src(%dma_wait3A_270 : memref<10000x16xf32, #tpu.memory_space<hbm>>) dst(%dma_wait3A_264 : memref<128x16xf32, #tpu.memory_space<vmem>>)
      %mul3A_271 = arith.constant 8 : i32
      %mul3A_272 = arith.muli %scan3A_11, %mul3A_271 : i32
      %add3A_273 = arith.constant 5 : i32
      %add3A_274 = arith.addi %mul3A_272, %add3A_273 : i32
      %dma_start3A_275 = arith.constant 5 : i32
      %dma_start3A_276 = arith.constant 0 : i32
      %dma_start3A_277 = arith.constant 0 : i32
      %dma_start3A_278 = tpu.memref_slice %arg10[%dma_start3A_275, %dma_start3A_276, %dma_start3A_277] : memref<8x128x16xf32, #tpu.memory_space<vmem>> -> memref<1x128x16xf32, #tpu.memory_space<vmem>>
      %dma_start3A_279 = tpu.memref_squeeze %dma_start3A_278 : memref<1x128x16xf32, #tpu.memory_space<vmem>> -> memref<128x16xf32, #tpu.memory_space<vmem>>
      %dma_start3A_280 = arith.constant 0 : i32
      %dma_start3A_281 = tpu.memref_slice %arg9[%add3A_274, %dma_start3A_280] : memref<80x128xi32, #tpu.memory_space<vmem>> -> memref<1x128xi32, #tpu.memory_space<vmem>>
      %dma_start3A_282 = tpu.memref_squeeze %dma_start3A_281 : memref<1x128xi32, #tpu.memory_space<vmem>> -> memref<128xi32, #tpu.memory_space<vmem>>
      %dma_start3A_283 = arith.constant 0 : i32
      %dma_start3A_284 = arith.constant 0 : i32
      %dma_start3A_285 = tpu.memref_slice %arg7[%dma_start3A_283, %dma_start3A_284] : memref<10240x16xf32, #tpu.memory_space<vmem_shared>> -> memref<10240x16xf32, #tpu.memory_space<vmem_shared>>
      tpu.enqueue_indirect_dma source(%dma_start3A_279 : memref<128x16xf32, #tpu.memory_space<vmem>>) target(%dma_start3A_285 : memref<10240x16xf32, #tpu.memory_space<vmem_shared>>) offsets(%dma_start3A_282 : memref<128xi32, #tpu.memory_space<vmem>>) semaphore(%arg13 : memref<!tpu.dma_semaphore, #tpu.memory_space<semaphore_mem>>) {add = true}
      %dma_wait3A_286 = arith.constant 6 : i32
      %dma_wait3A_287 = arith.constant 0 : i32
      %dma_wait3A_288 = arith.constant 0 : i32
      %dma_wait3A_289 = tpu.memref_slice %arg10[%dma_wait3A_286, %dma_wait3A_287, %dma_wait3A_288] : memref<8x128x16xf32, #tpu.memory_space<vmem>> -> memref<1x128x16xf32, #tpu.memory_space<vmem>>
      %dma_wait3A_290 = tpu.memref_squeeze %dma_wait3A_289 : memref<1x128x16xf32, #tpu.memory_space<vmem>> -> memref<128x16xf32, #tpu.memory_space<vmem>>
      %dma_wait3A_291 = arith.constant 0 : i32
      %dma_wait3A_292 = tpu.memref_slice %arg8[%add3A_104, %dma_wait3A_291] : memref<80x128xi32, #tpu.memory_space<vmem>> -> memref<1x128xi32, #tpu.memory_space<vmem>>
      %dma_wait3A_293 = tpu.memref_squeeze %dma_wait3A_292 : memref<1x128xi32, #tpu.memory_space<vmem>> -> memref<128xi32, #tpu.memory_space<vmem>>
      %dma_wait3A_294 = arith.constant 0 : i32
      %dma_wait3A_295 = arith.constant 0 : i32
      %dma_wait3A_296 = tpu.memref_slice %arg2[%dma_wait3A_294, %dma_wait3A_295] : memref<10000x16xf32, #tpu.memory_space<hbm>> -> memref<10000x16xf32, #tpu.memory_space<hbm>>
      tpu.wait_indirect_dma semaphore(%arg12 : memref<!tpu.dma_semaphore, #tpu.memory_space<semaphore_mem>>) src(%dma_wait3A_296 : memref<10000x16xf32, #tpu.memory_space<hbm>>) dst(%dma_wait3A_290 : memref<128x16xf32, #tpu.memory_space<vmem>>)
      %mul3A_297 = arith.constant 8 : i32
      %mul3A_298 = arith.muli %scan3A_11, %mul3A_297 : i32
      %add3A_299 = arith.constant 6 : i32
      %add3A_300 = arith.addi %mul3A_298, %add3A_299 : i32
      %dma_start3A_301 = arith.constant 6 : i32
      %dma_start3A_302 = arith.constant 0 : i32
      %dma_start3A_303 = arith.constant 0 : i32
      %dma_start3A_304 = tpu.memref_slice %arg10[%dma_start3A_301, %dma_start3A_302, %dma_start3A_303] : memref<8x128x16xf32, #tpu.memory_space<vmem>> -> memref<1x128x16xf32, #tpu.memory_space<vmem>>
      %dma_start3A_305 = tpu.memref_squeeze %dma_start3A_304 : memref<1x128x16xf32, #tpu.memory_space<vmem>> -> memref<128x16xf32, #tpu.memory_space<vmem>>
      %dma_start3A_306 = arith.constant 0 : i32
      %dma_start3A_307 = tpu.memref_slice %arg9[%add3A_300, %dma_start3A_306] : memref<80x128xi32, #tpu.memory_space<vmem>> -> memref<1x128xi32, #tpu.memory_space<vmem>>
      %dma_start3A_308 = tpu.memref_squeeze %dma_start3A_307 : memref<1x128xi32, #tpu.memory_space<vmem>> -> memref<128xi32, #tpu.memory_space<vmem>>
      %dma_start3A_309 = arith.constant 0 : i32
      %dma_start3A_310 = arith.constant 0 : i32
      %dma_start3A_311 = tpu.memref_slice %arg7[%dma_start3A_309, %dma_start3A_310] : memref<10240x16xf32, #tpu.memory_space<vmem_shared>> -> memref<10240x16xf32, #tpu.memory_space<vmem_shared>>
      tpu.enqueue_indirect_dma source(%dma_start3A_305 : memref<128x16xf32, #tpu.memory_space<vmem>>) target(%dma_start3A_311 : memref<10240x16xf32, #tpu.memory_space<vmem_shared>>) offsets(%dma_start3A_308 : memref<128xi32, #tpu.memory_space<vmem>>) semaphore(%arg13 : memref<!tpu.dma_semaphore, #tpu.memory_space<semaphore_mem>>) {add = true}
      %dma_wait3A_312 = arith.constant 7 : i32
      %dma_wait3A_313 = arith.constant 0 : i32
      %dma_wait3A_314 = arith.constant 0 : i32
      %dma_wait3A_315 = tpu.memref_slice %arg10[%dma_wait3A_312, %dma_wait3A_313, %dma_wait3A_314] : memref<8x128x16xf32, #tpu.memory_space<vmem>> -> memref<1x128x16xf32, #tpu.memory_space<vmem>>
      %dma_wait3A_316 = tpu.memref_squeeze %dma_wait3A_315 : memref<1x128x16xf32, #tpu.memory_space<vmem>> -> memref<128x16xf32, #tpu.memory_space<vmem>>
      %dma_wait3A_317 = arith.constant 0 : i32
      %dma_wait3A_318 = tpu.memref_slice %arg8[%add3A_119, %dma_wait3A_317] : memref<80x128xi32, #tpu.memory_space<vmem>> -> memref<1x128xi32, #tpu.memory_space<vmem>>
      %dma_wait3A_319 = tpu.memref_squeeze %dma_wait3A_318 : memref<1x128xi32, #tpu.memory_space<vmem>> -> memref<128xi32, #tpu.memory_space<vmem>>
      %dma_wait3A_320 = arith.constant 0 : i32
      %dma_wait3A_321 = arith.constant 0 : i32
      %dma_wait3A_322 = tpu.memref_slice %arg2[%dma_wait3A_320, %dma_wait3A_321] : memref<10000x16xf32, #tpu.memory_space<hbm>> -> memref<10000x16xf32, #tpu.memory_space<hbm>>
      tpu.wait_indirect_dma semaphore(%arg12 : memref<!tpu.dma_semaphore, #tpu.memory_space<semaphore_mem>>) src(%dma_wait3A_322 : memref<10000x16xf32, #tpu.memory_space<hbm>>) dst(%dma_wait3A_316 : memref<128x16xf32, #tpu.memory_space<vmem>>)
      %mul3A_323 = arith.constant 8 : i32
      %mul3A_324 = arith.muli %scan3A_11, %mul3A_323 : i32
      %add3A_325 = arith.constant 7 : i32
      %add3A_326 = arith.addi %mul3A_324, %add3A_325 : i32
      %dma_start3A_327 = arith.constant 7 : i32
      %dma_start3A_328 = arith.constant 0 : i32
      %dma_start3A_329 = arith.constant 0 : i32
      %dma_start3A_330 = tpu.memref_slice %arg10[%dma_start3A_327, %dma_start3A_328, %dma_start3A_329] : memref<8x128x16xf32, #tpu.memory_space<vmem>> -> memref<1x128x16xf32, #tpu.memory_space<vmem>>
      %dma_start3A_331 = tpu.memref_squeeze %dma_start3A_330 : memref<1x128x16xf32, #tpu.memory_space<vmem>> -> memref<128x16xf32, #tpu.memory_space<vmem>>
      %dma_start3A_332 = arith.constant 0 : i32
      %dma_start3A_333 = tpu.memref_slice %arg9[%add3A_326, %dma_start3A_332] : memref<80x128xi32, #tpu.memory_space<vmem>> -> memref<1x128xi32, #tpu.memory_space<vmem>>
      %dma_start3A_334 = tpu.memref_squeeze %dma_start3A_333 : memref<1x128xi32, #tpu.memory_space<vmem>> -> memref<128xi32, #tpu.memory_space<vmem>>
      %dma_start3A_335 = arith.constant 0 : i32
      %dma_start3A_336 = arith.constant 0 : i32
      %dma_start3A_337 = tpu.memref_slice %arg7[%dma_start3A_335, %dma_start3A_336] : memref<10240x16xf32, #tpu.memory_space<vmem_shared>> -> memref<10240x16xf32, #tpu.memory_space<vmem_shared>>
      tpu.enqueue_indirect_dma source(%dma_start3A_331 : memref<128x16xf32, #tpu.memory_space<vmem>>) target(%dma_start3A_337 : memref<10240x16xf32, #tpu.memory_space<vmem_shared>>) offsets(%dma_start3A_334 : memref<128xi32, #tpu.memory_space<vmem>>) semaphore(%arg13 : memref<!tpu.dma_semaphore, #tpu.memory_space<semaphore_mem>>) {add = true}
      %dma_wait3A_338 = arith.constant 0 : i32
      %dma_wait3A_339 = arith.constant 0 : i32
      %dma_wait3A_340 = arith.constant 0 : i32
      %dma_wait3A_341 = tpu.memref_slice %arg10[%dma_wait3A_338, %dma_wait3A_339, %dma_wait3A_340] : memref<8x128x16xf32, #tpu.memory_space<vmem>> -> memref<1x128x16xf32, #tpu.memory_space<vmem>>
      %dma_wait3A_342 = tpu.memref_squeeze %dma_wait3A_341 : memref<1x128x16xf32, #tpu.memory_space<vmem>> -> memref<128x16xf32, #tpu.memory_space<vmem>>
      %dma_wait3A_343 = arith.constant 0 : i32
      %dma_wait3A_344 = tpu.memref_slice %arg9[%add3A_144, %dma_wait3A_343] : memref<80x128xi32, #tpu.memory_space<vmem>> -> memref<1x128xi32, #tpu.memory_space<vmem>>
      %dma_wait3A_345 = tpu.memref_squeeze %dma_wait3A_344 : memref<1x128xi32, #tpu.memory_space<vmem>> -> memref<128xi32, #tpu.memory_space<vmem>>
      %dma_wait3A_346 = arith.constant 0 : i32
      %dma_wait3A_347 = arith.constant 0 : i32
      %dma_wait3A_348 = tpu.memref_slice %arg7[%dma_wait3A_346, %dma_wait3A_347] : memref<10240x16xf32, #tpu.memory_space<vmem_shared>> -> memref<10240x16xf32, #tpu.memory_space<vmem_shared>>
      tpu.wait_indirect_dma semaphore(%arg13 : memref<!tpu.dma_semaphore, #tpu.memory_space<semaphore_mem>>) src(%dma_wait3A_342 : memref<128x16xf32, #tpu.memory_space<vmem>>) dst(%dma_wait3A_348 : memref<10240x16xf32, #tpu.memory_space<vmem_shared>>)
      %dma_wait3A_349 = arith.constant 1 : i32
      %dma_wait3A_350 = arith.constant 0 : i32
      %dma_wait3A_351 = arith.constant 0 : i32
      %dma_wait3A_352 = tpu.memref_slice %arg10[%dma_wait3A_349, %dma_wait3A_350, %dma_wait3A_351] : memref<8x128x16xf32, #tpu.memory_space<vmem>> -> memref<1x128x16xf32, #tpu.memory_space<vmem>>
      %dma_wait3A_353 = tpu.memref_squeeze %dma_wait3A_352 : memref<1x128x16xf32, #tpu.memory_space<vmem>> -> memref<128x16xf32, #tpu.memory_space<vmem>>
      %dma_wait3A_354 = arith.constant 0 : i32
      %dma_wait3A_355 = tpu.memref_slice %arg9[%add3A_170, %dma_wait3A_354] : memref<80x128xi32, #tpu.memory_space<vmem>> -> memref<1x128xi32, #tpu.memory_space<vmem>>
      %dma_wait3A_356 = tpu.memref_squeeze %dma_wait3A_355 : memref<1x128xi32, #tpu.memory_space<vmem>> -> memref<128xi32, #tpu.memory_space<vmem>>
      %dma_wait3A_357 = arith.constant 0 : i32
      %dma_wait3A_358 = arith.constant 0 : i32
      %dma_wait3A_359 = tpu.memref_slice %arg7[%dma_wait3A_357, %dma_wait3A_358] : memref<10240x16xf32, #tpu.memory_space<vmem_shared>> -> memref<10240x16xf32, #tpu.memory_space<vmem_shared>>
      tpu.wait_indirect_dma semaphore(%arg13 : memref<!tpu.dma_semaphore, #tpu.memory_space<semaphore_mem>>) src(%dma_wait3A_353 : memref<128x16xf32, #tpu.memory_space<vmem>>) dst(%dma_wait3A_359 : memref<10240x16xf32, #tpu.memory_space<vmem_shared>>)
      %dma_wait3A_360 = arith.constant 2 : i32
      %dma_wait3A_361 = arith.constant 0 : i32
      %dma_wait3A_362 = arith.constant 0 : i32
      %dma_wait3A_363 = tpu.memref_slice %arg10[%dma_wait3A_360, %dma_wait3A_361, %dma_wait3A_362] : memref<8x128x16xf32, #tpu.memory_space<vmem>> -> memref<1x128x16xf32, #tpu.memory_space<vmem>>
      %dma_wait3A_364 = tpu.memref_squeeze %dma_wait3A_363 : memref<1x128x16xf32, #tpu.memory_space<vmem>> -> memref<128x16xf32, #tpu.memory_space<vmem>>
      %dma_wait3A_365 = arith.constant 0 : i32
      %dma_wait3A_366 = tpu.memref_slice %arg9[%add3A_196, %dma_wait3A_365] : memref<80x128xi32, #tpu.memory_space<vmem>> -> memref<1x128xi32, #tpu.memory_space<vmem>>
      %dma_wait3A_367 = tpu.memref_squeeze %dma_wait3A_366 : memref<1x128xi32, #tpu.memory_space<vmem>> -> memref<128xi32, #tpu.memory_space<vmem>>
      %dma_wait3A_368 = arith.constant 0 : i32
      %dma_wait3A_369 = arith.constant 0 : i32
      %dma_wait3A_370 = tpu.memref_slice %arg7[%dma_wait3A_368, %dma_wait3A_369] : memref<10240x16xf32, #tpu.memory_space<vmem_shared>> -> memref<10240x16xf32, #tpu.memory_space<vmem_shared>>
      tpu.wait_indirect_dma semaphore(%arg13 : memref<!tpu.dma_semaphore, #tpu.memory_space<semaphore_mem>>) src(%dma_wait3A_364 : memref<128x16xf32, #tpu.memory_space<vmem>>) dst(%dma_wait3A_370 : memref<10240x16xf32, #tpu.memory_space<vmem_shared>>)
      %dma_wait3A_371 = arith.constant 3 : i32
      %dma_wait3A_372 = arith.constant 0 : i32
      %dma_wait3A_373 = arith.constant 0 : i32
      %dma_wait3A_374 = tpu.memref_slice %arg10[%dma_wait3A_371, %dma_wait3A_372, %dma_wait3A_373] : memref<8x128x16xf32, #tpu.memory_space<vmem>> -> memref<1x128x16xf32, #tpu.memory_space<vmem>>
      %dma_wait3A_375 = tpu.memref_squeeze %dma_wait3A_374 : memref<1x128x16xf32, #tpu.memory_space<vmem>> -> memref<128x16xf32, #tpu.memory_space<vmem>>
      %dma_wait3A_376 = arith.constant 0 : i32
      %dma_wait3A_377 = tpu.memref_slice %arg9[%add3A_222, %dma_wait3A_376] : memref<80x128xi32, #tpu.memory_space<vmem>> -> memref<1x128xi32, #tpu.memory_space<vmem>>
      %dma_wait3A_378 = tpu.memref_squeeze %dma_wait3A_377 : memref<1x128xi32, #tpu.memory_space<vmem>> -> memref<128xi32, #tpu.memory_space<vmem>>
      %dma_wait3A_379 = arith.constant 0 : i32
      %dma_wait3A_380 = arith.constant 0 : i32
      %dma_wait3A_381 = tpu.memref_slice %arg7[%dma_wait3A_379, %dma_wait3A_380] : memref<10240x16xf32, #tpu.memory_space<vmem_shared>> -> memref<10240x16xf32, #tpu.memory_space<vmem_shared>>
      tpu.wait_indirect_dma semaphore(%arg13 : memref<!tpu.dma_semaphore, #tpu.memory_space<semaphore_mem>>) src(%dma_wait3A_375 : memref<128x16xf32, #tpu.memory_space<vmem>>) dst(%dma_wait3A_381 : memref<10240x16xf32, #tpu.memory_space<vmem_shared>>)
      %dma_wait3A_382 = arith.constant 4 : i32
      %dma_wait3A_383 = arith.constant 0 : i32
      %dma_wait3A_384 = arith.constant 0 : i32
      %dma_wait3A_385 = tpu.memref_slice %arg10[%dma_wait3A_382, %dma_wait3A_383, %dma_wait3A_384] : memref<8x128x16xf32, #tpu.memory_space<vmem>> -> memref<1x128x16xf32, #tpu.memory_space<vmem>>
      %dma_wait3A_386 = tpu.memref_squeeze %dma_wait3A_385 : memref<1x128x16xf32, #tpu.memory_space<vmem>> -> memref<128x16xf32, #tpu.memory_space<vmem>>
      %dma_wait3A_387 = arith.constant 0 : i32
      %dma_wait3A_388 = tpu.memref_slice %arg9[%add3A_248, %dma_wait3A_387] : memref<80x128xi32, #tpu.memory_space<vmem>> -> memref<1x128xi32, #tpu.memory_space<vmem>>
      %dma_wait3A_389 = tpu.memref_squeeze %dma_wait3A_388 : memref<1x128xi32, #tpu.memory_space<vmem>> -> memref<128xi32, #tpu.memory_space<vmem>>
      %dma_wait3A_390 = arith.constant 0 : i32
      %dma_wait3A_391 = arith.constant 0 : i32
      %dma_wait3A_392 = tpu.memref_slice %arg7[%dma_wait3A_390, %dma_wait3A_391] : memref<10240x16xf32, #tpu.memory_space<vmem_shared>> -> memref<10240x16xf32, #tpu.memory_space<vmem_shared>>
      tpu.wait_indirect_dma semaphore(%arg13 : memref<!tpu.dma_semaphore, #tpu.memory_space<semaphore_mem>>) src(%dma_wait3A_386 : memref<128x16xf32, #tpu.memory_space<vmem>>) dst(%dma_wait3A_392 : memref<10240x16xf32, #tpu.memory_space<vmem_shared>>)
      %dma_wait3A_393 = arith.constant 5 : i32
      %dma_wait3A_394 = arith.constant 0 : i32
      %dma_wait3A_395 = arith.constant 0 : i32
      %dma_wait3A_396 = tpu.memref_slice %arg10[%dma_wait3A_393, %dma_wait3A_394, %dma_wait3A_395] : memref<8x128x16xf32, #tpu.memory_space<vmem>> -> memref<1x128x16xf32, #tpu.memory_space<vmem>>
      %dma_wait3A_397 = tpu.memref_squeeze %dma_wait3A_396 : memref<1x128x16xf32, #tpu.memory_space<vmem>> -> memref<128x16xf32, #tpu.memory_space<vmem>>
      %dma_wait3A_398 = arith.constant 0 : i32
      %dma_wait3A_399 = tpu.memref_slice %arg9[%add3A_274, %dma_wait3A_398] : memref<80x128xi32, #tpu.memory_space<vmem>> -> memref<1x128xi32, #tpu.memory_space<vmem>>
      %dma_wait3A_400 = tpu.memref_squeeze %dma_wait3A_399 : memref<1x128xi32, #tpu.memory_space<vmem>> -> memref<128xi32, #tpu.memory_space<vmem>>
      %dma_wait3A_401 = arith.constant 0 : i32
      %dma_wait3A_402 = arith.constant 0 : i32
      %dma_wait3A_403 = tpu.memref_slice %arg7[%dma_wait3A_401, %dma_wait3A_402] : memref<10240x16xf32, #tpu.memory_space<vmem_shared>> -> memref<10240x16xf32, #tpu.memory_space<vmem_shared>>
      tpu.wait_indirect_dma semaphore(%arg13 : memref<!tpu.dma_semaphore, #tpu.memory_space<semaphore_mem>>) src(%dma_wait3A_397 : memref<128x16xf32, #tpu.memory_space<vmem>>) dst(%dma_wait3A_403 : memref<10240x16xf32, #tpu.memory_space<vmem_shared>>)
      %dma_wait3A_404 = arith.constant 6 : i32
      %dma_wait3A_405 = arith.constant 0 : i32
      %dma_wait3A_406 = arith.constant 0 : i32
      %dma_wait3A_407 = tpu.memref_slice %arg10[%dma_wait3A_404, %dma_wait3A_405, %dma_wait3A_406] : memref<8x128x16xf32, #tpu.memory_space<vmem>> -> memref<1x128x16xf32, #tpu.memory_space<vmem>>
      %dma_wait3A_408 = tpu.memref_squeeze %dma_wait3A_407 : memref<1x128x16xf32, #tpu.memory_space<vmem>> -> memref<128x16xf32, #tpu.memory_space<vmem>>
      %dma_wait3A_409 = arith.constant 0 : i32
      %dma_wait3A_410 = tpu.memref_slice %arg9[%add3A_300, %dma_wait3A_409] : memref<80x128xi32, #tpu.memory_space<vmem>> -> memref<1x128xi32, #tpu.memory_space<vmem>>
      %dma_wait3A_411 = tpu.memref_squeeze %dma_wait3A_410 : memref<1x128xi32, #tpu.memory_space<vmem>> -> memref<128xi32, #tpu.memory_space<vmem>>
      %dma_wait3A_412 = arith.constant 0 : i32
      %dma_wait3A_413 = arith.constant 0 : i32
      %dma_wait3A_414 = tpu.memref_slice %arg7[%dma_wait3A_412, %dma_wait3A_413] : memref<10240x16xf32, #tpu.memory_space<vmem_shared>> -> memref<10240x16xf32, #tpu.memory_space<vmem_shared>>
      tpu.wait_indirect_dma semaphore(%arg13 : memref<!tpu.dma_semaphore, #tpu.memory_space<semaphore_mem>>) src(%dma_wait3A_408 : memref<128x16xf32, #tpu.memory_space<vmem>>) dst(%dma_wait3A_414 : memref<10240x16xf32, #tpu.memory_space<vmem_shared>>)
      %dma_wait3A_415 = arith.constant 7 : i32
      %dma_wait3A_416 = arith.constant 0 : i32
      %dma_wait3A_417 = arith.constant 0 : i32
      %dma_wait3A_418 = tpu.memref_slice %arg10[%dma_wait3A_415, %dma_wait3A_416, %dma_wait3A_417] : memref<8x128x16xf32, #tpu.memory_space<vmem>> -> memref<1x128x16xf32, #tpu.memory_space<vmem>>
      %dma_wait3A_419 = tpu.memref_squeeze %dma_wait3A_418 : memref<1x128x16xf32, #tpu.memory_space<vmem>> -> memref<128x16xf32, #tpu.memory_space<vmem>>
      %dma_wait3A_420 = arith.constant 0 : i32
      %dma_wait3A_421 = tpu.memref_slice %arg9[%add3A_326, %dma_wait3A_420] : memref<80x128xi32, #tpu.memory_space<vmem>> -> memref<1x128xi32, #tpu.memory_space<vmem>>
      %dma_wait3A_422 = tpu.memref_squeeze %dma_wait3A_421 : memref<1x128xi32, #tpu.memory_space<vmem>> -> memref<128xi32, #tpu.memory_space<vmem>>
      %dma_wait3A_423 = arith.constant 0 : i32
      %dma_wait3A_424 = arith.constant 0 : i32
      %dma_wait3A_425 = tpu.memref_slice %arg7[%dma_wait3A_423, %dma_wait3A_424] : memref<10240x16xf32, #tpu.memory_space<vmem_shared>> -> memref<10240x16xf32, #tpu.memory_space<vmem_shared>>
      tpu.wait_indirect_dma semaphore(%arg13 : memref<!tpu.dma_semaphore, #tpu.memory_space<semaphore_mem>>) src(%dma_wait3A_419 : memref<128x16xf32, #tpu.memory_space<vmem>>) dst(%dma_wait3A_425 : memref<10240x16xf32, #tpu.memory_space<vmem_shared>>)
    }
    %scan3A_9 = arith.constant 10 : i32
    %barrier3A_10 = arith.constant 0 : index
    tpu.barrier barrier_id(%barrier3A_10)
    "tpu.region"() ({
      %run_scoped3A = tpu.sem_alloc : memref<!tpu.dma_semaphore, #tpu.memory_space<semaphore_mem>>
      %dma_start3A = arith.constant 0 : i32
      %dma_start3A_11 = tpu.memref_slice %arg7[%mul3A_2, %dma_start3A] : memref<10240x16xf32, #tpu.memory_space<vmem_shared>> -> memref<640x16xf32, #tpu.memory_space<vmem_shared>>
      %dma_start3A_12 = arith.constant 0 : i32
      %dma_start3A_13 = tpu.memref_slice %arg7[%mul3A_2, %dma_start3A_12] : memref<10240x16xf32, #tpu.memory_space<vmem_shared>> -> memref<640x16xf32, #tpu.memory_space<vmem_shared>>
      tpu.enqueue_dma source(%dma_start3A_13 : memref<640x16xf32, #tpu.memory_space<vmem_shared>>) target(%arg11 : memref<640x16xf32, #tpu.memory_space<vmem>>) target_semaphore(%run_scoped3A : memref<!tpu.dma_semaphore, #tpu.memory_space<semaphore_mem>>)
      %dma_wait3A = arith.constant 0 : i32
      %dma_wait3A_14 = tpu.memref_slice %arg7[%mul3A_2, %dma_wait3A] : memref<10240x16xf32, #tpu.memory_space<vmem_shared>> -> memref<640x16xf32, #tpu.memory_space<vmem_shared>>
      %dma_wait3A_15 = arith.constant 0 : i32
      %dma_wait3A_16 = tpu.memref_slice %arg7[%mul3A_2, %dma_wait3A_15] : memref<10240x16xf32, #tpu.memory_space<vmem_shared>> -> memref<640x16xf32, #tpu.memory_space<vmem_shared>>
      tpu.wait_dma2 semaphore(%run_scoped3A : memref<!tpu.dma_semaphore, #tpu.memory_space<semaphore_mem>>) src(%dma_wait3A_16 : memref<640x16xf32, #tpu.memory_space<vmem_shared>>) dst(%arg11 : memref<640x16xf32, #tpu.memory_space<vmem>>)
      tpu.yield
    }) : () -> ()
    "tpu.region"() ({
      %run_scoped3A = tpu.sem_alloc : memref<!tpu.dma_semaphore, #tpu.memory_space<semaphore_mem>>
      %dma_start3A = arith.constant 0 : i32
      %dma_start3A_11 = tpu.memref_slice %arg6[%arg0, %mul3A_2, %dma_start3A] : memref<2x10240x16xf32, #tpu.memory_space<hbm>> -> memref<1x640x16xf32, #tpu.memory_space<hbm>>
      %dma_start3A_12 = tpu.memref_squeeze %dma_start3A_11 : memref<1x640x16xf32, #tpu.memory_space<hbm>> -> memref<640x16xf32, #tpu.memory_space<hbm>>
      %dma_start3A_13 = arith.constant 0 : i32
      %dma_start3A_14 = tpu.memref_slice %arg6[%arg0, %mul3A_2, %dma_start3A_13] : memref<2x10240x16xf32, #tpu.memory_space<hbm>> -> memref<1x640x16xf32, #tpu.memory_space<hbm>>
      %dma_start3A_15 = tpu.memref_squeeze %dma_start3A_14 : memref<1x640x16xf32, #tpu.memory_space<hbm>> -> memref<640x16xf32, #tpu.memory_space<hbm>>
      tpu.enqueue_dma source(%arg11 : memref<640x16xf32, #tpu.memory_space<vmem>>) target(%dma_start3A_15 : memref<640x16xf32, #tpu.memory_space<hbm>>) target_semaphore(%run_scoped3A : memref<!tpu.dma_semaphore, #tpu.memory_space<semaphore_mem>>)
      %dma_wait3A = arith.constant 0 : i32
      %dma_wait3A_16 = tpu.memref_slice %arg6[%arg0, %mul3A_2, %dma_wait3A] : memref<2x10240x16xf32, #tpu.memory_space<hbm>> -> memref<1x640x16xf32, #tpu.memory_space<hbm>>
      %dma_wait3A_17 = tpu.memref_squeeze %dma_wait3A_16 : memref<1x640x16xf32, #tpu.memory_space<hbm>> -> memref<640x16xf32, #tpu.memory_space<hbm>>
      %dma_wait3A_18 = arith.constant 0 : i32
      %dma_wait3A_19 = tpu.memref_slice %arg6[%arg0, %mul3A_2, %dma_wait3A_18] : memref<2x10240x16xf32, #tpu.memory_space<hbm>> -> memref<1x640x16xf32, #tpu.memory_space<hbm>>
      %dma_wait3A_20 = tpu.memref_squeeze %dma_wait3A_19 : memref<1x640x16xf32, #tpu.memory_space<hbm>> -> memref<640x16xf32, #tpu.memory_space<hbm>>
      tpu.wait_dma2 semaphore(%run_scoped3A : memref<!tpu.dma_semaphore, #tpu.memory_space<semaphore_mem>>) src(%arg11 : memref<640x16xf32, #tpu.memory_space<vmem>>) dst(%dma_wait3A_20 : memref<640x16xf32, #tpu.memory_space<hbm>>)
      tpu.yield
    }) : () -> ()
    return
  }
}

#map = affine_map<(d0, d1) -> (0, 0)>
#map1 = affine_map<(d0, d1) -> (0, 0, 0)>
module attributes {stable_mosaic.version = 14 : i64} {
  func.func @seg_sum(%arg0: i32, %arg1: i32, %arg2: memref<10000x8xf32, #tpu.memory_space<hbm>>, %arg3: memref<2560x128xi32, #tpu.memory_space<hbm>>, %arg4: memref<2560x128xi32, #tpu.memory_space<hbm>>, %arg5: memref<10240x8xf32, #tpu.memory_space<hbm>>, %arg6: memref<2x10240x8xf32, #tpu.memory_space<hbm>>, %arg7: memref<10240x8xf32, #tpu.memory_space<vmem_shared>>, %arg8: memref<80x128xi32, #tpu.memory_space<vmem>>, %arg9: memref<80x128xi32, #tpu.memory_space<vmem>>, %arg10: memref<8x128x8xf32, #tpu.memory_space<vmem>>, %arg11: memref<640x8xf32, #tpu.memory_space<vmem>>, %arg12: memref<!tpu.dma_semaphore, #tpu.memory_space<semaphore_mem>>, %arg13: memref<!tpu.dma_semaphore, #tpu.memory_space<semaphore_mem>>) attributes {dimension_semantics = [#tpu.dimension_semantics<core_parallel>, #tpu.dimension_semantics<subcore_parallel>], iteration_bounds = array<i64: 2, 16>, scalar_prefetch = 0 : i64, scratch_operands = 7 : i64, tpu.core_type = #tpu.core_type<sc_vector_subcore>, window_params = [{transform_indices = #map}, {transform_indices = #map}, {transform_indices = #map}, {transform_indices = #map}, {transform_indices = #map1}]} {
    %mul3A = arith.constant 16 : i32
    %mul3A_0 = arith.muli %arg0, %mul3A : i32
    %add3A = arith.addi %mul3A_0, %arg1 : i32
    %mul3A_1 = arith.constant 640 : i32
    %mul3A_2 = arith.muli %arg1, %mul3A_1 : i32
    "tpu.region"() ({
      %run_scoped3A = tpu.sem_alloc : memref<!tpu.dma_semaphore, #tpu.memory_space<semaphore_mem>>
      %dma_start3A = arith.constant 0 : i32
      %dma_start3A_11 = tpu.memref_slice %arg5[%mul3A_2, %dma_start3A] : memref<10240x8xf32, #tpu.memory_space<hbm>> -> memref<640x8xf32, #tpu.memory_space<hbm>>
      %dma_start3A_12 = arith.constant 0 : i32
      %dma_start3A_13 = tpu.memref_slice %arg5[%mul3A_2, %dma_start3A_12] : memref<10240x8xf32, #tpu.memory_space<hbm>> -> memref<640x8xf32, #tpu.memory_space<hbm>>
      tpu.enqueue_dma source(%dma_start3A_13 : memref<640x8xf32, #tpu.memory_space<hbm>>) target(%arg11 : memref<640x8xf32, #tpu.memory_space<vmem>>) target_semaphore(%run_scoped3A : memref<!tpu.dma_semaphore, #tpu.memory_space<semaphore_mem>>)
      %dma_wait3A = arith.constant 0 : i32
      %dma_wait3A_14 = tpu.memref_slice %arg5[%mul3A_2, %dma_wait3A] : memref<10240x8xf32, #tpu.memory_space<hbm>> -> memref<640x8xf32, #tpu.memory_space<hbm>>
      %dma_wait3A_15 = arith.constant 0 : i32
      %dma_wait3A_16 = tpu.memref_slice %arg5[%mul3A_2, %dma_wait3A_15] : memref<10240x8xf32, #tpu.memory_space<hbm>> -> memref<640x8xf32, #tpu.memory_space<hbm>>
      tpu.wait_dma2 semaphore(%run_scoped3A : memref<!tpu.dma_semaphore, #tpu.memory_space<semaphore_mem>>) src(%dma_wait3A_16 : memref<640x8xf32, #tpu.memory_space<hbm>>) dst(%arg11 : memref<640x8xf32, #tpu.memory_space<vmem>>)
      tpu.yield
    }) : () -> ()
    "tpu.region"() ({
      %run_scoped3A = tpu.sem_alloc : memref<!tpu.dma_semaphore, #tpu.memory_space<semaphore_mem>>
      %dma_start3A = arith.constant 0 : i32
      %dma_start3A_11 = tpu.memref_slice %arg7[%mul3A_2, %dma_start3A] : memref<10240x8xf32, #tpu.memory_space<vmem_shared>> -> memref<640x8xf32, #tpu.memory_space<vmem_shared>>
      %dma_start3A_12 = arith.constant 0 : i32
      %dma_start3A_13 = tpu.memref_slice %arg7[%mul3A_2, %dma_start3A_12] : memref<10240x8xf32, #tpu.memory_space<vmem_shared>> -> memref<640x8xf32, #tpu.memory_space<vmem_shared>>
      tpu.enqueue_dma source(%arg11 : memref<640x8xf32, #tpu.memory_space<vmem>>) target(%dma_start3A_13 : memref<640x8xf32, #tpu.memory_space<vmem_shared>>) target_semaphore(%run_scoped3A : memref<!tpu.dma_semaphore, #tpu.memory_space<semaphore_mem>>)
      %dma_wait3A = arith.constant 0 : i32
      %dma_wait3A_14 = tpu.memref_slice %arg7[%mul3A_2, %dma_wait3A] : memref<10240x8xf32, #tpu.memory_space<vmem_shared>> -> memref<640x8xf32, #tpu.memory_space<vmem_shared>>
      %dma_wait3A_15 = arith.constant 0 : i32
      %dma_wait3A_16 = tpu.memref_slice %arg7[%mul3A_2, %dma_wait3A_15] : memref<10240x8xf32, #tpu.memory_space<vmem_shared>> -> memref<640x8xf32, #tpu.memory_space<vmem_shared>>
      tpu.wait_dma2 semaphore(%run_scoped3A : memref<!tpu.dma_semaphore, #tpu.memory_space<semaphore_mem>>) src(%arg11 : memref<640x8xf32, #tpu.memory_space<vmem>>) dst(%dma_wait3A_16 : memref<640x8xf32, #tpu.memory_space<vmem_shared>>)
      tpu.yield
    }) : () -> ()
    %mul3A_3 = arith.constant 80 : i32
    %mul3A_4 = arith.muli %add3A, %mul3A_3 : i32
    "tpu.region"() ({
      %run_scoped3A = tpu.sem_alloc : memref<!tpu.dma_semaphore, #tpu.memory_space<semaphore_mem>>
      %dma_start3A = arith.constant 0 : i32
      %dma_start3A_11 = tpu.memref_slice %arg3[%mul3A_4, %dma_start3A] : memref<2560x128xi32, #tpu.memory_space<hbm>> -> memref<80x128xi32, #tpu.memory_space<hbm>>
      %dma_start3A_12 = arith.constant 0 : i32
      %dma_start3A_13 = tpu.memref_slice %arg3[%mul3A_4, %dma_start3A_12] : memref<2560x128xi32, #tpu.memory_space<hbm>> -> memref<80x128xi32, #tpu.memory_space<hbm>>
      tpu.enqueue_dma source(%dma_start3A_13 : memref<80x128xi32, #tpu.memory_space<hbm>>) target(%arg8 : memref<80x128xi32, #tpu.memory_space<vmem>>) target_semaphore(%run_scoped3A : memref<!tpu.dma_semaphore, #tpu.memory_space<semaphore_mem>>)
      %dma_wait3A = arith.constant 0 : i32
      %dma_wait3A_14 = tpu.memref_slice %arg3[%mul3A_4, %dma_wait3A] : memref<2560x128xi32, #tpu.memory_space<hbm>> -> memref<80x128xi32, #tpu.memory_space<hbm>>
      %dma_wait3A_15 = arith.constant 0 : i32
      %dma_wait3A_16 = tpu.memref_slice %arg3[%mul3A_4, %dma_wait3A_15] : memref<2560x128xi32, #tpu.memory_space<hbm>> -> memref<80x128xi32, #tpu.memory_space<hbm>>
      tpu.wait_dma2 semaphore(%run_scoped3A : memref<!tpu.dma_semaphore, #tpu.memory_space<semaphore_mem>>) src(%dma_wait3A_16 : memref<80x128xi32, #tpu.memory_space<hbm>>) dst(%arg8 : memref<80x128xi32, #tpu.memory_space<vmem>>)
      tpu.yield
    }) : () -> ()
    "tpu.region"() ({
      %run_scoped3A = tpu.sem_alloc : memref<!tpu.dma_semaphore, #tpu.memory_space<semaphore_mem>>
      %dma_start3A = arith.constant 0 : i32
      %dma_start3A_11 = tpu.memref_slice %arg4[%mul3A_4, %dma_start3A] : memref<2560x128xi32, #tpu.memory_space<hbm>> -> memref<80x128xi32, #tpu.memory_space<hbm>>
      %dma_start3A_12 = arith.constant 0 : i32
      %dma_start3A_13 = tpu.memref_slice %arg4[%mul3A_4, %dma_start3A_12] : memref<2560x128xi32, #tpu.memory_space<hbm>> -> memref<80x128xi32, #tpu.memory_space<hbm>>
      tpu.enqueue_dma source(%dma_start3A_13 : memref<80x128xi32, #tpu.memory_space<hbm>>) target(%arg9 : memref<80x128xi32, #tpu.memory_space<vmem>>) target_semaphore(%run_scoped3A : memref<!tpu.dma_semaphore, #tpu.memory_space<semaphore_mem>>)
      %dma_wait3A = arith.constant 0 : i32
      %dma_wait3A_14 = tpu.memref_slice %arg4[%mul3A_4, %dma_wait3A] : memref<2560x128xi32, #tpu.memory_space<hbm>> -> memref<80x128xi32, #tpu.memory_space<hbm>>
      %dma_wait3A_15 = arith.constant 0 : i32
      %dma_wait3A_16 = tpu.memref_slice %arg4[%mul3A_4, %dma_wait3A_15] : memref<2560x128xi32, #tpu.memory_space<hbm>> -> memref<80x128xi32, #tpu.memory_space<hbm>>
      tpu.wait_dma2 semaphore(%run_scoped3A : memref<!tpu.dma_semaphore, #tpu.memory_space<semaphore_mem>>) src(%dma_wait3A_16 : memref<80x128xi32, #tpu.memory_space<hbm>>) dst(%arg9 : memref<80x128xi32, #tpu.memory_space<vmem>>)
      tpu.yield
    }) : () -> ()
    %barrier3A = arith.constant 0 : index
    tpu.barrier barrier_id(%barrier3A)
    %scan3A = arith.constant 0 : i32
    %scan3A_5 = arith.constant 0 : i32
    %scan3A_6 = arith.constant 10 : i32
    %scan3A_7 = arith.addi %scan3A_5, %scan3A_6 : i32
    %scan3A_8 = arith.constant 1 : i32
    scf.for %scan3A_11 = %scan3A_5 to %scan3A_7 step %scan3A_8  : i32 {
      %mul3A_12 = arith.constant 8 : i32
      %mul3A_13 = arith.muli %scan3A_11, %mul3A_12 : i32
      %add3A_14 = arith.constant 0 : i32
      %add3A_15 = arith.addi %mul3A_13, %add3A_14 : i32
      %dma_start3A = arith.constant 0 : i32
      %dma_start3A_16 = arith.constant 0 : i32
      %dma_start3A_17 = arith.constant 0 : i32
      %dma_start3A_18 = tpu.memref_slice %arg10[%dma_start3A, %dma_start3A_16, %dma_start3A_17] : memref<8x128x8xf32, #tpu.memory_space<vmem>> -> memref<1x128x8xf32, #tpu.memory_space<vmem>>
      %dma_start3A_19 = tpu.memref_squeeze %dma_start3A_18 : memref<1x128x8xf32, #tpu.memory_space<vmem>> -> memref<128x8xf32, #tpu.memory_space<vmem>>
      %dma_start3A_20 = arith.constant 0 : i32
      %dma_start3A_21 = tpu.memref_slice %arg8[%add3A_15, %dma_start3A_20] : memref<80x128xi32, #tpu.memory_space<vmem>> -> memref<1x128xi32, #tpu.memory_space<vmem>>
      %dma_start3A_22 = tpu.memref_squeeze %dma_start3A_21 : memref<1x128xi32, #tpu.memory_space<vmem>> -> memref<128xi32, #tpu.memory_space<vmem>>
      %dma_start3A_23 = arith.constant 0 : i32
      %dma_start3A_24 = arith.constant 0 : i32
      %dma_start3A_25 = tpu.memref_slice %arg2[%dma_start3A_23, %dma_start3A_24] : memref<10000x8xf32, #tpu.memory_space<hbm>> -> memref<10000x8xf32, #tpu.memory_space<hbm>>
      tpu.enqueue_indirect_dma source(%dma_start3A_25 : memref<10000x8xf32, #tpu.memory_space<hbm>>) target(%dma_start3A_19 : memref<128x8xf32, #tpu.memory_space<vmem>>) offsets(%dma_start3A_22 : memref<128xi32, #tpu.memory_space<vmem>>) semaphore(%arg12 : memref<!tpu.dma_semaphore, #tpu.memory_space<semaphore_mem>>)
      %mul3A_26 = arith.constant 8 : i32
      %mul3A_27 = arith.muli %scan3A_11, %mul3A_26 : i32
      %add3A_28 = arith.constant 1 : i32
      %add3A_29 = arith.addi %mul3A_27, %add3A_28 : i32
      %dma_start3A_30 = arith.constant 1 : i32
      %dma_start3A_31 = arith.constant 0 : i32
      %dma_start3A_32 = arith.constant 0 : i32
      %dma_start3A_33 = tpu.memref_slice %arg10[%dma_start3A_30, %dma_start3A_31, %dma_start3A_32] : memref<8x128x8xf32, #tpu.memory_space<vmem>> -> memref<1x128x8xf32, #tpu.memory_space<vmem>>
      %dma_start3A_34 = tpu.memref_squeeze %dma_start3A_33 : memref<1x128x8xf32, #tpu.memory_space<vmem>> -> memref<128x8xf32, #tpu.memory_space<vmem>>
      %dma_start3A_35 = arith.constant 0 : i32
      %dma_start3A_36 = tpu.memref_slice %arg8[%add3A_29, %dma_start3A_35] : memref<80x128xi32, #tpu.memory_space<vmem>> -> memref<1x128xi32, #tpu.memory_space<vmem>>
      %dma_start3A_37 = tpu.memref_squeeze %dma_start3A_36 : memref<1x128xi32, #tpu.memory_space<vmem>> -> memref<128xi32, #tpu.memory_space<vmem>>
      %dma_start3A_38 = arith.constant 0 : i32
      %dma_start3A_39 = arith.constant 0 : i32
      %dma_start3A_40 = tpu.memref_slice %arg2[%dma_start3A_38, %dma_start3A_39] : memref<10000x8xf32, #tpu.memory_space<hbm>> -> memref<10000x8xf32, #tpu.memory_space<hbm>>
      tpu.enqueue_indirect_dma source(%dma_start3A_40 : memref<10000x8xf32, #tpu.memory_space<hbm>>) target(%dma_start3A_34 : memref<128x8xf32, #tpu.memory_space<vmem>>) offsets(%dma_start3A_37 : memref<128xi32, #tpu.memory_space<vmem>>) semaphore(%arg12 : memref<!tpu.dma_semaphore, #tpu.memory_space<semaphore_mem>>)
      %mul3A_41 = arith.constant 8 : i32
      %mul3A_42 = arith.muli %scan3A_11, %mul3A_41 : i32
      %add3A_43 = arith.constant 2 : i32
      %add3A_44 = arith.addi %mul3A_42, %add3A_43 : i32
      %dma_start3A_45 = arith.constant 2 : i32
      %dma_start3A_46 = arith.constant 0 : i32
      %dma_start3A_47 = arith.constant 0 : i32
      %dma_start3A_48 = tpu.memref_slice %arg10[%dma_start3A_45, %dma_start3A_46, %dma_start3A_47] : memref<8x128x8xf32, #tpu.memory_space<vmem>> -> memref<1x128x8xf32, #tpu.memory_space<vmem>>
      %dma_start3A_49 = tpu.memref_squeeze %dma_start3A_48 : memref<1x128x8xf32, #tpu.memory_space<vmem>> -> memref<128x8xf32, #tpu.memory_space<vmem>>
      %dma_start3A_50 = arith.constant 0 : i32
      %dma_start3A_51 = tpu.memref_slice %arg8[%add3A_44, %dma_start3A_50] : memref<80x128xi32, #tpu.memory_space<vmem>> -> memref<1x128xi32, #tpu.memory_space<vmem>>
      %dma_start3A_52 = tpu.memref_squeeze %dma_start3A_51 : memref<1x128xi32, #tpu.memory_space<vmem>> -> memref<128xi32, #tpu.memory_space<vmem>>
      %dma_start3A_53 = arith.constant 0 : i32
      %dma_start3A_54 = arith.constant 0 : i32
      %dma_start3A_55 = tpu.memref_slice %arg2[%dma_start3A_53, %dma_start3A_54] : memref<10000x8xf32, #tpu.memory_space<hbm>> -> memref<10000x8xf32, #tpu.memory_space<hbm>>
      tpu.enqueue_indirect_dma source(%dma_start3A_55 : memref<10000x8xf32, #tpu.memory_space<hbm>>) target(%dma_start3A_49 : memref<128x8xf32, #tpu.memory_space<vmem>>) offsets(%dma_start3A_52 : memref<128xi32, #tpu.memory_space<vmem>>) semaphore(%arg12 : memref<!tpu.dma_semaphore, #tpu.memory_space<semaphore_mem>>)
      %mul3A_56 = arith.constant 8 : i32
      %mul3A_57 = arith.muli %scan3A_11, %mul3A_56 : i32
      %add3A_58 = arith.constant 3 : i32
      %add3A_59 = arith.addi %mul3A_57, %add3A_58 : i32
      %dma_start3A_60 = arith.constant 3 : i32
      %dma_start3A_61 = arith.constant 0 : i32
      %dma_start3A_62 = arith.constant 0 : i32
      %dma_start3A_63 = tpu.memref_slice %arg10[%dma_start3A_60, %dma_start3A_61, %dma_start3A_62] : memref<8x128x8xf32, #tpu.memory_space<vmem>> -> memref<1x128x8xf32, #tpu.memory_space<vmem>>
      %dma_start3A_64 = tpu.memref_squeeze %dma_start3A_63 : memref<1x128x8xf32, #tpu.memory_space<vmem>> -> memref<128x8xf32, #tpu.memory_space<vmem>>
      %dma_start3A_65 = arith.constant 0 : i32
      %dma_start3A_66 = tpu.memref_slice %arg8[%add3A_59, %dma_start3A_65] : memref<80x128xi32, #tpu.memory_space<vmem>> -> memref<1x128xi32, #tpu.memory_space<vmem>>
      %dma_start3A_67 = tpu.memref_squeeze %dma_start3A_66 : memref<1x128xi32, #tpu.memory_space<vmem>> -> memref<128xi32, #tpu.memory_space<vmem>>
      %dma_start3A_68 = arith.constant 0 : i32
      %dma_start3A_69 = arith.constant 0 : i32
      %dma_start3A_70 = tpu.memref_slice %arg2[%dma_start3A_68, %dma_start3A_69] : memref<10000x8xf32, #tpu.memory_space<hbm>> -> memref<10000x8xf32, #tpu.memory_space<hbm>>
      tpu.enqueue_indirect_dma source(%dma_start3A_70 : memref<10000x8xf32, #tpu.memory_space<hbm>>) target(%dma_start3A_64 : memref<128x8xf32, #tpu.memory_space<vmem>>) offsets(%dma_start3A_67 : memref<128xi32, #tpu.memory_space<vmem>>) semaphore(%arg12 : memref<!tpu.dma_semaphore, #tpu.memory_space<semaphore_mem>>)
      %mul3A_71 = arith.constant 8 : i32
      %mul3A_72 = arith.muli %scan3A_11, %mul3A_71 : i32
      %add3A_73 = arith.constant 4 : i32
      %add3A_74 = arith.addi %mul3A_72, %add3A_73 : i32
      %dma_start3A_75 = arith.constant 4 : i32
      %dma_start3A_76 = arith.constant 0 : i32
      %dma_start3A_77 = arith.constant 0 : i32
      %dma_start3A_78 = tpu.memref_slice %arg10[%dma_start3A_75, %dma_start3A_76, %dma_start3A_77] : memref<8x128x8xf32, #tpu.memory_space<vmem>> -> memref<1x128x8xf32, #tpu.memory_space<vmem>>
      %dma_start3A_79 = tpu.memref_squeeze %dma_start3A_78 : memref<1x128x8xf32, #tpu.memory_space<vmem>> -> memref<128x8xf32, #tpu.memory_space<vmem>>
      %dma_start3A_80 = arith.constant 0 : i32
      %dma_start3A_81 = tpu.memref_slice %arg8[%add3A_74, %dma_start3A_80] : memref<80x128xi32, #tpu.memory_space<vmem>> -> memref<1x128xi32, #tpu.memory_space<vmem>>
      %dma_start3A_82 = tpu.memref_squeeze %dma_start3A_81 : memref<1x128xi32, #tpu.memory_space<vmem>> -> memref<128xi32, #tpu.memory_space<vmem>>
      %dma_start3A_83 = arith.constant 0 : i32
      %dma_start3A_84 = arith.constant 0 : i32
      %dma_start3A_85 = tpu.memref_slice %arg2[%dma_start3A_83, %dma_start3A_84] : memref<10000x8xf32, #tpu.memory_space<hbm>> -> memref<10000x8xf32, #tpu.memory_space<hbm>>
      tpu.enqueue_indirect_dma source(%dma_start3A_85 : memref<10000x8xf32, #tpu.memory_space<hbm>>) target(%dma_start3A_79 : memref<128x8xf32, #tpu.memory_space<vmem>>) offsets(%dma_start3A_82 : memref<128xi32, #tpu.memory_space<vmem>>) semaphore(%arg12 : memref<!tpu.dma_semaphore, #tpu.memory_space<semaphore_mem>>)
      %mul3A_86 = arith.constant 8 : i32
      %mul3A_87 = arith.muli %scan3A_11, %mul3A_86 : i32
      %add3A_88 = arith.constant 5 : i32
      %add3A_89 = arith.addi %mul3A_87, %add3A_88 : i32
      %dma_start3A_90 = arith.constant 5 : i32
      %dma_start3A_91 = arith.constant 0 : i32
      %dma_start3A_92 = arith.constant 0 : i32
      %dma_start3A_93 = tpu.memref_slice %arg10[%dma_start3A_90, %dma_start3A_91, %dma_start3A_92] : memref<8x128x8xf32, #tpu.memory_space<vmem>> -> memref<1x128x8xf32, #tpu.memory_space<vmem>>
      %dma_start3A_94 = tpu.memref_squeeze %dma_start3A_93 : memref<1x128x8xf32, #tpu.memory_space<vmem>> -> memref<128x8xf32, #tpu.memory_space<vmem>>
      %dma_start3A_95 = arith.constant 0 : i32
      %dma_start3A_96 = tpu.memref_slice %arg8[%add3A_89, %dma_start3A_95] : memref<80x128xi32, #tpu.memory_space<vmem>> -> memref<1x128xi32, #tpu.memory_space<vmem>>
      %dma_start3A_97 = tpu.memref_squeeze %dma_start3A_96 : memref<1x128xi32, #tpu.memory_space<vmem>> -> memref<128xi32, #tpu.memory_space<vmem>>
      %dma_start3A_98 = arith.constant 0 : i32
      %dma_start3A_99 = arith.constant 0 : i32
      %dma_start3A_100 = tpu.memref_slice %arg2[%dma_start3A_98, %dma_start3A_99] : memref<10000x8xf32, #tpu.memory_space<hbm>> -> memref<10000x8xf32, #tpu.memory_space<hbm>>
      tpu.enqueue_indirect_dma source(%dma_start3A_100 : memref<10000x8xf32, #tpu.memory_space<hbm>>) target(%dma_start3A_94 : memref<128x8xf32, #tpu.memory_space<vmem>>) offsets(%dma_start3A_97 : memref<128xi32, #tpu.memory_space<vmem>>) semaphore(%arg12 : memref<!tpu.dma_semaphore, #tpu.memory_space<semaphore_mem>>)
      %mul3A_101 = arith.constant 8 : i32
      %mul3A_102 = arith.muli %scan3A_11, %mul3A_101 : i32
      %add3A_103 = arith.constant 6 : i32
      %add3A_104 = arith.addi %mul3A_102, %add3A_103 : i32
      %dma_start3A_105 = arith.constant 6 : i32
      %dma_start3A_106 = arith.constant 0 : i32
      %dma_start3A_107 = arith.constant 0 : i32
      %dma_start3A_108 = tpu.memref_slice %arg10[%dma_start3A_105, %dma_start3A_106, %dma_start3A_107] : memref<8x128x8xf32, #tpu.memory_space<vmem>> -> memref<1x128x8xf32, #tpu.memory_space<vmem>>
      %dma_start3A_109 = tpu.memref_squeeze %dma_start3A_108 : memref<1x128x8xf32, #tpu.memory_space<vmem>> -> memref<128x8xf32, #tpu.memory_space<vmem>>
      %dma_start3A_110 = arith.constant 0 : i32
      %dma_start3A_111 = tpu.memref_slice %arg8[%add3A_104, %dma_start3A_110] : memref<80x128xi32, #tpu.memory_space<vmem>> -> memref<1x128xi32, #tpu.memory_space<vmem>>
      %dma_start3A_112 = tpu.memref_squeeze %dma_start3A_111 : memref<1x128xi32, #tpu.memory_space<vmem>> -> memref<128xi32, #tpu.memory_space<vmem>>
      %dma_start3A_113 = arith.constant 0 : i32
      %dma_start3A_114 = arith.constant 0 : i32
      %dma_start3A_115 = tpu.memref_slice %arg2[%dma_start3A_113, %dma_start3A_114] : memref<10000x8xf32, #tpu.memory_space<hbm>> -> memref<10000x8xf32, #tpu.memory_space<hbm>>
      tpu.enqueue_indirect_dma source(%dma_start3A_115 : memref<10000x8xf32, #tpu.memory_space<hbm>>) target(%dma_start3A_109 : memref<128x8xf32, #tpu.memory_space<vmem>>) offsets(%dma_start3A_112 : memref<128xi32, #tpu.memory_space<vmem>>) semaphore(%arg12 : memref<!tpu.dma_semaphore, #tpu.memory_space<semaphore_mem>>)
      %mul3A_116 = arith.constant 8 : i32
      %mul3A_117 = arith.muli %scan3A_11, %mul3A_116 : i32
      %add3A_118 = arith.constant 7 : i32
      %add3A_119 = arith.addi %mul3A_117, %add3A_118 : i32
      %dma_start3A_120 = arith.constant 7 : i32
      %dma_start3A_121 = arith.constant 0 : i32
      %dma_start3A_122 = arith.constant 0 : i32
      %dma_start3A_123 = tpu.memref_slice %arg10[%dma_start3A_120, %dma_start3A_121, %dma_start3A_122] : memref<8x128x8xf32, #tpu.memory_space<vmem>> -> memref<1x128x8xf32, #tpu.memory_space<vmem>>
      %dma_start3A_124 = tpu.memref_squeeze %dma_start3A_123 : memref<1x128x8xf32, #tpu.memory_space<vmem>> -> memref<128x8xf32, #tpu.memory_space<vmem>>
      %dma_start3A_125 = arith.constant 0 : i32
      %dma_start3A_126 = tpu.memref_slice %arg8[%add3A_119, %dma_start3A_125] : memref<80x128xi32, #tpu.memory_space<vmem>> -> memref<1x128xi32, #tpu.memory_space<vmem>>
      %dma_start3A_127 = tpu.memref_squeeze %dma_start3A_126 : memref<1x128xi32, #tpu.memory_space<vmem>> -> memref<128xi32, #tpu.memory_space<vmem>>
      %dma_start3A_128 = arith.constant 0 : i32
      %dma_start3A_129 = arith.constant 0 : i32
      %dma_start3A_130 = tpu.memref_slice %arg2[%dma_start3A_128, %dma_start3A_129] : memref<10000x8xf32, #tpu.memory_space<hbm>> -> memref<10000x8xf32, #tpu.memory_space<hbm>>
      tpu.enqueue_indirect_dma source(%dma_start3A_130 : memref<10000x8xf32, #tpu.memory_space<hbm>>) target(%dma_start3A_124 : memref<128x8xf32, #tpu.memory_space<vmem>>) offsets(%dma_start3A_127 : memref<128xi32, #tpu.memory_space<vmem>>) semaphore(%arg12 : memref<!tpu.dma_semaphore, #tpu.memory_space<semaphore_mem>>)
      %dma_wait3A = arith.constant 0 : i32
      %dma_wait3A_131 = arith.constant 0 : i32
      %dma_wait3A_132 = arith.constant 0 : i32
      %dma_wait3A_133 = tpu.memref_slice %arg10[%dma_wait3A, %dma_wait3A_131, %dma_wait3A_132] : memref<8x128x8xf32, #tpu.memory_space<vmem>> -> memref<1x128x8xf32, #tpu.memory_space<vmem>>
      %dma_wait3A_134 = tpu.memref_squeeze %dma_wait3A_133 : memref<1x128x8xf32, #tpu.memory_space<vmem>> -> memref<128x8xf32, #tpu.memory_space<vmem>>
      %dma_wait3A_135 = arith.constant 0 : i32
      %dma_wait3A_136 = tpu.memref_slice %arg8[%add3A_15, %dma_wait3A_135] : memref<80x128xi32, #tpu.memory_space<vmem>> -> memref<1x128xi32, #tpu.memory_space<vmem>>
      %dma_wait3A_137 = tpu.memref_squeeze %dma_wait3A_136 : memref<1x128xi32, #tpu.memory_space<vmem>> -> memref<128xi32, #tpu.memory_space<vmem>>
      %dma_wait3A_138 = arith.constant 0 : i32
      %dma_wait3A_139 = arith.constant 0 : i32
      %dma_wait3A_140 = tpu.memref_slice %arg2[%dma_wait3A_138, %dma_wait3A_139] : memref<10000x8xf32, #tpu.memory_space<hbm>> -> memref<10000x8xf32, #tpu.memory_space<hbm>>
      tpu.wait_indirect_dma semaphore(%arg12 : memref<!tpu.dma_semaphore, #tpu.memory_space<semaphore_mem>>) src(%dma_wait3A_140 : memref<10000x8xf32, #tpu.memory_space<hbm>>) dst(%dma_wait3A_134 : memref<128x8xf32, #tpu.memory_space<vmem>>)
      %mul3A_141 = arith.constant 8 : i32
      %mul3A_142 = arith.muli %scan3A_11, %mul3A_141 : i32
      %add3A_143 = arith.constant 0 : i32
      %add3A_144 = arith.addi %mul3A_142, %add3A_143 : i32
      %dma_start3A_145 = arith.constant 0 : i32
      %dma_start3A_146 = arith.constant 0 : i32
      %dma_start3A_147 = arith.constant 0 : i32
      %dma_start3A_148 = tpu.memref_slice %arg10[%dma_start3A_145, %dma_start3A_146, %dma_start3A_147] : memref<8x128x8xf32, #tpu.memory_space<vmem>> -> memref<1x128x8xf32, #tpu.memory_space<vmem>>
      %dma_start3A_149 = tpu.memref_squeeze %dma_start3A_148 : memref<1x128x8xf32, #tpu.memory_space<vmem>> -> memref<128x8xf32, #tpu.memory_space<vmem>>
      %dma_start3A_150 = arith.constant 0 : i32
      %dma_start3A_151 = tpu.memref_slice %arg9[%add3A_144, %dma_start3A_150] : memref<80x128xi32, #tpu.memory_space<vmem>> -> memref<1x128xi32, #tpu.memory_space<vmem>>
      %dma_start3A_152 = tpu.memref_squeeze %dma_start3A_151 : memref<1x128xi32, #tpu.memory_space<vmem>> -> memref<128xi32, #tpu.memory_space<vmem>>
      %dma_start3A_153 = arith.constant 0 : i32
      %dma_start3A_154 = arith.constant 0 : i32
      %dma_start3A_155 = tpu.memref_slice %arg7[%dma_start3A_153, %dma_start3A_154] : memref<10240x8xf32, #tpu.memory_space<vmem_shared>> -> memref<10240x8xf32, #tpu.memory_space<vmem_shared>>
      tpu.enqueue_indirect_dma source(%dma_start3A_149 : memref<128x8xf32, #tpu.memory_space<vmem>>) target(%dma_start3A_155 : memref<10240x8xf32, #tpu.memory_space<vmem_shared>>) offsets(%dma_start3A_152 : memref<128xi32, #tpu.memory_space<vmem>>) semaphore(%arg13 : memref<!tpu.dma_semaphore, #tpu.memory_space<semaphore_mem>>) {add = true}
      %dma_wait3A_156 = arith.constant 1 : i32
      %dma_wait3A_157 = arith.constant 0 : i32
      %dma_wait3A_158 = arith.constant 0 : i32
      %dma_wait3A_159 = tpu.memref_slice %arg10[%dma_wait3A_156, %dma_wait3A_157, %dma_wait3A_158] : memref<8x128x8xf32, #tpu.memory_space<vmem>> -> memref<1x128x8xf32, #tpu.memory_space<vmem>>
      %dma_wait3A_160 = tpu.memref_squeeze %dma_wait3A_159 : memref<1x128x8xf32, #tpu.memory_space<vmem>> -> memref<128x8xf32, #tpu.memory_space<vmem>>
      %dma_wait3A_161 = arith.constant 0 : i32
      %dma_wait3A_162 = tpu.memref_slice %arg8[%add3A_29, %dma_wait3A_161] : memref<80x128xi32, #tpu.memory_space<vmem>> -> memref<1x128xi32, #tpu.memory_space<vmem>>
      %dma_wait3A_163 = tpu.memref_squeeze %dma_wait3A_162 : memref<1x128xi32, #tpu.memory_space<vmem>> -> memref<128xi32, #tpu.memory_space<vmem>>
      %dma_wait3A_164 = arith.constant 0 : i32
      %dma_wait3A_165 = arith.constant 0 : i32
      %dma_wait3A_166 = tpu.memref_slice %arg2[%dma_wait3A_164, %dma_wait3A_165] : memref<10000x8xf32, #tpu.memory_space<hbm>> -> memref<10000x8xf32, #tpu.memory_space<hbm>>
      tpu.wait_indirect_dma semaphore(%arg12 : memref<!tpu.dma_semaphore, #tpu.memory_space<semaphore_mem>>) src(%dma_wait3A_166 : memref<10000x8xf32, #tpu.memory_space<hbm>>) dst(%dma_wait3A_160 : memref<128x8xf32, #tpu.memory_space<vmem>>)
      %mul3A_167 = arith.constant 8 : i32
      %mul3A_168 = arith.muli %scan3A_11, %mul3A_167 : i32
      %add3A_169 = arith.constant 1 : i32
      %add3A_170 = arith.addi %mul3A_168, %add3A_169 : i32
      %dma_start3A_171 = arith.constant 1 : i32
      %dma_start3A_172 = arith.constant 0 : i32
      %dma_start3A_173 = arith.constant 0 : i32
      %dma_start3A_174 = tpu.memref_slice %arg10[%dma_start3A_171, %dma_start3A_172, %dma_start3A_173] : memref<8x128x8xf32, #tpu.memory_space<vmem>> -> memref<1x128x8xf32, #tpu.memory_space<vmem>>
      %dma_start3A_175 = tpu.memref_squeeze %dma_start3A_174 : memref<1x128x8xf32, #tpu.memory_space<vmem>> -> memref<128x8xf32, #tpu.memory_space<vmem>>
      %dma_start3A_176 = arith.constant 0 : i32
      %dma_start3A_177 = tpu.memref_slice %arg9[%add3A_170, %dma_start3A_176] : memref<80x128xi32, #tpu.memory_space<vmem>> -> memref<1x128xi32, #tpu.memory_space<vmem>>
      %dma_start3A_178 = tpu.memref_squeeze %dma_start3A_177 : memref<1x128xi32, #tpu.memory_space<vmem>> -> memref<128xi32, #tpu.memory_space<vmem>>
      %dma_start3A_179 = arith.constant 0 : i32
      %dma_start3A_180 = arith.constant 0 : i32
      %dma_start3A_181 = tpu.memref_slice %arg7[%dma_start3A_179, %dma_start3A_180] : memref<10240x8xf32, #tpu.memory_space<vmem_shared>> -> memref<10240x8xf32, #tpu.memory_space<vmem_shared>>
      tpu.enqueue_indirect_dma source(%dma_start3A_175 : memref<128x8xf32, #tpu.memory_space<vmem>>) target(%dma_start3A_181 : memref<10240x8xf32, #tpu.memory_space<vmem_shared>>) offsets(%dma_start3A_178 : memref<128xi32, #tpu.memory_space<vmem>>) semaphore(%arg13 : memref<!tpu.dma_semaphore, #tpu.memory_space<semaphore_mem>>) {add = true}
      %dma_wait3A_182 = arith.constant 2 : i32
      %dma_wait3A_183 = arith.constant 0 : i32
      %dma_wait3A_184 = arith.constant 0 : i32
      %dma_wait3A_185 = tpu.memref_slice %arg10[%dma_wait3A_182, %dma_wait3A_183, %dma_wait3A_184] : memref<8x128x8xf32, #tpu.memory_space<vmem>> -> memref<1x128x8xf32, #tpu.memory_space<vmem>>
      %dma_wait3A_186 = tpu.memref_squeeze %dma_wait3A_185 : memref<1x128x8xf32, #tpu.memory_space<vmem>> -> memref<128x8xf32, #tpu.memory_space<vmem>>
      %dma_wait3A_187 = arith.constant 0 : i32
      %dma_wait3A_188 = tpu.memref_slice %arg8[%add3A_44, %dma_wait3A_187] : memref<80x128xi32, #tpu.memory_space<vmem>> -> memref<1x128xi32, #tpu.memory_space<vmem>>
      %dma_wait3A_189 = tpu.memref_squeeze %dma_wait3A_188 : memref<1x128xi32, #tpu.memory_space<vmem>> -> memref<128xi32, #tpu.memory_space<vmem>>
      %dma_wait3A_190 = arith.constant 0 : i32
      %dma_wait3A_191 = arith.constant 0 : i32
      %dma_wait3A_192 = tpu.memref_slice %arg2[%dma_wait3A_190, %dma_wait3A_191] : memref<10000x8xf32, #tpu.memory_space<hbm>> -> memref<10000x8xf32, #tpu.memory_space<hbm>>
      tpu.wait_indirect_dma semaphore(%arg12 : memref<!tpu.dma_semaphore, #tpu.memory_space<semaphore_mem>>) src(%dma_wait3A_192 : memref<10000x8xf32, #tpu.memory_space<hbm>>) dst(%dma_wait3A_186 : memref<128x8xf32, #tpu.memory_space<vmem>>)
      %mul3A_193 = arith.constant 8 : i32
      %mul3A_194 = arith.muli %scan3A_11, %mul3A_193 : i32
      %add3A_195 = arith.constant 2 : i32
      %add3A_196 = arith.addi %mul3A_194, %add3A_195 : i32
      %dma_start3A_197 = arith.constant 2 : i32
      %dma_start3A_198 = arith.constant 0 : i32
      %dma_start3A_199 = arith.constant 0 : i32
      %dma_start3A_200 = tpu.memref_slice %arg10[%dma_start3A_197, %dma_start3A_198, %dma_start3A_199] : memref<8x128x8xf32, #tpu.memory_space<vmem>> -> memref<1x128x8xf32, #tpu.memory_space<vmem>>
      %dma_start3A_201 = tpu.memref_squeeze %dma_start3A_200 : memref<1x128x8xf32, #tpu.memory_space<vmem>> -> memref<128x8xf32, #tpu.memory_space<vmem>>
      %dma_start3A_202 = arith.constant 0 : i32
      %dma_start3A_203 = tpu.memref_slice %arg9[%add3A_196, %dma_start3A_202] : memref<80x128xi32, #tpu.memory_space<vmem>> -> memref<1x128xi32, #tpu.memory_space<vmem>>
      %dma_start3A_204 = tpu.memref_squeeze %dma_start3A_203 : memref<1x128xi32, #tpu.memory_space<vmem>> -> memref<128xi32, #tpu.memory_space<vmem>>
      %dma_start3A_205 = arith.constant 0 : i32
      %dma_start3A_206 = arith.constant 0 : i32
      %dma_start3A_207 = tpu.memref_slice %arg7[%dma_start3A_205, %dma_start3A_206] : memref<10240x8xf32, #tpu.memory_space<vmem_shared>> -> memref<10240x8xf32, #tpu.memory_space<vmem_shared>>
      tpu.enqueue_indirect_dma source(%dma_start3A_201 : memref<128x8xf32, #tpu.memory_space<vmem>>) target(%dma_start3A_207 : memref<10240x8xf32, #tpu.memory_space<vmem_shared>>) offsets(%dma_start3A_204 : memref<128xi32, #tpu.memory_space<vmem>>) semaphore(%arg13 : memref<!tpu.dma_semaphore, #tpu.memory_space<semaphore_mem>>) {add = true}
      %dma_wait3A_208 = arith.constant 3 : i32
      %dma_wait3A_209 = arith.constant 0 : i32
      %dma_wait3A_210 = arith.constant 0 : i32
      %dma_wait3A_211 = tpu.memref_slice %arg10[%dma_wait3A_208, %dma_wait3A_209, %dma_wait3A_210] : memref<8x128x8xf32, #tpu.memory_space<vmem>> -> memref<1x128x8xf32, #tpu.memory_space<vmem>>
      %dma_wait3A_212 = tpu.memref_squeeze %dma_wait3A_211 : memref<1x128x8xf32, #tpu.memory_space<vmem>> -> memref<128x8xf32, #tpu.memory_space<vmem>>
      %dma_wait3A_213 = arith.constant 0 : i32
      %dma_wait3A_214 = tpu.memref_slice %arg8[%add3A_59, %dma_wait3A_213] : memref<80x128xi32, #tpu.memory_space<vmem>> -> memref<1x128xi32, #tpu.memory_space<vmem>>
      %dma_wait3A_215 = tpu.memref_squeeze %dma_wait3A_214 : memref<1x128xi32, #tpu.memory_space<vmem>> -> memref<128xi32, #tpu.memory_space<vmem>>
      %dma_wait3A_216 = arith.constant 0 : i32
      %dma_wait3A_217 = arith.constant 0 : i32
      %dma_wait3A_218 = tpu.memref_slice %arg2[%dma_wait3A_216, %dma_wait3A_217] : memref<10000x8xf32, #tpu.memory_space<hbm>> -> memref<10000x8xf32, #tpu.memory_space<hbm>>
      tpu.wait_indirect_dma semaphore(%arg12 : memref<!tpu.dma_semaphore, #tpu.memory_space<semaphore_mem>>) src(%dma_wait3A_218 : memref<10000x8xf32, #tpu.memory_space<hbm>>) dst(%dma_wait3A_212 : memref<128x8xf32, #tpu.memory_space<vmem>>)
      %mul3A_219 = arith.constant 8 : i32
      %mul3A_220 = arith.muli %scan3A_11, %mul3A_219 : i32
      %add3A_221 = arith.constant 3 : i32
      %add3A_222 = arith.addi %mul3A_220, %add3A_221 : i32
      %dma_start3A_223 = arith.constant 3 : i32
      %dma_start3A_224 = arith.constant 0 : i32
      %dma_start3A_225 = arith.constant 0 : i32
      %dma_start3A_226 = tpu.memref_slice %arg10[%dma_start3A_223, %dma_start3A_224, %dma_start3A_225] : memref<8x128x8xf32, #tpu.memory_space<vmem>> -> memref<1x128x8xf32, #tpu.memory_space<vmem>>
      %dma_start3A_227 = tpu.memref_squeeze %dma_start3A_226 : memref<1x128x8xf32, #tpu.memory_space<vmem>> -> memref<128x8xf32, #tpu.memory_space<vmem>>
      %dma_start3A_228 = arith.constant 0 : i32
      %dma_start3A_229 = tpu.memref_slice %arg9[%add3A_222, %dma_start3A_228] : memref<80x128xi32, #tpu.memory_space<vmem>> -> memref<1x128xi32, #tpu.memory_space<vmem>>
      %dma_start3A_230 = tpu.memref_squeeze %dma_start3A_229 : memref<1x128xi32, #tpu.memory_space<vmem>> -> memref<128xi32, #tpu.memory_space<vmem>>
      %dma_start3A_231 = arith.constant 0 : i32
      %dma_start3A_232 = arith.constant 0 : i32
      %dma_start3A_233 = tpu.memref_slice %arg7[%dma_start3A_231, %dma_start3A_232] : memref<10240x8xf32, #tpu.memory_space<vmem_shared>> -> memref<10240x8xf32, #tpu.memory_space<vmem_shared>>
      tpu.enqueue_indirect_dma source(%dma_start3A_227 : memref<128x8xf32, #tpu.memory_space<vmem>>) target(%dma_start3A_233 : memref<10240x8xf32, #tpu.memory_space<vmem_shared>>) offsets(%dma_start3A_230 : memref<128xi32, #tpu.memory_space<vmem>>) semaphore(%arg13 : memref<!tpu.dma_semaphore, #tpu.memory_space<semaphore_mem>>) {add = true}
      %dma_wait3A_234 = arith.constant 4 : i32
      %dma_wait3A_235 = arith.constant 0 : i32
      %dma_wait3A_236 = arith.constant 0 : i32
      %dma_wait3A_237 = tpu.memref_slice %arg10[%dma_wait3A_234, %dma_wait3A_235, %dma_wait3A_236] : memref<8x128x8xf32, #tpu.memory_space<vmem>> -> memref<1x128x8xf32, #tpu.memory_space<vmem>>
      %dma_wait3A_238 = tpu.memref_squeeze %dma_wait3A_237 : memref<1x128x8xf32, #tpu.memory_space<vmem>> -> memref<128x8xf32, #tpu.memory_space<vmem>>
      %dma_wait3A_239 = arith.constant 0 : i32
      %dma_wait3A_240 = tpu.memref_slice %arg8[%add3A_74, %dma_wait3A_239] : memref<80x128xi32, #tpu.memory_space<vmem>> -> memref<1x128xi32, #tpu.memory_space<vmem>>
      %dma_wait3A_241 = tpu.memref_squeeze %dma_wait3A_240 : memref<1x128xi32, #tpu.memory_space<vmem>> -> memref<128xi32, #tpu.memory_space<vmem>>
      %dma_wait3A_242 = arith.constant 0 : i32
      %dma_wait3A_243 = arith.constant 0 : i32
      %dma_wait3A_244 = tpu.memref_slice %arg2[%dma_wait3A_242, %dma_wait3A_243] : memref<10000x8xf32, #tpu.memory_space<hbm>> -> memref<10000x8xf32, #tpu.memory_space<hbm>>
      tpu.wait_indirect_dma semaphore(%arg12 : memref<!tpu.dma_semaphore, #tpu.memory_space<semaphore_mem>>) src(%dma_wait3A_244 : memref<10000x8xf32, #tpu.memory_space<hbm>>) dst(%dma_wait3A_238 : memref<128x8xf32, #tpu.memory_space<vmem>>)
      %mul3A_245 = arith.constant 8 : i32
      %mul3A_246 = arith.muli %scan3A_11, %mul3A_245 : i32
      %add3A_247 = arith.constant 4 : i32
      %add3A_248 = arith.addi %mul3A_246, %add3A_247 : i32
      %dma_start3A_249 = arith.constant 4 : i32
      %dma_start3A_250 = arith.constant 0 : i32
      %dma_start3A_251 = arith.constant 0 : i32
      %dma_start3A_252 = tpu.memref_slice %arg10[%dma_start3A_249, %dma_start3A_250, %dma_start3A_251] : memref<8x128x8xf32, #tpu.memory_space<vmem>> -> memref<1x128x8xf32, #tpu.memory_space<vmem>>
      %dma_start3A_253 = tpu.memref_squeeze %dma_start3A_252 : memref<1x128x8xf32, #tpu.memory_space<vmem>> -> memref<128x8xf32, #tpu.memory_space<vmem>>
      %dma_start3A_254 = arith.constant 0 : i32
      %dma_start3A_255 = tpu.memref_slice %arg9[%add3A_248, %dma_start3A_254] : memref<80x128xi32, #tpu.memory_space<vmem>> -> memref<1x128xi32, #tpu.memory_space<vmem>>
      %dma_start3A_256 = tpu.memref_squeeze %dma_start3A_255 : memref<1x128xi32, #tpu.memory_space<vmem>> -> memref<128xi32, #tpu.memory_space<vmem>>
      %dma_start3A_257 = arith.constant 0 : i32
      %dma_start3A_258 = arith.constant 0 : i32
      %dma_start3A_259 = tpu.memref_slice %arg7[%dma_start3A_257, %dma_start3A_258] : memref<10240x8xf32, #tpu.memory_space<vmem_shared>> -> memref<10240x8xf32, #tpu.memory_space<vmem_shared>>
      tpu.enqueue_indirect_dma source(%dma_start3A_253 : memref<128x8xf32, #tpu.memory_space<vmem>>) target(%dma_start3A_259 : memref<10240x8xf32, #tpu.memory_space<vmem_shared>>) offsets(%dma_start3A_256 : memref<128xi32, #tpu.memory_space<vmem>>) semaphore(%arg13 : memref<!tpu.dma_semaphore, #tpu.memory_space<semaphore_mem>>) {add = true}
      %dma_wait3A_260 = arith.constant 5 : i32
      %dma_wait3A_261 = arith.constant 0 : i32
      %dma_wait3A_262 = arith.constant 0 : i32
      %dma_wait3A_263 = tpu.memref_slice %arg10[%dma_wait3A_260, %dma_wait3A_261, %dma_wait3A_262] : memref<8x128x8xf32, #tpu.memory_space<vmem>> -> memref<1x128x8xf32, #tpu.memory_space<vmem>>
      %dma_wait3A_264 = tpu.memref_squeeze %dma_wait3A_263 : memref<1x128x8xf32, #tpu.memory_space<vmem>> -> memref<128x8xf32, #tpu.memory_space<vmem>>
      %dma_wait3A_265 = arith.constant 0 : i32
      %dma_wait3A_266 = tpu.memref_slice %arg8[%add3A_89, %dma_wait3A_265] : memref<80x128xi32, #tpu.memory_space<vmem>> -> memref<1x128xi32, #tpu.memory_space<vmem>>
      %dma_wait3A_267 = tpu.memref_squeeze %dma_wait3A_266 : memref<1x128xi32, #tpu.memory_space<vmem>> -> memref<128xi32, #tpu.memory_space<vmem>>
      %dma_wait3A_268 = arith.constant 0 : i32
      %dma_wait3A_269 = arith.constant 0 : i32
      %dma_wait3A_270 = tpu.memref_slice %arg2[%dma_wait3A_268, %dma_wait3A_269] : memref<10000x8xf32, #tpu.memory_space<hbm>> -> memref<10000x8xf32, #tpu.memory_space<hbm>>
      tpu.wait_indirect_dma semaphore(%arg12 : memref<!tpu.dma_semaphore, #tpu.memory_space<semaphore_mem>>) src(%dma_wait3A_270 : memref<10000x8xf32, #tpu.memory_space<hbm>>) dst(%dma_wait3A_264 : memref<128x8xf32, #tpu.memory_space<vmem>>)
      %mul3A_271 = arith.constant 8 : i32
      %mul3A_272 = arith.muli %scan3A_11, %mul3A_271 : i32
      %add3A_273 = arith.constant 5 : i32
      %add3A_274 = arith.addi %mul3A_272, %add3A_273 : i32
      %dma_start3A_275 = arith.constant 5 : i32
      %dma_start3A_276 = arith.constant 0 : i32
      %dma_start3A_277 = arith.constant 0 : i32
      %dma_start3A_278 = tpu.memref_slice %arg10[%dma_start3A_275, %dma_start3A_276, %dma_start3A_277] : memref<8x128x8xf32, #tpu.memory_space<vmem>> -> memref<1x128x8xf32, #tpu.memory_space<vmem>>
      %dma_start3A_279 = tpu.memref_squeeze %dma_start3A_278 : memref<1x128x8xf32, #tpu.memory_space<vmem>> -> memref<128x8xf32, #tpu.memory_space<vmem>>
      %dma_start3A_280 = arith.constant 0 : i32
      %dma_start3A_281 = tpu.memref_slice %arg9[%add3A_274, %dma_start3A_280] : memref<80x128xi32, #tpu.memory_space<vmem>> -> memref<1x128xi32, #tpu.memory_space<vmem>>
      %dma_start3A_282 = tpu.memref_squeeze %dma_start3A_281 : memref<1x128xi32, #tpu.memory_space<vmem>> -> memref<128xi32, #tpu.memory_space<vmem>>
      %dma_start3A_283 = arith.constant 0 : i32
      %dma_start3A_284 = arith.constant 0 : i32
      %dma_start3A_285 = tpu.memref_slice %arg7[%dma_start3A_283, %dma_start3A_284] : memref<10240x8xf32, #tpu.memory_space<vmem_shared>> -> memref<10240x8xf32, #tpu.memory_space<vmem_shared>>
      tpu.enqueue_indirect_dma source(%dma_start3A_279 : memref<128x8xf32, #tpu.memory_space<vmem>>) target(%dma_start3A_285 : memref<10240x8xf32, #tpu.memory_space<vmem_shared>>) offsets(%dma_start3A_282 : memref<128xi32, #tpu.memory_space<vmem>>) semaphore(%arg13 : memref<!tpu.dma_semaphore, #tpu.memory_space<semaphore_mem>>) {add = true}
      %dma_wait3A_286 = arith.constant 6 : i32
      %dma_wait3A_287 = arith.constant 0 : i32
      %dma_wait3A_288 = arith.constant 0 : i32
      %dma_wait3A_289 = tpu.memref_slice %arg10[%dma_wait3A_286, %dma_wait3A_287, %dma_wait3A_288] : memref<8x128x8xf32, #tpu.memory_space<vmem>> -> memref<1x128x8xf32, #tpu.memory_space<vmem>>
      %dma_wait3A_290 = tpu.memref_squeeze %dma_wait3A_289 : memref<1x128x8xf32, #tpu.memory_space<vmem>> -> memref<128x8xf32, #tpu.memory_space<vmem>>
      %dma_wait3A_291 = arith.constant 0 : i32
      %dma_wait3A_292 = tpu.memref_slice %arg8[%add3A_104, %dma_wait3A_291] : memref<80x128xi32, #tpu.memory_space<vmem>> -> memref<1x128xi32, #tpu.memory_space<vmem>>
      %dma_wait3A_293 = tpu.memref_squeeze %dma_wait3A_292 : memref<1x128xi32, #tpu.memory_space<vmem>> -> memref<128xi32, #tpu.memory_space<vmem>>
      %dma_wait3A_294 = arith.constant 0 : i32
      %dma_wait3A_295 = arith.constant 0 : i32
      %dma_wait3A_296 = tpu.memref_slice %arg2[%dma_wait3A_294, %dma_wait3A_295] : memref<10000x8xf32, #tpu.memory_space<hbm>> -> memref<10000x8xf32, #tpu.memory_space<hbm>>
      tpu.wait_indirect_dma semaphore(%arg12 : memref<!tpu.dma_semaphore, #tpu.memory_space<semaphore_mem>>) src(%dma_wait3A_296 : memref<10000x8xf32, #tpu.memory_space<hbm>>) dst(%dma_wait3A_290 : memref<128x8xf32, #tpu.memory_space<vmem>>)
      %mul3A_297 = arith.constant 8 : i32
      %mul3A_298 = arith.muli %scan3A_11, %mul3A_297 : i32
      %add3A_299 = arith.constant 6 : i32
      %add3A_300 = arith.addi %mul3A_298, %add3A_299 : i32
      %dma_start3A_301 = arith.constant 6 : i32
      %dma_start3A_302 = arith.constant 0 : i32
      %dma_start3A_303 = arith.constant 0 : i32
      %dma_start3A_304 = tpu.memref_slice %arg10[%dma_start3A_301, %dma_start3A_302, %dma_start3A_303] : memref<8x128x8xf32, #tpu.memory_space<vmem>> -> memref<1x128x8xf32, #tpu.memory_space<vmem>>
      %dma_start3A_305 = tpu.memref_squeeze %dma_start3A_304 : memref<1x128x8xf32, #tpu.memory_space<vmem>> -> memref<128x8xf32, #tpu.memory_space<vmem>>
      %dma_start3A_306 = arith.constant 0 : i32
      %dma_start3A_307 = tpu.memref_slice %arg9[%add3A_300, %dma_start3A_306] : memref<80x128xi32, #tpu.memory_space<vmem>> -> memref<1x128xi32, #tpu.memory_space<vmem>>
      %dma_start3A_308 = tpu.memref_squeeze %dma_start3A_307 : memref<1x128xi32, #tpu.memory_space<vmem>> -> memref<128xi32, #tpu.memory_space<vmem>>
      %dma_start3A_309 = arith.constant 0 : i32
      %dma_start3A_310 = arith.constant 0 : i32
      %dma_start3A_311 = tpu.memref_slice %arg7[%dma_start3A_309, %dma_start3A_310] : memref<10240x8xf32, #tpu.memory_space<vmem_shared>> -> memref<10240x8xf32, #tpu.memory_space<vmem_shared>>
      tpu.enqueue_indirect_dma source(%dma_start3A_305 : memref<128x8xf32, #tpu.memory_space<vmem>>) target(%dma_start3A_311 : memref<10240x8xf32, #tpu.memory_space<vmem_shared>>) offsets(%dma_start3A_308 : memref<128xi32, #tpu.memory_space<vmem>>) semaphore(%arg13 : memref<!tpu.dma_semaphore, #tpu.memory_space<semaphore_mem>>) {add = true}
      %dma_wait3A_312 = arith.constant 7 : i32
      %dma_wait3A_313 = arith.constant 0 : i32
      %dma_wait3A_314 = arith.constant 0 : i32
      %dma_wait3A_315 = tpu.memref_slice %arg10[%dma_wait3A_312, %dma_wait3A_313, %dma_wait3A_314] : memref<8x128x8xf32, #tpu.memory_space<vmem>> -> memref<1x128x8xf32, #tpu.memory_space<vmem>>
      %dma_wait3A_316 = tpu.memref_squeeze %dma_wait3A_315 : memref<1x128x8xf32, #tpu.memory_space<vmem>> -> memref<128x8xf32, #tpu.memory_space<vmem>>
      %dma_wait3A_317 = arith.constant 0 : i32
      %dma_wait3A_318 = tpu.memref_slice %arg8[%add3A_119, %dma_wait3A_317] : memref<80x128xi32, #tpu.memory_space<vmem>> -> memref<1x128xi32, #tpu.memory_space<vmem>>
      %dma_wait3A_319 = tpu.memref_squeeze %dma_wait3A_318 : memref<1x128xi32, #tpu.memory_space<vmem>> -> memref<128xi32, #tpu.memory_space<vmem>>
      %dma_wait3A_320 = arith.constant 0 : i32
      %dma_wait3A_321 = arith.constant 0 : i32
      %dma_wait3A_322 = tpu.memref_slice %arg2[%dma_wait3A_320, %dma_wait3A_321] : memref<10000x8xf32, #tpu.memory_space<hbm>> -> memref<10000x8xf32, #tpu.memory_space<hbm>>
      tpu.wait_indirect_dma semaphore(%arg12 : memref<!tpu.dma_semaphore, #tpu.memory_space<semaphore_mem>>) src(%dma_wait3A_322 : memref<10000x8xf32, #tpu.memory_space<hbm>>) dst(%dma_wait3A_316 : memref<128x8xf32, #tpu.memory_space<vmem>>)
      %mul3A_323 = arith.constant 8 : i32
      %mul3A_324 = arith.muli %scan3A_11, %mul3A_323 : i32
      %add3A_325 = arith.constant 7 : i32
      %add3A_326 = arith.addi %mul3A_324, %add3A_325 : i32
      %dma_start3A_327 = arith.constant 7 : i32
      %dma_start3A_328 = arith.constant 0 : i32
      %dma_start3A_329 = arith.constant 0 : i32
      %dma_start3A_330 = tpu.memref_slice %arg10[%dma_start3A_327, %dma_start3A_328, %dma_start3A_329] : memref<8x128x8xf32, #tpu.memory_space<vmem>> -> memref<1x128x8xf32, #tpu.memory_space<vmem>>
      %dma_start3A_331 = tpu.memref_squeeze %dma_start3A_330 : memref<1x128x8xf32, #tpu.memory_space<vmem>> -> memref<128x8xf32, #tpu.memory_space<vmem>>
      %dma_start3A_332 = arith.constant 0 : i32
      %dma_start3A_333 = tpu.memref_slice %arg9[%add3A_326, %dma_start3A_332] : memref<80x128xi32, #tpu.memory_space<vmem>> -> memref<1x128xi32, #tpu.memory_space<vmem>>
      %dma_start3A_334 = tpu.memref_squeeze %dma_start3A_333 : memref<1x128xi32, #tpu.memory_space<vmem>> -> memref<128xi32, #tpu.memory_space<vmem>>
      %dma_start3A_335 = arith.constant 0 : i32
      %dma_start3A_336 = arith.constant 0 : i32
      %dma_start3A_337 = tpu.memref_slice %arg7[%dma_start3A_335, %dma_start3A_336] : memref<10240x8xf32, #tpu.memory_space<vmem_shared>> -> memref<10240x8xf32, #tpu.memory_space<vmem_shared>>
      tpu.enqueue_indirect_dma source(%dma_start3A_331 : memref<128x8xf32, #tpu.memory_space<vmem>>) target(%dma_start3A_337 : memref<10240x8xf32, #tpu.memory_space<vmem_shared>>) offsets(%dma_start3A_334 : memref<128xi32, #tpu.memory_space<vmem>>) semaphore(%arg13 : memref<!tpu.dma_semaphore, #tpu.memory_space<semaphore_mem>>) {add = true}
      %dma_wait3A_338 = arith.constant 0 : i32
      %dma_wait3A_339 = arith.constant 0 : i32
      %dma_wait3A_340 = arith.constant 0 : i32
      %dma_wait3A_341 = tpu.memref_slice %arg10[%dma_wait3A_338, %dma_wait3A_339, %dma_wait3A_340] : memref<8x128x8xf32, #tpu.memory_space<vmem>> -> memref<1x128x8xf32, #tpu.memory_space<vmem>>
      %dma_wait3A_342 = tpu.memref_squeeze %dma_wait3A_341 : memref<1x128x8xf32, #tpu.memory_space<vmem>> -> memref<128x8xf32, #tpu.memory_space<vmem>>
      %dma_wait3A_343 = arith.constant 0 : i32
      %dma_wait3A_344 = tpu.memref_slice %arg9[%add3A_144, %dma_wait3A_343] : memref<80x128xi32, #tpu.memory_space<vmem>> -> memref<1x128xi32, #tpu.memory_space<vmem>>
      %dma_wait3A_345 = tpu.memref_squeeze %dma_wait3A_344 : memref<1x128xi32, #tpu.memory_space<vmem>> -> memref<128xi32, #tpu.memory_space<vmem>>
      %dma_wait3A_346 = arith.constant 0 : i32
      %dma_wait3A_347 = arith.constant 0 : i32
      %dma_wait3A_348 = tpu.memref_slice %arg7[%dma_wait3A_346, %dma_wait3A_347] : memref<10240x8xf32, #tpu.memory_space<vmem_shared>> -> memref<10240x8xf32, #tpu.memory_space<vmem_shared>>
      tpu.wait_indirect_dma semaphore(%arg13 : memref<!tpu.dma_semaphore, #tpu.memory_space<semaphore_mem>>) src(%dma_wait3A_342 : memref<128x8xf32, #tpu.memory_space<vmem>>) dst(%dma_wait3A_348 : memref<10240x8xf32, #tpu.memory_space<vmem_shared>>)
      %dma_wait3A_349 = arith.constant 1 : i32
      %dma_wait3A_350 = arith.constant 0 : i32
      %dma_wait3A_351 = arith.constant 0 : i32
      %dma_wait3A_352 = tpu.memref_slice %arg10[%dma_wait3A_349, %dma_wait3A_350, %dma_wait3A_351] : memref<8x128x8xf32, #tpu.memory_space<vmem>> -> memref<1x128x8xf32, #tpu.memory_space<vmem>>
      %dma_wait3A_353 = tpu.memref_squeeze %dma_wait3A_352 : memref<1x128x8xf32, #tpu.memory_space<vmem>> -> memref<128x8xf32, #tpu.memory_space<vmem>>
      %dma_wait3A_354 = arith.constant 0 : i32
      %dma_wait3A_355 = tpu.memref_slice %arg9[%add3A_170, %dma_wait3A_354] : memref<80x128xi32, #tpu.memory_space<vmem>> -> memref<1x128xi32, #tpu.memory_space<vmem>>
      %dma_wait3A_356 = tpu.memref_squeeze %dma_wait3A_355 : memref<1x128xi32, #tpu.memory_space<vmem>> -> memref<128xi32, #tpu.memory_space<vmem>>
      %dma_wait3A_357 = arith.constant 0 : i32
      %dma_wait3A_358 = arith.constant 0 : i32
      %dma_wait3A_359 = tpu.memref_slice %arg7[%dma_wait3A_357, %dma_wait3A_358] : memref<10240x8xf32, #tpu.memory_space<vmem_shared>> -> memref<10240x8xf32, #tpu.memory_space<vmem_shared>>
      tpu.wait_indirect_dma semaphore(%arg13 : memref<!tpu.dma_semaphore, #tpu.memory_space<semaphore_mem>>) src(%dma_wait3A_353 : memref<128x8xf32, #tpu.memory_space<vmem>>) dst(%dma_wait3A_359 : memref<10240x8xf32, #tpu.memory_space<vmem_shared>>)
      %dma_wait3A_360 = arith.constant 2 : i32
      %dma_wait3A_361 = arith.constant 0 : i32
      %dma_wait3A_362 = arith.constant 0 : i32
      %dma_wait3A_363 = tpu.memref_slice %arg10[%dma_wait3A_360, %dma_wait3A_361, %dma_wait3A_362] : memref<8x128x8xf32, #tpu.memory_space<vmem>> -> memref<1x128x8xf32, #tpu.memory_space<vmem>>
      %dma_wait3A_364 = tpu.memref_squeeze %dma_wait3A_363 : memref<1x128x8xf32, #tpu.memory_space<vmem>> -> memref<128x8xf32, #tpu.memory_space<vmem>>
      %dma_wait3A_365 = arith.constant 0 : i32
      %dma_wait3A_366 = tpu.memref_slice %arg9[%add3A_196, %dma_wait3A_365] : memref<80x128xi32, #tpu.memory_space<vmem>> -> memref<1x128xi32, #tpu.memory_space<vmem>>
      %dma_wait3A_367 = tpu.memref_squeeze %dma_wait3A_366 : memref<1x128xi32, #tpu.memory_space<vmem>> -> memref<128xi32, #tpu.memory_space<vmem>>
      %dma_wait3A_368 = arith.constant 0 : i32
      %dma_wait3A_369 = arith.constant 0 : i32
      %dma_wait3A_370 = tpu.memref_slice %arg7[%dma_wait3A_368, %dma_wait3A_369] : memref<10240x8xf32, #tpu.memory_space<vmem_shared>> -> memref<10240x8xf32, #tpu.memory_space<vmem_shared>>
      tpu.wait_indirect_dma semaphore(%arg13 : memref<!tpu.dma_semaphore, #tpu.memory_space<semaphore_mem>>) src(%dma_wait3A_364 : memref<128x8xf32, #tpu.memory_space<vmem>>) dst(%dma_wait3A_370 : memref<10240x8xf32, #tpu.memory_space<vmem_shared>>)
      %dma_wait3A_371 = arith.constant 3 : i32
      %dma_wait3A_372 = arith.constant 0 : i32
      %dma_wait3A_373 = arith.constant 0 : i32
      %dma_wait3A_374 = tpu.memref_slice %arg10[%dma_wait3A_371, %dma_wait3A_372, %dma_wait3A_373] : memref<8x128x8xf32, #tpu.memory_space<vmem>> -> memref<1x128x8xf32, #tpu.memory_space<vmem>>
      %dma_wait3A_375 = tpu.memref_squeeze %dma_wait3A_374 : memref<1x128x8xf32, #tpu.memory_space<vmem>> -> memref<128x8xf32, #tpu.memory_space<vmem>>
      %dma_wait3A_376 = arith.constant 0 : i32
      %dma_wait3A_377 = tpu.memref_slice %arg9[%add3A_222, %dma_wait3A_376] : memref<80x128xi32, #tpu.memory_space<vmem>> -> memref<1x128xi32, #tpu.memory_space<vmem>>
      %dma_wait3A_378 = tpu.memref_squeeze %dma_wait3A_377 : memref<1x128xi32, #tpu.memory_space<vmem>> -> memref<128xi32, #tpu.memory_space<vmem>>
      %dma_wait3A_379 = arith.constant 0 : i32
      %dma_wait3A_380 = arith.constant 0 : i32
      %dma_wait3A_381 = tpu.memref_slice %arg7[%dma_wait3A_379, %dma_wait3A_380] : memref<10240x8xf32, #tpu.memory_space<vmem_shared>> -> memref<10240x8xf32, #tpu.memory_space<vmem_shared>>
      tpu.wait_indirect_dma semaphore(%arg13 : memref<!tpu.dma_semaphore, #tpu.memory_space<semaphore_mem>>) src(%dma_wait3A_375 : memref<128x8xf32, #tpu.memory_space<vmem>>) dst(%dma_wait3A_381 : memref<10240x8xf32, #tpu.memory_space<vmem_shared>>)
      %dma_wait3A_382 = arith.constant 4 : i32
      %dma_wait3A_383 = arith.constant 0 : i32
      %dma_wait3A_384 = arith.constant 0 : i32
      %dma_wait3A_385 = tpu.memref_slice %arg10[%dma_wait3A_382, %dma_wait3A_383, %dma_wait3A_384] : memref<8x128x8xf32, #tpu.memory_space<vmem>> -> memref<1x128x8xf32, #tpu.memory_space<vmem>>
      %dma_wait3A_386 = tpu.memref_squeeze %dma_wait3A_385 : memref<1x128x8xf32, #tpu.memory_space<vmem>> -> memref<128x8xf32, #tpu.memory_space<vmem>>
      %dma_wait3A_387 = arith.constant 0 : i32
      %dma_wait3A_388 = tpu.memref_slice %arg9[%add3A_248, %dma_wait3A_387] : memref<80x128xi32, #tpu.memory_space<vmem>> -> memref<1x128xi32, #tpu.memory_space<vmem>>
      %dma_wait3A_389 = tpu.memref_squeeze %dma_wait3A_388 : memref<1x128xi32, #tpu.memory_space<vmem>> -> memref<128xi32, #tpu.memory_space<vmem>>
      %dma_wait3A_390 = arith.constant 0 : i32
      %dma_wait3A_391 = arith.constant 0 : i32
      %dma_wait3A_392 = tpu.memref_slice %arg7[%dma_wait3A_390, %dma_wait3A_391] : memref<10240x8xf32, #tpu.memory_space<vmem_shared>> -> memref<10240x8xf32, #tpu.memory_space<vmem_shared>>
      tpu.wait_indirect_dma semaphore(%arg13 : memref<!tpu.dma_semaphore, #tpu.memory_space<semaphore_mem>>) src(%dma_wait3A_386 : memref<128x8xf32, #tpu.memory_space<vmem>>) dst(%dma_wait3A_392 : memref<10240x8xf32, #tpu.memory_space<vmem_shared>>)
      %dma_wait3A_393 = arith.constant 5 : i32
      %dma_wait3A_394 = arith.constant 0 : i32
      %dma_wait3A_395 = arith.constant 0 : i32
      %dma_wait3A_396 = tpu.memref_slice %arg10[%dma_wait3A_393, %dma_wait3A_394, %dma_wait3A_395] : memref<8x128x8xf32, #tpu.memory_space<vmem>> -> memref<1x128x8xf32, #tpu.memory_space<vmem>>
      %dma_wait3A_397 = tpu.memref_squeeze %dma_wait3A_396 : memref<1x128x8xf32, #tpu.memory_space<vmem>> -> memref<128x8xf32, #tpu.memory_space<vmem>>
      %dma_wait3A_398 = arith.constant 0 : i32
      %dma_wait3A_399 = tpu.memref_slice %arg9[%add3A_274, %dma_wait3A_398] : memref<80x128xi32, #tpu.memory_space<vmem>> -> memref<1x128xi32, #tpu.memory_space<vmem>>
      %dma_wait3A_400 = tpu.memref_squeeze %dma_wait3A_399 : memref<1x128xi32, #tpu.memory_space<vmem>> -> memref<128xi32, #tpu.memory_space<vmem>>
      %dma_wait3A_401 = arith.constant 0 : i32
      %dma_wait3A_402 = arith.constant 0 : i32
      %dma_wait3A_403 = tpu.memref_slice %arg7[%dma_wait3A_401, %dma_wait3A_402] : memref<10240x8xf32, #tpu.memory_space<vmem_shared>> -> memref<10240x8xf32, #tpu.memory_space<vmem_shared>>
      tpu.wait_indirect_dma semaphore(%arg13 : memref<!tpu.dma_semaphore, #tpu.memory_space<semaphore_mem>>) src(%dma_wait3A_397 : memref<128x8xf32, #tpu.memory_space<vmem>>) dst(%dma_wait3A_403 : memref<10240x8xf32, #tpu.memory_space<vmem_shared>>)
      %dma_wait3A_404 = arith.constant 6 : i32
      %dma_wait3A_405 = arith.constant 0 : i32
      %dma_wait3A_406 = arith.constant 0 : i32
      %dma_wait3A_407 = tpu.memref_slice %arg10[%dma_wait3A_404, %dma_wait3A_405, %dma_wait3A_406] : memref<8x128x8xf32, #tpu.memory_space<vmem>> -> memref<1x128x8xf32, #tpu.memory_space<vmem>>
      %dma_wait3A_408 = tpu.memref_squeeze %dma_wait3A_407 : memref<1x128x8xf32, #tpu.memory_space<vmem>> -> memref<128x8xf32, #tpu.memory_space<vmem>>
      %dma_wait3A_409 = arith.constant 0 : i32
      %dma_wait3A_410 = tpu.memref_slice %arg9[%add3A_300, %dma_wait3A_409] : memref<80x128xi32, #tpu.memory_space<vmem>> -> memref<1x128xi32, #tpu.memory_space<vmem>>
      %dma_wait3A_411 = tpu.memref_squeeze %dma_wait3A_410 : memref<1x128xi32, #tpu.memory_space<vmem>> -> memref<128xi32, #tpu.memory_space<vmem>>
      %dma_wait3A_412 = arith.constant 0 : i32
      %dma_wait3A_413 = arith.constant 0 : i32
      %dma_wait3A_414 = tpu.memref_slice %arg7[%dma_wait3A_412, %dma_wait3A_413] : memref<10240x8xf32, #tpu.memory_space<vmem_shared>> -> memref<10240x8xf32, #tpu.memory_space<vmem_shared>>
      tpu.wait_indirect_dma semaphore(%arg13 : memref<!tpu.dma_semaphore, #tpu.memory_space<semaphore_mem>>) src(%dma_wait3A_408 : memref<128x8xf32, #tpu.memory_space<vmem>>) dst(%dma_wait3A_414 : memref<10240x8xf32, #tpu.memory_space<vmem_shared>>)
      %dma_wait3A_415 = arith.constant 7 : i32
      %dma_wait3A_416 = arith.constant 0 : i32
      %dma_wait3A_417 = arith.constant 0 : i32
      %dma_wait3A_418 = tpu.memref_slice %arg10[%dma_wait3A_415, %dma_wait3A_416, %dma_wait3A_417] : memref<8x128x8xf32, #tpu.memory_space<vmem>> -> memref<1x128x8xf32, #tpu.memory_space<vmem>>
      %dma_wait3A_419 = tpu.memref_squeeze %dma_wait3A_418 : memref<1x128x8xf32, #tpu.memory_space<vmem>> -> memref<128x8xf32, #tpu.memory_space<vmem>>
      %dma_wait3A_420 = arith.constant 0 : i32
      %dma_wait3A_421 = tpu.memref_slice %arg9[%add3A_326, %dma_wait3A_420] : memref<80x128xi32, #tpu.memory_space<vmem>> -> memref<1x128xi32, #tpu.memory_space<vmem>>
      %dma_wait3A_422 = tpu.memref_squeeze %dma_wait3A_421 : memref<1x128xi32, #tpu.memory_space<vmem>> -> memref<128xi32, #tpu.memory_space<vmem>>
      %dma_wait3A_423 = arith.constant 0 : i32
      %dma_wait3A_424 = arith.constant 0 : i32
      %dma_wait3A_425 = tpu.memref_slice %arg7[%dma_wait3A_423, %dma_wait3A_424] : memref<10240x8xf32, #tpu.memory_space<vmem_shared>> -> memref<10240x8xf32, #tpu.memory_space<vmem_shared>>
      tpu.wait_indirect_dma semaphore(%arg13 : memref<!tpu.dma_semaphore, #tpu.memory_space<semaphore_mem>>) src(%dma_wait3A_419 : memref<128x8xf32, #tpu.memory_space<vmem>>) dst(%dma_wait3A_425 : memref<10240x8xf32, #tpu.memory_space<vmem_shared>>)
    }
    %scan3A_9 = arith.constant 10 : i32
    %barrier3A_10 = arith.constant 0 : index
    tpu.barrier barrier_id(%barrier3A_10)
    "tpu.region"() ({
      %run_scoped3A = tpu.sem_alloc : memref<!tpu.dma_semaphore, #tpu.memory_space<semaphore_mem>>
      %dma_start3A = arith.constant 0 : i32
      %dma_start3A_11 = tpu.memref_slice %arg7[%mul3A_2, %dma_start3A] : memref<10240x8xf32, #tpu.memory_space<vmem_shared>> -> memref<640x8xf32, #tpu.memory_space<vmem_shared>>
      %dma_start3A_12 = arith.constant 0 : i32
      %dma_start3A_13 = tpu.memref_slice %arg7[%mul3A_2, %dma_start3A_12] : memref<10240x8xf32, #tpu.memory_space<vmem_shared>> -> memref<640x8xf32, #tpu.memory_space<vmem_shared>>
      tpu.enqueue_dma source(%dma_start3A_13 : memref<640x8xf32, #tpu.memory_space<vmem_shared>>) target(%arg11 : memref<640x8xf32, #tpu.memory_space<vmem>>) target_semaphore(%run_scoped3A : memref<!tpu.dma_semaphore, #tpu.memory_space<semaphore_mem>>)
      %dma_wait3A = arith.constant 0 : i32
      %dma_wait3A_14 = tpu.memref_slice %arg7[%mul3A_2, %dma_wait3A] : memref<10240x8xf32, #tpu.memory_space<vmem_shared>> -> memref<640x8xf32, #tpu.memory_space<vmem_shared>>
      %dma_wait3A_15 = arith.constant 0 : i32
      %dma_wait3A_16 = tpu.memref_slice %arg7[%mul3A_2, %dma_wait3A_15] : memref<10240x8xf32, #tpu.memory_space<vmem_shared>> -> memref<640x8xf32, #tpu.memory_space<vmem_shared>>
      tpu.wait_dma2 semaphore(%run_scoped3A : memref<!tpu.dma_semaphore, #tpu.memory_space<semaphore_mem>>) src(%dma_wait3A_16 : memref<640x8xf32, #tpu.memory_space<vmem_shared>>) dst(%arg11 : memref<640x8xf32, #tpu.memory_space<vmem>>)
      tpu.yield
    }) : () -> ()
    "tpu.region"() ({
      %run_scoped3A = tpu.sem_alloc : memref<!tpu.dma_semaphore, #tpu.memory_space<semaphore_mem>>
      %dma_start3A = arith.constant 0 : i32
      %dma_start3A_11 = tpu.memref_slice %arg6[%arg0, %mul3A_2, %dma_start3A] : memref<2x10240x8xf32, #tpu.memory_space<hbm>> -> memref<1x640x8xf32, #tpu.memory_space<hbm>>
      %dma_start3A_12 = tpu.memref_squeeze %dma_start3A_11 : memref<1x640x8xf32, #tpu.memory_space<hbm>> -> memref<640x8xf32, #tpu.memory_space<hbm>>
      %dma_start3A_13 = arith.constant 0 : i32
      %dma_start3A_14 = tpu.memref_slice %arg6[%arg0, %mul3A_2, %dma_start3A_13] : memref<2x10240x8xf32, #tpu.memory_space<hbm>> -> memref<1x640x8xf32, #tpu.memory_space<hbm>>
      %dma_start3A_15 = tpu.memref_squeeze %dma_start3A_14 : memref<1x640x8xf32, #tpu.memory_space<hbm>> -> memref<640x8xf32, #tpu.memory_space<hbm>>
      tpu.enqueue_dma source(%arg11 : memref<640x8xf32, #tpu.memory_space<vmem>>) target(%dma_start3A_15 : memref<640x8xf32, #tpu.memory_space<hbm>>) target_semaphore(%run_scoped3A : memref<!tpu.dma_semaphore, #tpu.memory_space<semaphore_mem>>)
      %dma_wait3A = arith.constant 0 : i32
      %dma_wait3A_16 = tpu.memref_slice %arg6[%arg0, %mul3A_2, %dma_wait3A] : memref<2x10240x8xf32, #tpu.memory_space<hbm>> -> memref<1x640x8xf32, #tpu.memory_space<hbm>>
      %dma_wait3A_17 = tpu.memref_squeeze %dma_wait3A_16 : memref<1x640x8xf32, #tpu.memory_space<hbm>> -> memref<640x8xf32, #tpu.memory_space<hbm>>
      %dma_wait3A_18 = arith.constant 0 : i32
      %dma_wait3A_19 = tpu.memref_slice %arg6[%arg0, %mul3A_2, %dma_wait3A_18] : memref<2x10240x8xf32, #tpu.memory_space<hbm>> -> memref<1x640x8xf32, #tpu.memory_space<hbm>>
      %dma_wait3A_20 = tpu.memref_squeeze %dma_wait3A_19 : memref<1x640x8xf32, #tpu.memory_space<hbm>> -> memref<640x8xf32, #tpu.memory_space<hbm>>
      tpu.wait_dma2 semaphore(%run_scoped3A : memref<!tpu.dma_semaphore, #tpu.memory_space<semaphore_mem>>) src(%arg11 : memref<640x8xf32, #tpu.memory_space<vmem>>) dst(%dma_wait3A_20 : memref<640x8xf32, #tpu.memory_space<hbm>>)
      tpu.yield
    }) : () -> ()
    return
  }
}

module attributes {stable_mosaic.version = 14 : i64} {
  func.func @_tc_msg1(%arg0: memref<10000x128xf32, #tpu.memory_space<vmem>>, %arg1: memref<10000x4xf32, #tpu.memory_space<vmem>>, %arg2: memref<128x32xf32, #tpu.memory_space<vmem>>, %arg3: memref<4x32xf32, #tpu.memory_space<vmem>>, %arg4: memref<1x32xf32, #tpu.memory_space<vmem>>, %arg5: memref<16x16xf32, #tpu.memory_space<vmem>>, %arg6: memref<1x16xf32, #tpu.memory_space<vmem>>, %arg7: memref<10000x16xf32, #tpu.memory_space<vmem>>, %arg8: memref<10000x16xf32, #tpu.memory_space<vmem>>) attributes {dimension_semantics = [], scalar_prefetch = 0 : i64, scratch_operands = 0 : i64, tpu.core_type = #tpu.core_type<tc>} {
    %get3A = arith.constant 0 : index
    %get3A_0 = arith.constant 0 : index
    %get3A_1 = vector.load %arg0[%get3A, %get3A_0] : memref<10000x128xf32, #tpu.memory_space<vmem>>, vector<10000x128xf32>
    %get3A_2 = arith.constant 0 : index
    %get3A_3 = arith.constant 0 : index
    %get3A_4 = vector.load %arg2[%get3A_2, %get3A_3] : memref<128x32xf32, #tpu.memory_space<vmem>>, vector<128x32xf32>
    %dot_general3A = arith.constant dense<0.000000e+00> : vector<10000x32xf32>
    %dot_general3A_5 = tpu.matmul %get3A_1, %get3A_4, %dot_general3A {dimension_numbers = #tpu.dot_dimension_numbers<[1], [0], [0], [1], [0, 0, 1, 1], [], []>, transpose_lhs_hint = false} : vector<10000x128xf32>, vector<128x32xf32>, vector<10000x32xf32> -> vector<10000x32xf32>
    %get3A_6 = arith.constant 0 : index
    %get3A_7 = arith.constant 0 : index
    %get3A_8 = vector.load %arg1[%get3A_6, %get3A_7] : memref<10000x4xf32, #tpu.memory_space<vmem>>, vector<10000x4xf32>
    %get3A_9 = arith.constant 0 : index
    %get3A_10 = arith.constant 0 : index
    %get3A_11 = vector.load %arg3[%get3A_9, %get3A_10] : memref<4x32xf32, #tpu.memory_space<vmem>>, vector<4x32xf32>
    %dot_general3A_12 = arith.constant dense<0.000000e+00> : vector<10000x32xf32>
    %dot_general3A_13 = tpu.matmul %get3A_8, %get3A_11, %dot_general3A_12 {dimension_numbers = #tpu.dot_dimension_numbers<[1], [0], [0], [1], [0, 0, 1, 1], [], []>, transpose_lhs_hint = false} : vector<10000x4xf32>, vector<4x32xf32>, vector<10000x32xf32> -> vector<10000x32xf32>
    %add3A = arith.addf %dot_general3A_5, %dot_general3A_13 : vector<10000x32xf32>
    %get3A_14 = arith.constant 0 : index
    %get3A_15 = arith.constant 0 : index
    %get3A_16 = vector.load %arg4[%get3A_14, %get3A_15] : memref<1x32xf32, #tpu.memory_space<vmem>>, vector<1x32xf32>
    %add3A_17 = vector.broadcast %get3A_16 : vector<1x32xf32> to vector<10000x32xf32>
    %add3A_18 = arith.addf %add3A, %add3A_17 : vector<10000x32xf32>
    %slice3A = vector.extract_strided_slice %add3A_18 {offsets = [0, 0], sizes = [10000, 16], strides = [1, 1]} : vector<10000x32xf32> to vector<10000x16xf32>
    %max3A = arith.constant 0.000000e+00 : f32
    %max3A_19 = vector.broadcast %max3A : f32 to vector<10000x16xf32>
    %max3A_20 = arith.maximumf %slice3A, %max3A_19 : vector<10000x16xf32>
    %get3A_21 = arith.constant 0 : index
    %get3A_22 = arith.constant 0 : index
    %get3A_23 = vector.load %arg5[%get3A_21, %get3A_22] : memref<16x16xf32, #tpu.memory_space<vmem>>, vector<16x16xf32>
    %dot_general3A_24 = arith.constant dense<0.000000e+00> : vector<10000x16xf32>
    %dot_general3A_25 = tpu.matmul %max3A_20, %get3A_23, %dot_general3A_24 {dimension_numbers = #tpu.dot_dimension_numbers<[1], [0], [0], [1], [0, 0, 1, 1], [], []>, transpose_lhs_hint = false} : vector<10000x16xf32>, vector<16x16xf32>, vector<10000x16xf32> -> vector<10000x16xf32>
    %get3A_26 = arith.constant 0 : index
    %get3A_27 = arith.constant 0 : index
    %get3A_28 = vector.load %arg6[%get3A_26, %get3A_27] : memref<1x16xf32, #tpu.memory_space<vmem>>, vector<1x16xf32>
    %add3A_29 = vector.broadcast %get3A_28 : vector<1x16xf32> to vector<10000x16xf32>
    %add3A_30 = arith.addf %dot_general3A_25, %add3A_29 : vector<10000x16xf32>
    %swap3A = arith.constant 0 : index
    %swap3A_31 = arith.constant 0 : index
    %swap3A_32 = vector.load %arg7[%swap3A, %swap3A_31] : memref<10000x16xf32, #tpu.memory_space<vmem>>, vector<10000x16xf32>
    tpu.vector_store %arg7[%swap3A, %swap3A_31], %add3A_30 {strides = array<i32>} : memref<10000x16xf32, #tpu.memory_space<vmem>>, vector<10000x16xf32>,
    %slice3A_33 = vector.extract_strided_slice %add3A_18 {offsets = [0, 16], sizes = [10000, 16], strides = [1, 1]} : vector<10000x32xf32> to vector<10000x16xf32>
    %swap3A_34 = arith.constant 0 : index
    %swap3A_35 = arith.constant 0 : index
    %swap3A_36 = vector.load %arg8[%swap3A_34, %swap3A_35] : memref<10000x16xf32, #tpu.memory_space<vmem>>, vector<10000x16xf32>
    tpu.vector_store %arg8[%swap3A_34, %swap3A_35], %slice3A_33 {strides = array<i32>} : memref<10000x16xf32, #tpu.memory_space<vmem>>, vector<10000x16xf32>,
    return
  }
}

module attributes {stable_mosaic.version = 14 : i64} {
  func.func @_tc_mid(%arg0: memref<10000x16xf32, #tpu.memory_space<vmem>>, %arg1: memref<2x10240x16xf32, #tpu.memory_space<vmem>>, %arg2: memref<16x16xf32, #tpu.memory_space<vmem>>, %arg3: memref<16x16xf32, #tpu.memory_space<vmem>>, %arg4: memref<1x16xf32, #tpu.memory_space<vmem>>, %arg5: memref<16x8xf32, #tpu.memory_space<vmem>>, %arg6: memref<1x8xf32, #tpu.memory_space<vmem>>, %arg7: memref<8x8xf32, #tpu.memory_space<vmem>>, %arg8: memref<1x8xf32, #tpu.memory_space<vmem>>, %arg9: memref<10000x16xf32, #tpu.memory_space<vmem>>, %arg10: memref<10000x8xf32, #tpu.memory_space<vmem>>) attributes {dimension_semantics = [], scalar_prefetch = 0 : i64, scratch_operands = 0 : i64, tpu.core_type = #tpu.core_type<tc>} {
    %get3A = arith.constant 0 : index
    %get3A_0 = arith.constant 0 : index
    %get3A_1 = arith.constant 0 : index
    %get3A_2 = vector.load %arg1[%get3A, %get3A_0, %get3A_1] : memref<2x10240x16xf32, #tpu.memory_space<vmem>>, vector<1x10000x16xf32>
    %get3A_3 = vector.shape_cast %get3A_2 : vector<1x10000x16xf32> to vector<10000x16xf32>
    %get3A_4 = arith.constant 1 : index
    %get3A_5 = arith.constant 0 : index
    %get3A_6 = arith.constant 0 : index
    %get3A_7 = vector.load %arg1[%get3A_4, %get3A_5, %get3A_6] : memref<2x10240x16xf32, #tpu.memory_space<vmem>>, vector<1x10000x16xf32>
    %get3A_8 = vector.shape_cast %get3A_7 : vector<1x10000x16xf32> to vector<10000x16xf32>
    %add3A = arith.addf %get3A_3, %get3A_8 : vector<10000x16xf32>
    %get3A_9 = arith.constant 0 : index
    %get3A_10 = arith.constant 0 : index
    %get3A_11 = vector.load %arg0[%get3A_9, %get3A_10] : memref<10000x16xf32, #tpu.memory_space<vmem>>, vector<10000x16xf32>
    %get3A_12 = arith.constant 0 : index
    %get3A_13 = arith.constant 0 : index
    %get3A_14 = vector.load %arg2[%get3A_12, %get3A_13] : memref<16x16xf32, #tpu.memory_space<vmem>>, vector<16x16xf32>
    %dot_general3A = arith.constant dense<0.000000e+00> : vector<10000x16xf32>
    %dot_general3A_15 = tpu.matmul %add3A, %get3A_14, %dot_general3A {dimension_numbers = #tpu.dot_dimension_numbers<[1], [0], [0], [1], [0, 0, 1, 1], [], []>, transpose_lhs_hint = false} : vector<10000x16xf32>, vector<16x16xf32>, vector<10000x16xf32> -> vector<10000x16xf32>
    %add3A_16 = arith.addf %get3A_11, %dot_general3A_15 : vector<10000x16xf32>
    %max3A = arith.constant 0.000000e+00 : f32
    %max3A_17 = vector.broadcast %max3A : f32 to vector<10000x16xf32>
    %max3A_18 = arith.maximumf %add3A_16, %max3A_17 : vector<10000x16xf32>
    %get3A_19 = arith.constant 0 : index
    %get3A_20 = arith.constant 0 : index
    %get3A_21 = vector.load %arg3[%get3A_19, %get3A_20] : memref<16x16xf32, #tpu.memory_space<vmem>>, vector<16x16xf32>
    %dot_general3A_22 = arith.constant dense<0.000000e+00> : vector<10000x16xf32>
    %dot_general3A_23 = tpu.matmul %max3A_18, %get3A_21, %dot_general3A_22 {dimension_numbers = #tpu.dot_dimension_numbers<[1], [0], [0], [1], [0, 0, 1, 1], [], []>, transpose_lhs_hint = false} : vector<10000x16xf32>, vector<16x16xf32>, vector<10000x16xf32> -> vector<10000x16xf32>
    %get3A_24 = arith.constant 0 : index
    %get3A_25 = arith.constant 0 : index
    %get3A_26 = vector.load %arg4[%get3A_24, %get3A_25] : memref<1x16xf32, #tpu.memory_space<vmem>>, vector<1x16xf32>
    %add3A_27 = vector.broadcast %get3A_26 : vector<1x16xf32> to vector<10000x16xf32>
    %add3A_28 = arith.addf %dot_general3A_23, %add3A_27 : vector<10000x16xf32>
    %get3A_29 = arith.constant 0 : index
    %get3A_30 = arith.constant 0 : index
    %get3A_31 = vector.load %arg2[%get3A_29, %get3A_30] : memref<16x16xf32, #tpu.memory_space<vmem>>, vector<16x16xf32>
    %dot_general3A_32 = arith.constant dense<0.000000e+00> : vector<10000x16xf32>
    %dot_general3A_33 = tpu.matmul %add3A_28, %get3A_31, %dot_general3A_32 {dimension_numbers = #tpu.dot_dimension_numbers<[1], [0], [0], [1], [0, 0, 1, 1], [], []>, transpose_lhs_hint = false} : vector<10000x16xf32>, vector<16x16xf32>, vector<10000x16xf32> -> vector<10000x16xf32>
    %add3A_34 = arith.addf %get3A_11, %dot_general3A_33 : vector<10000x16xf32>
    %max3A_35 = arith.constant 0.000000e+00 : f32
    %max3A_36 = vector.broadcast %max3A_35 : f32 to vector<10000x16xf32>
    %max3A_37 = arith.maximumf %add3A_34, %max3A_36 : vector<10000x16xf32>
    %get3A_38 = arith.constant 0 : index
    %get3A_39 = arith.constant 0 : index
    %get3A_40 = vector.load %arg3[%get3A_38, %get3A_39] : memref<16x16xf32, #tpu.memory_space<vmem>>, vector<16x16xf32>
    %dot_general3A_41 = arith.constant dense<0.000000e+00> : vector<10000x16xf32>
    %dot_general3A_42 = tpu.matmul %max3A_37, %get3A_40, %dot_general3A_41 {dimension_numbers = #tpu.dot_dimension_numbers<[1], [0], [0], [1], [0, 0, 1, 1], [], []>, transpose_lhs_hint = false} : vector<10000x16xf32>, vector<16x16xf32>, vector<10000x16xf32> -> vector<10000x16xf32>
    %get3A_43 = arith.constant 0 : index
    %get3A_44 = arith.constant 0 : index
    %get3A_45 = vector.load %arg4[%get3A_43, %get3A_44] : memref<1x16xf32, #tpu.memory_space<vmem>>, vector<1x16xf32>
    %add3A_46 = vector.broadcast %get3A_45 : vector<1x16xf32> to vector<10000x16xf32>
    %add3A_47 = arith.addf %dot_general3A_42, %add3A_46 : vector<10000x16xf32>
    %max3A_48 = arith.constant 0.000000e+00 : f32
    %max3A_49 = vector.broadcast %max3A_48 : f32 to vector<10000x16xf32>
    %max3A_50 = arith.maximumf %add3A_47, %max3A_49 : vector<10000x16xf32>
    %swap3A = arith.constant 0 : index
    %swap3A_51 = arith.constant 0 : index
    %swap3A_52 = vector.load %arg9[%swap3A, %swap3A_51] : memref<10000x16xf32, #tpu.memory_space<vmem>>, vector<10000x16xf32>
    tpu.vector_store %arg9[%swap3A, %swap3A_51], %max3A_50 {strides = array<i32>} : memref<10000x16xf32, #tpu.memory_space<vmem>>, vector<10000x16xf32>,
    %get3A_53 = arith.constant 0 : index
    %get3A_54 = arith.constant 0 : index
    %get3A_55 = vector.load %arg5[%get3A_53, %get3A_54] : memref<16x8xf32, #tpu.memory_space<vmem>>, vector<16x8xf32>
    %dot_general3A_56 = arith.constant dense<0.000000e+00> : vector<10000x8xf32>
    %dot_general3A_57 = tpu.matmul %max3A_50, %get3A_55, %dot_general3A_56 {dimension_numbers = #tpu.dot_dimension_numbers<[1], [0], [0], [1], [0, 0, 1, 1], [], []>, transpose_lhs_hint = false} : vector<10000x16xf32>, vector<16x8xf32>, vector<10000x8xf32> -> vector<10000x8xf32>
    %get3A_58 = arith.constant 0 : index
    %get3A_59 = arith.constant 0 : index
    %get3A_60 = vector.load %arg6[%get3A_58, %get3A_59] : memref<1x8xf32, #tpu.memory_space<vmem>>, vector<1x8xf32>
    %add3A_61 = vector.broadcast %get3A_60 : vector<1x8xf32> to vector<10000x8xf32>
    %add3A_62 = arith.addf %dot_general3A_57, %add3A_61 : vector<10000x8xf32>
    %max3A_63 = arith.constant 0.000000e+00 : f32
    %max3A_64 = vector.broadcast %max3A_63 : f32 to vector<10000x8xf32>
    %max3A_65 = arith.maximumf %add3A_62, %max3A_64 : vector<10000x8xf32>
    %get3A_66 = arith.constant 0 : index
    %get3A_67 = arith.constant 0 : index
    %get3A_68 = vector.load %arg7[%get3A_66, %get3A_67] : memref<8x8xf32, #tpu.memory_space<vmem>>, vector<8x8xf32>
    %dot_general3A_69 = arith.constant dense<0.000000e+00> : vector<10000x8xf32>
    %dot_general3A_70 = tpu.matmul %max3A_65, %get3A_68, %dot_general3A_69 {dimension_numbers = #tpu.dot_dimension_numbers<[1], [0], [0], [1], [0, 0, 1, 1], [], []>, transpose_lhs_hint = false} : vector<10000x8xf32>, vector<8x8xf32>, vector<10000x8xf32> -> vector<10000x8xf32>
    %get3A_71 = arith.constant 0 : index
    %get3A_72 = arith.constant 0 : index
    %get3A_73 = vector.load %arg8[%get3A_71, %get3A_72] : memref<1x8xf32, #tpu.memory_space<vmem>>, vector<1x8xf32>
    %add3A_74 = vector.broadcast %get3A_73 : vector<1x8xf32> to vector<10000x8xf32>
    %add3A_75 = arith.addf %dot_general3A_70, %add3A_74 : vector<10000x8xf32>
    %swap3A_76 = arith.constant 0 : index
    %swap3A_77 = arith.constant 0 : index
    %swap3A_78 = vector.load %arg10[%swap3A_76, %swap3A_77] : memref<10000x8xf32, #tpu.memory_space<vmem>>, vector<10000x8xf32>
    tpu.vector_store %arg10[%swap3A_76, %swap3A_77], %add3A_75 {strides = array<i32>} : memref<10000x8xf32, #tpu.memory_space<vmem>>, vector<10000x8xf32>,
    return
  }
}

module attributes {stable_mosaic.version = 14 : i64} {
  func.func @_tc_out(%arg0: memref<10000x16xf32, #tpu.memory_space<vmem>>, %arg1: memref<2x10240x8xf32, #tpu.memory_space<vmem>>, %arg2: memref<16x8xf32, #tpu.memory_space<vmem>>, %arg3: memref<8x8xf32, #tpu.memory_space<vmem>>, %arg4: memref<1x8xf32, #tpu.memory_space<vmem>>, %arg5: memref<8x8xf32, #tpu.memory_space<vmem>>, %arg6: memref<1x8xf32, #tpu.memory_space<vmem>>, %arg7: memref<8x1xf32, #tpu.memory_space<vmem>>, %arg8: memref<1x1xf32, #tpu.memory_space<vmem>>, %arg9: memref<10000x1xf32, #tpu.memory_space<vmem>>) attributes {dimension_semantics = [], scalar_prefetch = 0 : i64, scratch_operands = 0 : i64, tpu.core_type = #tpu.core_type<tc>} {
    %get3A = arith.constant 0 : index
    %get3A_0 = arith.constant 0 : index
    %get3A_1 = arith.constant 0 : index
    %get3A_2 = vector.load %arg1[%get3A, %get3A_0, %get3A_1] : memref<2x10240x8xf32, #tpu.memory_space<vmem>>, vector<1x10000x8xf32>
    %get3A_3 = vector.shape_cast %get3A_2 : vector<1x10000x8xf32> to vector<10000x8xf32>
    %get3A_4 = arith.constant 1 : index
    %get3A_5 = arith.constant 0 : index
    %get3A_6 = arith.constant 0 : index
    %get3A_7 = vector.load %arg1[%get3A_4, %get3A_5, %get3A_6] : memref<2x10240x8xf32, #tpu.memory_space<vmem>>, vector<1x10000x8xf32>
    %get3A_8 = vector.shape_cast %get3A_7 : vector<1x10000x8xf32> to vector<10000x8xf32>
    %add3A = arith.addf %get3A_3, %get3A_8 : vector<10000x8xf32>
    %get3A_9 = arith.constant 0 : index
    %get3A_10 = arith.constant 0 : index
    %get3A_11 = vector.load %arg0[%get3A_9, %get3A_10] : memref<10000x16xf32, #tpu.memory_space<vmem>>, vector<10000x16xf32>
    %get3A_12 = arith.constant 0 : index
    %get3A_13 = arith.constant 0 : index
    %get3A_14 = vector.load %arg2[%get3A_12, %get3A_13] : memref<16x8xf32, #tpu.memory_space<vmem>>, vector<16x8xf32>
    %dot_general3A = arith.constant dense<0.000000e+00> : vector<10000x8xf32>
    %dot_general3A_15 = tpu.matmul %get3A_11, %get3A_14, %dot_general3A {dimension_numbers = #tpu.dot_dimension_numbers<[1], [0], [0], [1], [0, 0, 1, 1], [], []>, transpose_lhs_hint = false} : vector<10000x16xf32>, vector<16x8xf32>, vector<10000x8xf32> -> vector<10000x8xf32>
    %get3A_16 = arith.constant 0 : index
    %get3A_17 = arith.constant 0 : index
    %get3A_18 = vector.load %arg4[%get3A_16, %get3A_17] : memref<1x8xf32, #tpu.memory_space<vmem>>, vector<1x8xf32>
    %add3A_19 = vector.broadcast %get3A_18 : vector<1x8xf32> to vector<10000x8xf32>
    %add3A_20 = arith.addf %dot_general3A_15, %add3A_19 : vector<10000x8xf32>
    %get3A_21 = arith.constant 0 : index
    %get3A_22 = arith.constant 0 : index
    %get3A_23 = vector.load %arg3[%get3A_21, %get3A_22] : memref<8x8xf32, #tpu.memory_space<vmem>>, vector<8x8xf32>
    %dot_general3A_24 = arith.constant dense<0.000000e+00> : vector<10000x8xf32>
    %dot_general3A_25 = tpu.matmul %add3A, %get3A_23, %dot_general3A_24 {dimension_numbers = #tpu.dot_dimension_numbers<[1], [0], [0], [1], [0, 0, 1, 1], [], []>, transpose_lhs_hint = false} : vector<10000x8xf32>, vector<8x8xf32>, vector<10000x8xf32> -> vector<10000x8xf32>
    %add3A_26 = arith.addf %add3A_20, %dot_general3A_25 : vector<10000x8xf32>
    %max3A = arith.constant 0.000000e+00 : f32
    %max3A_27 = vector.broadcast %max3A : f32 to vector<10000x8xf32>
    %max3A_28 = arith.maximumf %add3A_26, %max3A_27 : vector<10000x8xf32>
    %get3A_29 = arith.constant 0 : index
    %get3A_30 = arith.constant 0 : index
    %get3A_31 = vector.load %arg5[%get3A_29, %get3A_30] : memref<8x8xf32, #tpu.memory_space<vmem>>, vector<8x8xf32>
    %dot_general3A_32 = arith.constant dense<0.000000e+00> : vector<10000x8xf32>
    %dot_general3A_33 = tpu.matmul %max3A_28, %get3A_31, %dot_general3A_32 {dimension_numbers = #tpu.dot_dimension_numbers<[1], [0], [0], [1], [0, 0, 1, 1], [], []>, transpose_lhs_hint = false} : vector<10000x8xf32>, vector<8x8xf32>, vector<10000x8xf32> -> vector<10000x8xf32>
    %get3A_34 = arith.constant 0 : index
    %get3A_35 = arith.constant 0 : index
    %get3A_36 = vector.load %arg6[%get3A_34, %get3A_35] : memref<1x8xf32, #tpu.memory_space<vmem>>, vector<1x8xf32>
    %add3A_37 = vector.broadcast %get3A_36 : vector<1x8xf32> to vector<10000x8xf32>
    %add3A_38 = arith.addf %dot_general3A_33, %add3A_37 : vector<10000x8xf32>
    %get3A_39 = arith.constant 0 : index
    %get3A_40 = arith.constant 0 : index
    %get3A_41 = vector.load %arg3[%get3A_39, %get3A_40] : memref<8x8xf32, #tpu.memory_space<vmem>>, vector<8x8xf32>
    %dot_general3A_42 = arith.constant dense<0.000000e+00> : vector<10000x8xf32>
    %dot_general3A_43 = tpu.matmul %add3A_38, %get3A_41, %dot_general3A_42 {dimension_numbers = #tpu.dot_dimension_numbers<[1], [0], [0], [1], [0, 0, 1, 1], [], []>, transpose_lhs_hint = false} : vector<10000x8xf32>, vector<8x8xf32>, vector<10000x8xf32> -> vector<10000x8xf32>
    %add3A_44 = arith.addf %add3A_20, %dot_general3A_43 : vector<10000x8xf32>
    %max3A_45 = arith.constant 0.000000e+00 : f32
    %max3A_46 = vector.broadcast %max3A_45 : f32 to vector<10000x8xf32>
    %max3A_47 = arith.maximumf %add3A_44, %max3A_46 : vector<10000x8xf32>
    %get3A_48 = arith.constant 0 : index
    %get3A_49 = arith.constant 0 : index
    %get3A_50 = vector.load %arg5[%get3A_48, %get3A_49] : memref<8x8xf32, #tpu.memory_space<vmem>>, vector<8x8xf32>
    %dot_general3A_51 = arith.constant dense<0.000000e+00> : vector<10000x8xf32>
    %dot_general3A_52 = tpu.matmul %max3A_47, %get3A_50, %dot_general3A_51 {dimension_numbers = #tpu.dot_dimension_numbers<[1], [0], [0], [1], [0, 0, 1, 1], [], []>, transpose_lhs_hint = false} : vector<10000x8xf32>, vector<8x8xf32>, vector<10000x8xf32> -> vector<10000x8xf32>
    %get3A_53 = arith.constant 0 : index
    %get3A_54 = arith.constant 0 : index
    %get3A_55 = vector.load %arg6[%get3A_53, %get3A_54] : memref<1x8xf32, #tpu.memory_space<vmem>>, vector<1x8xf32>
    %add3A_56 = vector.broadcast %get3A_55 : vector<1x8xf32> to vector<10000x8xf32>
    %add3A_57 = arith.addf %dot_general3A_52, %add3A_56 : vector<10000x8xf32>
    %max3A_58 = arith.constant 0.000000e+00 : f32
    %max3A_59 = vector.broadcast %max3A_58 : f32 to vector<10000x8xf32>
    %max3A_60 = arith.maximumf %add3A_57, %max3A_59 : vector<10000x8xf32>
    %get3A_61 = arith.constant 0 : index
    %get3A_62 = arith.constant 0 : index
    %get3A_63 = vector.load %arg7[%get3A_61, %get3A_62] : memref<8x1xf32, #tpu.memory_space<vmem>>, vector<8x1xf32>
    %dot_general3A_64 = arith.constant dense<0.000000e+00> : vector<10000x1xf32>
    %dot_general3A_65 = tpu.matmul %max3A_60, %get3A_63, %dot_general3A_64 {dimension_numbers = #tpu.dot_dimension_numbers<[1], [0], [0], [1], [0, 0, 1, 1], [], []>, transpose_lhs_hint = false} : vector<10000x8xf32>, vector<8x1xf32>, vector<10000x1xf32> -> vector<10000x1xf32>
    %get3A_66 = arith.constant 0 : index
    %get3A_67 = arith.constant 0 : index
    %get3A_68 = vector.load %arg8[%get3A_66, %get3A_67] : memref<1x1xf32, #tpu.memory_space<vmem>>, vector<1x1xf32>
    %add3A_69 = vector.broadcast %get3A_68 : vector<1x1xf32> to vector<10000x1xf32>
    %add3A_70 = arith.addf %dot_general3A_65, %add3A_69 : vector<10000x1xf32>
    %swap3A = arith.constant 0 : index
    %swap3A_71 = arith.constant 0 : index
    %swap3A_72 = vector.load %arg9[%swap3A, %swap3A_71] : memref<10000x1xf32, #tpu.memory_space<vmem>>, vector<10000x1xf32>
    tpu.vector_store %arg9[%swap3A, %swap3A_71], %add3A_70 {strides = array<i32>} : memref<10000x1xf32, #tpu.memory_space<vmem>>, vector<10000x1xf32>,
    return
  }
}

</mosaic_0001>

<sc_bundles>
// kernel: kernel.10.cloned.1.call-start
scs
__scs_entry_jumppad:
0x0: {  	(pc) =	sbr.rel $0x88, $3  }
0x1: {  	(tag) =	ssettag $0x0;
	lr =	simm.s32 $0x1  }
0x2: {  	[smem:$0x3F8D] =	sst lr;
	_ =	strace $0xD0000000  }
0x3: {  	_ = 	snop  }
0x4: {  	_ = 	snop  }
0x5: {  	_ = 	snop  }
0x6: {  	_ = 	snop  }
0x7: {  	_ = 	snop  }
__scs_overlays_trampoline_lowered:
0x8: {  	[smem:$0x3F9C] =	sst s0  }
0x9: {  	[smem:$0x3F9D] =	sst s1  }
0xa: {  	[smem:$0x3F9E] =	sst s2  }
0xb: {  	[smem:$0x3F9F] =	sst s3  }
0xc: {  	[smem:$0x3FA0] =	sst s4  }
0xd: {  	[smem:$0x3FA1] =	sst s5  }
0xe: {  	[smem:$0x3FA2] =	sst s6  }
0xf: {  	[smem:$0x3FA3] =	sst s7  }
0x10: {  	[smem:$0x3FA4] =	sst s8  }
0x11: {  	[smem:$0x3FA5] =	sst s9;
	s0 =	simm.s32 @!p0 $0x0  }
0x12: {  	s1 =	sld [smem:$0x3F8B];
	s0 =	simm.s32 @p0 $0x1  }
0x13: {  	[smem:$0x3FA6] =	sst s0;
	s0 =	simm.s32 @!p1 $0x0  }
0x14: {  	s2 =	sld [smem:$0x3F8A];
	s0 =	simm.s32 @p1 $0x1  }
0x15: {  	[smem:$0x3FA7] =	sst s0;
	s0 =	simm.s32 @!p2 $0x0  }
0x16: {  	s3 =	sld [smem:$0x3FDB];
	s0 =	simm.s32 @p2 $0x1  }
0x17: {  	s4 =	simm.s32 $0x1BF5;
	[smem:$0x3FA9] =	sst s0  }
0x18: {  	s0 =	sld [smem:$0x3F8C];
	_ =	swait.ge [sflag:s4], $0x0  }
0x19: {  	s7 =	sld [smem:$0x3F8D]  }
0x1a: {  	s8 =	sadd.s32 $0xFFFFE003, lr  }
0x1b: {  	s9 =	sadd.s32 $0xFFFFFEF7, lr;
	s5 =	simm.s32 $0xFFFFFFFF;
	p2 =	slt.u32 s8, $0xFFFFF086  }
0x1c: {  	p1 =	slt.u32 s9, $0xF7A;
	s5 =	simm.s32 @!p2 $0x0  }
0x1d: {  	s5 =	simm.s32 @p1 $0x1;
	p0 =	seq.s32 s7, s2  }
0x1e: {  	s7 =	smul.u32 @!p0 $0xF7A, s2;
	p2 =	seq.s32 @!p0 s5, $0x0  }
0x1f: {  	s9 =	smul.u32 $0xF7A, s1;
	s8 =	simm.s32 @!p0 $0x1BF5;
	p2 =	por !p2, p0  }
0x20: {  	[sflag:s8] =	ssyncset.s32 @!p0 $0xFFFFF086;
	s6 =	sadd.s32 @!p0 s3, s7;
	s7 =	simm.s32 @!p0 $0x108  }
0x21: {  	s3 =	sadd.s32 s3, s9;
	s6 =	sadd.s32 @!p0 $0x88, s6;
	s7 =	simm.s32 @p2 $0x1082  }
0x22: {  	[simem:s7], [sflag:s8] =	dma.local @!p0 [hbm:s6], $0xF7A  }
0x23: {  	s9 =	sor.u32 $0xD0000000, s2;
	s6 =	simm.s32 $0x108;
	_ =	swait.ge @!p0 [sflag:s8], $0x0  }
0x24: {  	s3 =	sadd.s32 $0x88, s3;
	s6 =	simm.s32 @!p1 $0x1082;
	[sflag:s4] =	ssyncset.s32 $0xFFFFF086  }
0x25: {  	[simem:s6], [sflag:s4] =	dma.local [hbm:s3], $0xF7A  }
0x26: {  	[smem:$0x3F8D] =	sst s1;
	(tag) =	ssettag s2;
	_ =	strace s9  }
0x27: {  	s1 =	sld [smem:$0x3F9D]  }
0x28: {  	s2 =	sld [smem:$0x3F9E]  }
0x29: {  	s4 =	sld [smem:$0x3FA0]  }
0x2a: {  	p0 =	seq.s32 s5, $0x0;
	s5 =	sld [smem:$0x3FA1]  }
0x2b: {  	s6 =	sld [smem:$0x3FA2]  }
0x2c: {  	s7 =	sld [smem:$0x3FA3]  }
0x2d: {  	s3 =	simm.s32 $0x108;
	s8 =	sld [smem:$0x3FA4]  }
0x2e: {  	s3 =	simm.s32 @!p0 $0x1082;
	s9 =	sld [smem:$0x3FA5]  }
0x2f: {  	lr =	sadd.s32 s0, s3;
	s0 =	sld [smem:$0x3F9C]  }
0x30: {  	s3 =	sld [smem:$0x3F9F]  }
0x31: {  	[smem:$0x3FA8] =	sst s10  }
0x32: {  	s10 =	sld [smem:$0x3FA6];
	_ =	sdelay $0x3  }
0x33: {  	p0 =	seq.s32 s10, $0x1;
	s10 =	sld [smem:$0x3FA8];
	_ =	sdelay $0x3  }
0x34: {  	[smem:$0x3FA8] =	sst s10  }
0x35: {  	s10 =	sld [smem:$0x3FA7];
	_ =	sdelay $0x3  }
0x36: {  	p1 =	seq.s32 s10, $0x1;
	s10 =	sld [smem:$0x3FA8];
	_ =	sdelay $0x3  }
0x37: {  	[smem:$0x3FA8] =	sst s10  }
0x38: {  	s10 =	sld [smem:$0x3FA9]  }
0x39: {  	_ = 	snop;
	(pc) =	sbr.ind lr, $3  }
0x3a: {  	_ = 	snop  }
0x3b: {  	_ = 	snop  }
0x3c: {  	p2 =	seq.s32 s10, $0x1;
	s10 =	sld [smem:$0x3FA8]  }
0x3d: {  	_ =	shalt  }
0x3e: {  	_ =	shalt  }
0x3f: {  	_ =	shalt  }
0x40: {  	_ =	shalt  }
0x41: {  	_ =	shalt  }
0x42: {  	_ =	shalt  }
0x43: {  	_ =	shalt  }
0x44: {  	_ =	shalt  }
0x45: {  	_ =	shalt  }
0x46: {  	_ =	shalt  }
0x47: {  	_ =	shalt  }
0x48: {  	_ =	shalt  }
0x49: {  	_ =	shalt  }
0x4a: {  	_ =	shalt  }
0x4b: {  	_ =	shalt  }
0x4c: {  	_ =	shalt  }
0x4d: {  	_ =	shalt  }
0x4e: {  	_ =	shalt  }
0x4f: {  	_ =	shalt  }
0x50: {  	_ =	shalt  }
0x51: {  	_ =	shalt  }
0x52: {  	_ =	shalt  }
0x53: {  	_ =	shalt  }
0x54: {  	_ =	shalt  }
0x55: {  	_ =	shalt  }
0x56: {  	_ =	shalt  }
0x57: {  	_ =	shalt  }
0x58: {  	_ =	shalt  }
0x59: {  	_ =	shalt  }
0x5a: {  	_ =	shalt  }
0x5b: {  	_ =	shalt  }
0x5c: {  	_ =	shalt  }
0x5d: {  	_ =	shalt  }
0x5e: {  	_ =	shalt  }
0x5f: {  	_ =	shalt  }
0x60: {  	_ =	shalt  }
0x61: {  	_ =	shalt  }
0x62: {  	_ =	shalt  }
0x63: {  	_ =	shalt  }
0x64: {  	_ =	shalt  }
0x65: {  	_ =	shalt  }
0x66: {  	_ =	shalt  }
0x67: {  	_ =	shalt  }
0x68: {  	_ =	shalt  }
0x69: {  	_ =	shalt  }
0x6a: {  	_ =	shalt  }
0x6b: {  	_ =	shalt  }
0x6c: {  	_ =	shalt  }
0x6d: {  	_ =	shalt  }
0x6e: {  	_ =	shalt  }
0x6f: {  	_ =	shalt  }
0x70: {  	_ =	shalt  }
0x71: {  	_ =	shalt  }
0x72: {  	_ =	shalt  }
0x73: {  	_ =	shalt  }
0x74: {  	_ =	shalt  }
0x75: {  	_ =	shalt  }
0x76: {  	_ =	shalt  }
0x77: {  	_ =	shalt  }
0x78: {  	_ =	shalt  }
0x79: {  	_ =	shalt  }
0x7a: {  	_ =	shalt  }
0x7b: {  	_ =	shalt  }
0x7c: {  	_ =	shalt  }
0x7d: {  	_ =	shalt  }
0x7e: {  	_ =	shalt  }
0x7f: {  	_ =	shalt  }
0x80: {  	_ =	shalt  }
0x81: {  	_ =	shalt  }
0x82: {  	_ =	shalt  }
0x83: {  	_ =	shalt  }
0x84: {  	_ =	shalt  }
0x85: {  	_ =	shalt  }
0x86: {  	_ =	shalt  }
0x87: {  	_ =	shalt  }
.Lfunc_end0:
.L_simem_size_0:
called_computation.1_lowered:
.L_overlay_start_0:
0x88: {  	s2 =	sld [smem:$0x3FD9]  }
0x89: {  	s3 =	sld [smem:$0x3FFE];
	_ =	sdelay $0x1  }
0x8a: {  	s1 =	srdreg.scid  }
0x8b: {  	s0 =	sand.u32 $0x1, s1  }
0x8c: {  	s16 =	sshll.u32 s0, $0xA;
	s2 =	sadd.s32 s3, s2  }
0x8d: {  	s2 =	sadd.s32 s2, s16  }
0x8e: {  	[smem:$0x3FB4] =	sst s2  }
0x8f: {  	_ = 	snop  }
0x90: {  	(tm) =	ssettm $0x1  }
0x91: {  	s17 =	sld [smem:$0x3FFB];
	_ =	sdelay $0x3  }
0x92: {  	_ =	strace s17  }
0x93: {  	s2 =	sld [smem:$0x3FFC];
	_ =	sdelay $0x3  }
0x94: {  	_ =	strace s2  }
0x95: {  	s2 =	sld [smem:$0x3FFD];
	_ =	sdelay $0x3  }
0x96: {  	_ =	strace s2  }
0x97: {  	_ =	strace $0x8FFFFFFF  }
0x98: {  	s18 =	sld [smem:$0x3FDB];
	_ =	sdelay $0x1  }
0x99: {  	s19 =	simm.s32 $_scs_section_size  }
0x9a: {  	s4 =	simm.s32 $_size__tile_overlayer_lowered;
	s5 =	simm.s32 $_tile_overlayer_lowered  }
0x9b: {  	s22 =	simm.s32 $0x1BFF;
	s21 =	sshll.u32 s5, $0x1;
	s2 =	sadd.s32 s19, s18  }
0x9c: {  	s6 =	simm.s32 $0x0;
	s20 =	sshll.u32 s4, $0x1;
	s4 =	sadd.s32 s21, s2  }
0x9d: {  	[timem:s6], [sflag:s22] =	dma.local [hbm:s4], s20  }
0x9e: {  	_ =	swait.ge [sflag:s22], s20  }
0x9f: {  	s3 =	ssub.s32 $0x0, s20;
	[sflag:s22] =	ssyncset.done $0x0  }
0xa0: {  	[sflag:s22] =	ssyncadd.s32 s3;
	_ =	sdelay $0x1  }
0xa1: {  	s23 =	simm.s32 $0x1B8B  }
0xa2: {  	_ =	swait.ge [sflag:s23], $0x1  }
0xa3: {  	[sflag:s23] =	ssyncset.done $0x0  }
0xa4: {  	s25 =	simm.s32 $0x1B8E;
	s24 =	sld [smem:$0x3FFE];
	[sflag:s23] =	ssyncadd.s32 $0xFFFFFFFF  }
0xa5: {  	s26 =	simm.s32 $execute0_lowered;
	[smem:$0x3FD2] =	sst s25  }
0xa6: {  	s4 =	sshll.u32 s26, $0x1;
	_ =	strace $0x80000049;
	[dreg:$0x1] =	wrdreg $0xFFFFFFFF  }
0xa7: {  	s28 =	simm.s32 $_size_execute0_lowered;
	s2 =	sadd.s32 s2, s4;
	[dreg:$0x0] =	wrdreg $0x0  }
0xa8: {  	s4 =	sshll.u32 s28, $0x1;
	[dreg:$0x2] =	wrdreg s2  }
0xa9: {  	[dreg:$0x3] =	wrdreg s4  }
0xaa: {  	[dreg:$0x4] =	wrdreg $0xC0  }
0xab: {  	_ =	task [dreg:s6], $0x5FFFF  }
0xac: {  	[dreg:$0x1] =	wrdreg $0xFFFFFFFF  }
0xad: {  	[dreg:$0x0] =	wrdreg $0x60  }
0xae: {  	[dreg:$0x2] =	wrdreg s24  }
0xaf: {  	[dreg:$0x3] =	wrdreg $0x0  }
0xb0: {  	[dreg:$0x4] =	wrdreg $0x9  }
0xb1: {  	_ =	task.clear_ibuf [dreg:s6], $0x5FFFF;
	_ =	strace $0x90000049  }
0xb2: {  	s29 =	simm.s32 $0x9;
	_ =	strace $0x8000004B  }
0xb3: {  	_ =	swait.ge [sflag:s29], $0x1  }
0xb4: {  	[sflag:s29] =	ssyncadd.s32 $0xFFFFFFFF  }
0xb5: {  	_ =	strace $0x9000004B  }
0xb6: {  	_ =	sfence  }
0xb7: {  	s30 =	sld [smem:$0x0];
	_ =	sdelay $0x2  }
0xb8: {  	s31 =	sshll.u32 s1, $0xD;
	s1 =	sshrl.u32 s1, $0x2  }
0xb9: {  	s3 =	sand.u32 $0x4000, s31;
	s1 =	sadd.s32 s1, s30  }
0xba: {  	s0 =	sor.u32 s3, s0;
	s1 =	sshll.u32 s1, $0x11  }
0xbb: {  	s0 =	sor.u32 s1, s0  }
0xbc: {  	s0 =	sadd.s32 $0x8F2B, s0  }
0xbd: {  	[sflag:s0] =	ssyncadd.remote.s32 $0x1  }
0xbe: {  	_ =	sfence.sel $0xFFFF  }
0xbf: {  	[dreg:$0x0] =	wrdreg $0xFFFFFFFF;
	(pc) =	sbr.abs _section_cstart, $3  }
0xc0: {  	[dreg:$0x1] =	wrdreg $0xFFFFFFFF  }
0xc1: {  	_ =	task.clear_ibuf [dreg:s6], $0x2FFFF;
	_ =	strace $0x9FFFFFFF  }
0xc2: {  	(tm) =	ssettm $0x7FFFFFFF  }
0xc3: {  	_ =	shalt  }
tec
execute0_lowered:
.L_overlay_start_1:
0x0: {  	(tag) =	ssettag $0x1  }
0x1: {  	s6 =	rddreg [dreg:$0x0]  }
0x2: {  	s0 =	srdreg.scid;
	s2 =	rddreg [dreg:$0x1]  }
0x3: {  	s3 =	simm.s32 $0x0;
	s12 =	simm.s32 $0x3;
	s13 =	simm.s32 $0x1400  }
0x4: {  	s14 =	simm.s32 $0x3C00;
	s15 =	simm.s32 $0x80;
	s16 =	simm.s32 $0x6400  }
0x5: {  	s17 =	simm.s32 $0x6800;
	s18 =	simm.s32 $0x6C00;
	s19 =	simm.s32 $0x7000  }
0x6: {  	s20 =	simm.s32 $0x7400;
	s21 =	simm.s32 $0x7800;
	s22 =	simm.s32 $0x7C00  }
0x7: {  	s23 =	simm.s32 $0x8000;
	s24 =	simm.s32 $0x1;
	s25 =	simm.s32 $0x2  }
0x8: {  	s26 =	simm.s32 $0x0;
	s5 =	sand.u32 $0x1, s0;
	s0 =	stileid.u32  }
0x9: {  	[smem:$0x7FF] =	sst s3;
	s1 =	sshll.u32 s5, $0x4;
	s8 =	smul.u32 $0x1400, s0  }
0xa: {  	s4 =	sadd.s32 $0x3800, s6;
	s9 =	smul.u32 $0x14000, s5;
	s1 =	sor.u32 s0, s1  }
0xb: {  	_ =	strace $0x8000004A;
	s5 =	ssub.s32 $0x2, s5;
	s7 =	smul.u32 $0x500, s1  }
0xc: {  	s11 =	sshrl.u32 s5, $0x1;
	s31 =	sshrl.u32 s8, $0x3;
	s9 =	sadd.s32 s8, s9  }
0xd: {  	s11 =	ssub.s32 s5, s11;
	s9 =	sshrl.u32 s9, $0x3;
	s10 =	sadd.s32 s7, s6  }
0xe: {  	s7 =	sadd.s32 s31, s6;
	s9 =	sadd.s32 s9, s6;
	s6 =	sadd.s32 s8, s2  }
0xf: {  	s5 =	sadd.s32 $0x1C800, s7;
	s7 =	sadd.s32 $0x12800, s10;
	s8 =	sadd.s32 $0x8800, s10  }
0x10: {  	s9 =	sadd.s32 $0x1F000, s9;
	s10 =	smax.u32 s11, $0x1;
	s11 =	simm.s32 $0x8400  }
.LBB2_1:
0x11: {  	[tilespmem:s11], [sflag:$0x3] =	stream.linear.gather [hbm4b:s5+s3], $0x1400, $0x38;
	[tilespmem:$0x9800] =	vst v63  }
0x12: {  	_ =	swait.ge [sflag:s12], $0x1400  }
0x13: {  	[sflag:s12] =	ssyncset.done $0x0  }
0x14: {  	[sflag:s12] =	ssyncadd.s32 $0xFFFFEC00  }
0x15: {  	[spmem:s6] =	stream.linear.scatter [tilespmem:s11], [sflag:$0x3], $0x1400, $0x38;
	[tilespmem:$0x9800] =	vst v63  }
0x16: {  	_ =	swait.ge [sflag:s12], $0x1400  }
0x17: {  	[sflag:s12] =	ssyncset.done $0x0  }
0x18: {  	[sflag:s12] =	ssyncadd.s32 $0xFFFFEC00  }
0x19: {  	[tilespmem:s13], [sflag:$0x3] =	stream.linear.gather [hbm4b:s7+s3], $0x2800, $0x38;
	[tilespmem:$0x9800] =	vst v63  }
0x1a: {  	_ =	swait.ge [sflag:s12], $0x2800  }
0x1b: {  	[sflag:s12] =	ssyncset.done $0x0  }
0x1c: {  	[sflag:s12] =	ssyncadd.s32 $0xFFFFD800  }
0x1d: {  	[tilespmem:s14], [sflag:$0x3] =	stream.linear.gather [hbm4b:s8+s3], $0x2800, $0x38;
	[tilespmem:$0x9800] =	vst v63  }
0x1e: {  	_ =	swait.ge [sflag:s12], $0x2800  }
0x1f: {  	[sflag:s12] =	ssyncset.done $0x0  }
0x20: {  	[sflag:s12] =	ssyncadd.s32 $0xFFFFD800  }
0x21: {  	s28 =	simm.s32 $0x1400;
	[bflag:$0x0] =	sbarrier.arrive $0xFFFF  }
0x22: {  	[tilespmem:s16], [sflag:$0x1] =	stream.indirect.gather [hbm4b:s4+s15], $0x8, s28, s15, $0xb8;
	[tilespmem:$0x9800] =	vst v63  }
0x23: {  	s28 =	simm.s32 $0x1480  }
0x24: {  	[tilespmem:s17], [sflag:$0x1] =	stream.indirect.gather [hbm4b:s4+s15], $0x8, s28, s15, $0xb8;
	[tilespmem:$0x9800] =	vst v63  }
0x25: {  	s28 =	simm.s32 $0x1500  }
0x26: {  	[tilespmem:s18], [sflag:$0x1] =	stream.indirect.gather [hbm4b:s4+s15], $0x8, s28, s15, $0xb8;
	[tilespmem:$0x9800] =	vst v63  }
0x27: {  	s28 =	simm.s32 $0x1580  }
0x28: {  	[tilespmem:s19], [sflag:$0x1] =	stream.indirect.gather [hbm4b:s4+s15], $0x8, s28, s15, $0xb8;
	[tilespmem:$0x9800] =	vst v63  }
0x29: {  	s28 =	simm.s32 $0x1600  }
0x2a: {  	[tilespmem:s20], [sflag:$0x1] =	stream.indirect.gather [hbm4b:s4+s15], $0x8, s28, s15, $0xb8;
	[tilespmem:$0x9800] =	vst v63  }
0x2b: {  	s28 =	simm.s32 $0x1680  }
0x2c: {  	[tilespmem:s21], [sflag:$0x1] =	stream.indirect.gather [hbm4b:s4+s15], $0x8, s28, s15, $0xb8;
	[tilespmem:$0x9800] =	vst v63  }
0x2d: {  	s28 =	simm.s32 $0x1700  }
0x2e: {  	[tilespmem:s22], [sflag:$0x1] =	stream.indirect.gather [hbm4b:s4+s15], $0x8, s28, s15, $0xb8;
	[tilespmem:$0x9800] =	vst v63  }
0x2f: {  	s28 =	simm.s32 $0x1780  }
0x30: {  	[tilespmem:s23], [sflag:$0x1] =	stream.indirect.gather [hbm4b:s4+s15], $0x8, s28, s15, $0xb8;
	[tilespmem:$0x9800] =	vst v63  }
0x31: {  	_ =	swait.ge [sflag:s24], $0x400  }
0x32: {  	[sflag:s24] =	ssyncset.done $0x0  }
0x33: {  	s28 =	simm.s32 $0x3C00;
	[sflag:s24] =	ssyncadd.s32 $0xFFFFFC00  }
0x34: {  	[spmem:s2] =	stream.indirect.scatter.add.f32 [tilespmem:s16], [sflag:$0x2], $0x8, s28, s15, $0xb8;
	[tilespmem:$0x9800] =	vst v63  }
0x35: {  	_ =	swait.ge [sflag:s24], $0x400  }
0x36: {  	[sflag:s24] =	ssyncset.done $0x0  }
0x37: {  	s28 =	simm.s32 $0x3C80;
	[sflag:s24] =	ssyncadd.s32 $0xFFFFFC00  }
0x38: {  	[spmem:s2] =	stream.indirect.scatter.add.f32 [tilespmem:s17], [sflag:$0x2], $0x8, s28, s15, $0xb8;
	[tilespmem:$0x9800] =	vst v63  }
0x39: {  	_ =	swait.ge [sflag:s24], $0x400  }
0x3a: {  	[sflag:s24] =	ssyncset.done $0x0  }
0x3b: {  	s28 =	simm.s32 $0x3D00;
	[sflag:s24] =	ssyncadd.s32 $0xFFFFFC00  }
0x3c: {  	[spmem:s2] =	stream.indirect.scatter.add.f32 [tilespmem:s18], [sflag:$0x2], $0x8, s28, s15, $0xb8;
	[tilespmem:$0x9800] =	vst v63  }
0x3d: {  	_ =	swait.ge [sflag:s24], $0x400  }
0x3e: {  	[sflag:s24] =	ssyncset.done $0x0  }
0x3f: {  	s28 =	simm.s32 $0x3D80;
	[sflag:s24] =	ssyncadd.s32 $0xFFFFFC00  }
0x40: {  	[spmem:s2] =	stream.indirect.scatter.add.f32 [tilespmem:s19], [sflag:$0x2], $0x8, s28, s15, $0xb8;
	[tilespmem:$0x9800] =	vst v63  }
0x41: {  	_ =	swait.ge [sflag:s24], $0x400  }
0x42: {  	[sflag:s24] =	ssyncset.done $0x0  }
0x43: {  	s28 =	simm.s32 $0x3E00;
	[sflag:s24] =	ssyncadd.s32 $0xFFFFFC00  }
0x44: {  	[spmem:s2] =	stream.indirect.scatter.add.f32 [tilespmem:s20], [sflag:$0x2], $0x8, s28, s15, $0xb8;
	[tilespmem:$0x9800] =	vst v63  }
0x45: {  	_ =	swait.ge [sflag:s24], $0x400  }
0x46: {  	[sflag:s24] =	ssyncset.done $0x0  }
0x47: {  	s28 =	simm.s32 $0x3E80;
	[sflag:s24] =	ssyncadd.s32 $0xFFFFFC00  }
0x48: {  	[spmem:s2] =	stream.indirect.scatter.add.f32 [tilespmem:s21], [sflag:$0x2], $0x8, s28, s15, $0xb8;
	[tilespmem:$0x9800] =	vst v63  }
0x49: {  	_ =	swait.ge [sflag:s24], $0x400  }
0x4a: {  	[sflag:s24] =	ssyncset.done $0x0  }
0x4b: {  	s28 =	simm.s32 $0x3F00;
	[sflag:s24] =	ssyncadd.s32 $0xFFFFFC00  }
0x4c: {  	[spmem:s2] =	stream.indirect.scatter.add.f32 [tilespmem:s22], [sflag:$0x2], $0x8, s28, s15, $0xb8;
	[tilespmem:$0x9800] =	vst v63  }
0x4d: {  	_ =	swait.ge [sflag:s24], $0x400  }
0x4e: {  	[sflag:s24] =	ssyncset.done $0x0  }
0x4f: {  	s28 =	simm.s32 $0x3F80;
	[sflag:s24] =	ssyncadd.s32 $0xFFFFFC00  }
0x50: {  	[spmem:s2] =	stream.indirect.scatter.add.f32 [tilespmem:s23], [sflag:$0x2], $0x8, s28, s15, $0xb8;
	[tilespmem:$0x9800] =	vst v63  }
0x51: {  	_ =	swait.ge [sflag:s25], $0x400  }
0x52: {  	[sflag:s25] =	ssyncset.done $0x0  }
0x53: {  	[sflag:s25] =	ssyncadd.s32 $0xFFFFFC00  }
0x54: {  	_ =	swait.ge [sflag:s25], $0x400  }
0x55: {  	[sflag:s25] =	ssyncset.done $0x0  }
0x56: {  	[sflag:s25] =	ssyncadd.s32 $0xFFFFFC00  }
0x57: {  	_ =	swait.ge [sflag:s25], $0x400  }
0x58: {  	[sflag:s25] =	ssyncset.done $0x0  }
0x59: {  	[sflag:s25] =	ssyncadd.s32 $0xFFFFFC00  }
0x5a: {  	_ =	swait.ge [sflag:s25], $0x400  }
0x5b: {  	[sflag:s25] =	ssyncset.done $0x0  }
0x5c: {  	[sflag:s25] =	ssyncadd.s32 $0xFFFFFC00  }
0x5d: {  	_ =	swait.ge [sflag:s25], $0x400  }
0x5e: {  	[sflag:s25] =	ssyncset.done $0x0  }
0x5f: {  	[sflag:s25] =	ssyncadd.s32 $0xFFFFFC00  }
0x60: {  	_ =	swait.ge [sflag:s25], $0x400  }
0x61: {  	[sflag:s25] =	ssyncset.done $0x0  }
0x62: {  	[sflag:s25] =	ssyncadd.s32 $0xFFFFFC00  }
0x63: {  	_ =	swait.ge [sflag:s25], $0x400  }
0x64: {  	[sflag:s25] =	ssyncset.done $0x0  }
0x65: {  	[sflag:s25] =	ssyncadd.s32 $0xFFFFFC00  }
0x66: {  	_ =	swait.ge [sflag:s25], $0x400  }
0x67: {  	s31 =	simm.s32 $0x2000;
	s28 =	simm.s32 $0x400;
	[sflag:s25] =	ssyncset.done $0x0  }
.LBB2_2:
0x68: {  	s1 =	sadd.s32 $0x1400, s28  }
0x69: {  	[sflag:s25] =	ssyncadd.s32 $0xFFFFFC00;
	s30 =	smov.u32 s31;
	s29 =	sadd.s32 $0x1000, s31  }
0x6a: {  	[tilespmem:s16], [sflag:$0x1] =	stream.indirect.gather [hbm4b:s4+s15], $0x8, s1, s15, $0xb8;
	[tilespmem:$0x9800] =	vst v63  }
0x6b: {  	p0 =	sne.s32 s31, $0x9000;
	s1 =	sadd.s32 $0x1480, s28  }
0x6c: {  	[tilespmem:s17], [sflag:$0x1] =	stream.indirect.gather [hbm4b:s4+s15], $0x8, s1, s15, $0xb8;
	[tilespmem:$0x9800] =	vst v63  }
0x6d: {  	s1 =	sadd.s32 $0x1500, s28  }
0x6e: {  	[tilespmem:s18], [sflag:$0x1] =	stream.indirect.gather [hbm4b:s4+s15], $0x8, s1, s15, $0xb8;
	[tilespmem:$0x9800] =	vst v63  }
0x6f: {  	s1 =	sadd.s32 $0x1580, s28  }
0x70: {  	[tilespmem:s19], [sflag:$0x1] =	stream.indirect.gather [hbm4b:s4+s15], $0x8, s1, s15, $0xb8;
	[tilespmem:$0x9800] =	vst v63  }
0x71: {  	s1 =	sadd.s32 $0x1600, s28  }
0x72: {  	[tilespmem:s20], [sflag:$0x1] =	stream.indirect.gather [hbm4b:s4+s15], $0x8, s1, s15, $0xb8;
	[tilespmem:$0x9800] =	vst v63  }
0x73: {  	s1 =	sadd.s32 $0x1680, s28  }
0x74: {  	[tilespmem:s21], [sflag:$0x1] =	stream.indirect.gather [hbm4b:s4+s15], $0x8, s1, s15, $0xb8;
	[tilespmem:$0x9800] =	vst v63  }
0x75: {  	s1 =	sadd.s32 $0x1700, s28  }
0x76: {  	[tilespmem:s22], [sflag:$0x1] =	stream.indirect.gather [hbm4b:s4+s15], $0x8, s1, s15, $0xb8;
	[tilespmem:$0x9800] =	vst v63  }
0x77: {  	s1 =	sadd.s32 $0x1780, s28  }
0x78: {  	[tilespmem:s23], [sflag:$0x1] =	stream.indirect.gather [hbm4b:s4+s15], $0x8, s1, s15, $0xb8;
	[tilespmem:$0x9800] =	vst v63  }
0x79: {  	_ =	swait.ge [sflag:s24], $0x400  }
0x7a: {  	[sflag:s24] =	ssyncset.done $0x0  }
0x7b: {  	s1 =	sadd.s32 $0x3C00, s28;
	[sflag:s24] =	ssyncadd.s32 $0xFFFFFC00  }
0x7c: {  	[spmem:s2] =	stream.indirect.scatter.add.f32 [tilespmem:s16], [sflag:$0x2], $0x8, s1, s15, $0xb8;
	[tilespmem:$0x9800] =	vst v63  }
0x7d: {  	_ =	swait.ge [sflag:s24], $0x400  }
0x7e: {  	[sflag:s24] =	ssyncset.done $0x0  }
0x7f: {  	s1 =	sadd.s32 $0x3C80, s28;
	[sflag:s24] =	ssyncadd.s32 $0xFFFFFC00  }
0x80: {  	[spmem:s2] =	stream.indirect.scatter.add.f32 [tilespmem:s17], [sflag:$0x2], $0x8, s1, s15, $0xb8;
	[tilespmem:$0x9800] =	vst v63  }
0x81: {  	_ =	swait.ge [sflag:s24], $0x400  }
0x82: {  	[sflag:s24] =	ssyncset.done $0x0  }
0x83: {  	s1 =	sadd.s32 $0x3D00, s28;
	[sflag:s24] =	ssyncadd.s32 $0xFFFFFC00  }
0x84: {  	[spmem:s2] =	stream.indirect.scatter.add.f32 [tilespmem:s18], [sflag:$0x2], $0x8, s1, s15, $0xb8;
	[tilespmem:$0x9800] =	vst v63  }
0x85: {  	_ =	swait.ge [sflag:s24], $0x400  }
0x86: {  	[sflag:s24] =	ssyncset.done $0x0  }
0x87: {  	s1 =	sadd.s32 $0x3D80, s28;
	[sflag:s24] =	ssyncadd.s32 $0xFFFFFC00  }
0x88: {  	[spmem:s2] =	stream.indirect.scatter.add.f32 [tilespmem:s19], [sflag:$0x2], $0x8, s1, s15, $0xb8;
	[tilespmem:$0x9800] =	vst v63  }
0x89: {  	_ =	swait.ge [sflag:s24], $0x400  }
0x8a: {  	[sflag:s24] =	ssyncset.done $0x0  }
0x8b: {  	s1 =	sadd.s32 $0x3E00, s28;
	[sflag:s24] =	ssyncadd.s32 $0xFFFFFC00  }
0x8c: {  	[spmem:s2] =	stream.indirect.scatter.add.f32 [tilespmem:s20], [sflag:$0x2], $0x8, s1, s15, $0xb8;
	[tilespmem:$0x9800] =	vst v63  }
0x8d: {  	_ =	swait.ge [sflag:s24], $0x400  }
0x8e: {  	[sflag:s24] =	ssyncset.done $0x0  }
0x8f: {  	s1 =	sadd.s32 $0x3E80, s28;
	[sflag:s24] =	ssyncadd.s32 $0xFFFFFC00  }
0x90: {  	[spmem:s2] =	stream.indirect.scatter.add.f32 [tilespmem:s21], [sflag:$0x2], $0x8, s1, s15, $0xb8;
	[tilespmem:$0x9800] =	vst v63  }
0x91: {  	_ =	swait.ge [sflag:s24], $0x400  }
0x92: {  	[sflag:s24] =	ssyncset.done $0x0  }
0x93: {  	s1 =	sadd.s32 $0x3F00, s28;
	[sflag:s24] =	ssyncadd.s32 $0xFFFFFC00  }
0x94: {  	[spmem:s2] =	stream.indirect.scatter.add.f32 [tilespmem:s22], [sflag:$0x2], $0x8, s1, s15, $0xb8;
	[tilespmem:$0x9800] =	vst v63  }
0x95: {  	_ =	swait.ge [sflag:s24], $0x400  }
0x96: {  	[sflag:s24] =	ssyncset.done $0x0  }
0x97: {  	s1 =	sadd.s32 $0x3F80, s28;
	[sflag:s24] =	ssyncadd.s32 $0xFFFFFC00  }
0x98: {  	[spmem:s2] =	stream.indirect.scatter.add.f32 [tilespmem:s23], [sflag:$0x2], $0x8, s1, s15, $0xb8;
	[tilespmem:$0x9800] =	vst v63  }
0x99: {  	_ =	swait.ge [sflag:s25], $0x400  }
0x9a: {  	[sflag:s25] =	ssyncset.done $0x0  }
0x9b: {  	[sflag:s25] =	ssyncadd.s32 $0xFFFFFC00  }
0x9c: {  	_ =	swait.ge [sflag:s25], $0x400  }
0x9d: {  	[sflag:s25] =	ssyncset.done $0x0  }
0x9e: {  	[sflag:s25] =	ssyncadd.s32 $0xFFFFFC00  }
0x9f: {  	_ =	swait.ge [sflag:s25], $0x400  }
0xa0: {  	[sflag:s25] =	ssyncset.done $0x0  }
0xa1: {  	[sflag:s25] =	ssyncadd.s32 $0xFFFFFC00  }
0xa2: {  	_ =	swait.ge [sflag:s25], $0x400  }
0xa3: {  	[sflag:s25] =	ssyncset.done $0x0  }
0xa4: {  	[sflag:s25] =	ssyncadd.s32 $0xFFFFFC00  }
0xa5: {  	_ =	swait.ge [sflag:s25], $0x400  }
0xa6: {  	[sflag:s25] =	ssyncset.done $0x0  }
0xa7: {  	[sflag:s25] =	ssyncadd.s32 $0xFFFFFC00  }
0xa8: {  	_ =	swait.ge [sflag:s25], $0x400  }
0xa9: {  	[sflag:s25] =	ssyncset.done $0x0  }
0xaa: {  	[sflag:s25] =	ssyncadd.s32 $0xFFFFFC00  }
.Ltmp0:
0xab: {  	_ =	swait.ge [sflag:s25], $0x400;
	(pc) =	sbr.rel @p0 .LBB2_2-.Ltmp0, $4  }
0xac: {  	[sflag:s25] =	ssyncset.done $0x0  }
0xad: {  	[sflag:s25] =	ssyncadd.s32 $0xFFFFFC00  }
0xae: {  	_ =	swait.ge [sflag:s25], $0x400  }
0xaf: {  	s31 =	smov.u32 s29;
	s28 =	sshra.s32 s30, $0x2;
	[sflag:s25] =	ssyncset.done $0x0  }
0xb0: {  	s1 =	sadd.s32 $0x1400, s28;
	[sflag:s25] =	ssyncadd.s32 $0xFFFFFC00  }
0xb1: {  	[tilespmem:s16], [sflag:$0x1] =	stream.indirect.gather [hbm4b:s4+s15], $0x8, s1, s15, $0xb8;
	[tilespmem:$0x9800] =	vst v63  }
0xb2: {  	s29 =	sadd.s32 $0x1480, s28  }
0xb3: {  	[tilespmem:s17], [sflag:$0x1] =	stream.indirect.gather [hbm4b:s4+s15], $0x8, s29, s15, $0xb8;
	[tilespmem:$0x9800] =	vst v63  }
0xb4: {  	s30 =	sadd.s32 $0x1500, s28  }
0xb5: {  	[tilespmem:s18], [sflag:$0x1] =	stream.indirect.gather [hbm4b:s4+s15], $0x8, s30, s15, $0xb8;
	[tilespmem:$0x9800] =	vst v63  }
0xb6: {  	s31 =	sadd.s32 $0x1580, s28  }
0xb7: {  	[tilespmem:s19], [sflag:$0x1] =	stream.indirect.gather [hbm4b:s4+s15], $0x8, s31, s15, $0xb8;
	[tilespmem:$0x9800] =	vst v63  }
0xb8: {  	s29 =	sadd.s32 $0x1600, s28  }
0xb9: {  	[tilespmem:s20], [sflag:$0x1] =	stream.indirect.gather [hbm4b:s4+s15], $0x8, s29, s15, $0xb8;
	[tilespmem:$0x9800] =	vst v63  }
0xba: {  	s30 =	sadd.s32 $0x1680, s28  }
0xbb: {  	[tilespmem:s21], [sflag:$0x1] =	stream.indirect.gather [hbm4b:s4+s15], $0x8, s30, s15, $0xb8;
	[tilespmem:$0x9800] =	vst v63  }
0xbc: {  	s31 =	sadd.s32 $0x1700, s28  }
0xbd: {  	[tilespmem:s22], [sflag:$0x1] =	stream.indirect.gather [hbm4b:s4+s15], $0x8, s31, s15, $0xb8;
	[tilespmem:$0x9800] =	vst v63  }
0xbe: {  	s29 =	sadd.s32 $0x1780, s28  }
0xbf: {  	[tilespmem:s23], [sflag:$0x1] =	stream.indirect.gather [hbm4b:s4+s15], $0x8, s29, s15, $0xb8;
	[tilespmem:$0x9800] =	vst v63  }
0xc0: {  	_ =	swait.ge [sflag:s24], $0x400  }
0xc1: {  	[sflag:s24] =	ssyncset.done $0x0  }
0xc2: {  	s30 =	sadd.s32 $0x3C00, s28;
	[sflag:s24] =	ssyncadd.s32 $0xFFFFFC00  }
0xc3: {  	[spmem:s2] =	stream.indirect.scatter.add.f32 [tilespmem:s16], [sflag:$0x2], $0x8, s30, s15, $0xb8;
	[tilespmem:$0x9800] =	vst v63  }
0xc4: {  	_ =	swait.ge [sflag:s24], $0x400  }
0xc5: {  	[sflag:s24] =	ssyncset.done $0x0  }
0xc6: {  	s31 =	sadd.s32 $0x3C80, s28;
	[sflag:s24] =	ssyncadd.s32 $0xFFFFFC00  }
0xc7: {  	[spmem:s2] =	stream.indirect.scatter.add.f32 [tilespmem:s17], [sflag:$0x2], $0x8, s31, s15, $0xb8;
	[tilespmem:$0x9800] =	vst v63  }
0xc8: {  	_ =	swait.ge [sflag:s24], $0x400  }
0xc9: {  	[sflag:s24] =	ssyncset.done $0x0  }
0xca: {  	s29 =	sadd.s32 $0x3D00, s28;
	[sflag:s24] =	ssyncadd.s32 $0xFFFFFC00  }
0xcb: {  	[spmem:s2] =	stream.indirect.scatter.add.f32 [tilespmem:s18], [sflag:$0x2], $0x8, s29, s15, $0xb8;
	[tilespmem:$0x9800] =	vst v63  }
0xcc: {  	_ =	swait.ge [sflag:s24], $0x400  }
0xcd: {  	[sflag:s24] =	ssyncset.done $0x0  }
0xce: {  	s30 =	sadd.s32 $0x3D80, s28;
	[sflag:s24] =	ssyncadd.s32 $0xFFFFFC00  }
0xcf: {  	[spmem:s2] =	stream.indirect.scatter.add.f32 [tilespmem:s19], [sflag:$0x2], $0x8, s30, s15, $0xb8;
	[tilespmem:$0x9800] =	vst v63  }
0xd0: {  	_ =	swait.ge [sflag:s24], $0x400  }
0xd1: {  	[sflag:s24] =	ssyncset.done $0x0  }
0xd2: {  	s31 =	sadd.s32 $0x3E00, s28;
	[sflag:s24] =	ssyncadd.s32 $0xFFFFFC00  }
0xd3: {  	[spmem:s2] =	stream.indirect.scatter.add.f32 [tilespmem:s20], [sflag:$0x2], $0x8, s31, s15, $0xb8;
	[tilespmem:$0x9800] =	vst v63  }
0xd4: {  	_ =	swait.ge [sflag:s24], $0x400  }
0xd5: {  	[sflag:s24] =	ssyncset.done $0x0  }
0xd6: {  	s29 =	sadd.s32 $0x3E80, s28;
	[sflag:s24] =	ssyncadd.s32 $0xFFFFFC00  }
0xd7: {  	[spmem:s2] =	stream.indirect.scatter.add.f32 [tilespmem:s21], [sflag:$0x2], $0x8, s29, s15, $0xb8;
	[tilespmem:$0x9800] =	vst v63  }
0xd8: {  	_ =	swait.ge [sflag:s24], $0x400  }
0xd9: {  	[sflag:s24] =	ssyncset.done $0x0  }
0xda: {  	s30 =	sadd.s32 $0x3F00, s28;
	[sflag:s24] =	ssyncadd.s32 $0xFFFFFC00  }
0xdb: {  	[spmem:s2] =	stream.indirect.scatter.add.f32 [tilespmem:s22], [sflag:$0x2], $0x8, s30, s15, $0xb8;
	[tilespmem:$0x9800] =	vst v63  }
0xdc: {  	_ =	swait.ge [sflag:s24], $0x400  }
0xdd: {  	[sflag:s24] =	ssyncset.done $0x0  }
0xde: {  	s31 =	sadd.s32 $0x3F80, s28;
	[sflag:s24] =	ssyncadd.s32 $0xFFFFFC00  }
0xdf: {  	[spmem:s2] =	stream.indirect.scatter.add.f32 [tilespmem:s23], [sflag:$0x2], $0x8, s31, s15, $0xb8;
	[tilespmem:$0x9800] =	vst v63  }
0xe0: {  	_ =	swait.ge [sflag:s25], $0x400  }
0xe1: {  	[sflag:s25] =	ssyncset.done $0x0  }
0xe2: {  	[sflag:s25] =	ssyncadd.s32 $0xFFFFFC00  }
0xe3: {  	_ =	swait.ge [sflag:s25], $0x400  }
0xe4: {  	[sflag:s25] =	ssyncset.done $0x0  }
0xe5: {  	[sflag:s25] =	ssyncadd.s32 $0xFFFFFC00  }
0xe6: {  	_ =	swait.ge [sflag:s25], $0x400  }
0xe7: {  	[sflag:s25] =	ssyncset.done $0x0  }
0xe8: {  	[sflag:s25] =	ssyncadd.s32 $0xFFFFFC00  }
0xe9: {  	_ =	swait.ge [sflag:s25], $0x400  }
0xea: {  	[sflag:s25] =	ssyncset.done $0x0  }
0xeb: {  	[sflag:s25] =	ssyncadd.s32 $0xFFFFFC00  }
0xec: {  	_ =	swait.ge [sflag:s25], $0x400  }
0xed: {  	[sflag:s25] =	ssyncset.done $0x0  }
0xee: {  	[sflag:s25] =	ssyncadd.s32 $0xFFFFFC00  }
0xef: {  	_ =	swait.ge [sflag:s25], $0x400  }
0xf0: {  	[sflag:s25] =	ssyncset.done $0x0  }
0xf1: {  	[sflag:s25] =	ssyncadd.s32 $0xFFFFFC00  }
0xf2: {  	_ =	swait.ge [sflag:s25], $0x400  }
0xf3: {  	[sflag:s25] =	ssyncset.done $0x0  }
0xf4: {  	[sflag:s25] =	ssyncadd.s32 $0xFFFFFC00  }
0xf5: {  	_ =	swait.ge [sflag:s25], $0x400  }
0xf6: {  	[sflag:s25] =	ssyncset.done $0x0  }
0xf7: {  	[sflag:s25] =	ssyncadd.s32 $0xFFFFFC00  }
0xf8: {  	[bflag:$0x0] =	sbarrier.arrive $0xFFFF  }
0xf9: {  	[tilespmem:s11], [sflag:$0x3] =	stream.linear.gather [spmem:s6], $0x1400, $0x38;
	[tilespmem:$0x9800] =	vst v63  }
0xfa: {  	s26 =	sadd.s32 $0x1, s26;
	_ =	swait.ge [sflag:s12], $0x1400  }
0xfb: {  	p0 =	sne.s32 s26, s10;
	[sflag:s12] =	ssyncset.done $0x0  }
.Ltmp1:
0xfc: {  	[sflag:s12] =	ssyncadd.s32 $0xFFFFEC00;
	(pc) =	sbr.rel @p0 .LBB2_1-.Ltmp1, $4  }
0xfd: {  	[hbm4b:s9+s3] =	stream.linear.scatter [tilespmem:s11], [sflag:$0x3], $0x1400, $0x38;
	[tilespmem:$0x9800] =	vst v63  }
0xfe: {  	_ =	swait.ge [sflag:s12], $0x1400  }
0xff: {  	[sflag:s12] =	ssyncset.done $0x0  }
0x100: {  	[sflag:s12] =	ssyncadd.s32 $0xFFFFEC00  }
0x101: {  	_ =	sfence.sel $0x180000  }
0x102: {  	[bflag:$0x0] =	sbarrier.arrive $0xFFFF  }
0x103: {  	_ =	strace $0x9000004A  }
0x104: {  	[bflag:$0x2] =	sbarrier.arrive $0xFFFF  }
0x105: {  	p0 =	sne.s32 s0, $0x0;
	s0 =	rddreg [dreg:$0x2]  }
0x106: {  	s0 =	sadd.s32 @!p0 $0x100000, s0  }
0x107: {  	[sflag:s0] =	ssyncadd.tile.s32 @!p0 $0x1;
	_ =	shalt  }
.Lfunc_end2:
_tile_overlayer_lowered:
.L_overlay_start_2:
0x108: {  	(tag) =	ssettag $0x2  }
0x109: {  	s0 =	rddreg [dreg:$0x0];
	s2 =	stileid.u32  }
0x10a: {  	s1 =	rddreg [dreg:$0x1];
	p0 =	sne.s32 s2, $0x0  }
0x10b: {  	s3 =	rddreg [dreg:$0x2];
	[bflag:$0x3] =	sbarrier.arrive $0xFFFF;
	s2 =	simm.s32 @!p0 $0x1C03  }
0x10c: {  	[timem:s3], [sflag:s2] =	dma.local @!p0 [hbm:s0], s1  }
0x10d: {  	s0 =	simm.s32 @!p0 $0x3  }
0x10e: {  	_ =	swait.ge @!p0 [sflag:s0], s1  }
0x10f: {  	s1 =	ssub.s32 @!p0 $0x0, s1;
	[sflag:s0] =	ssyncset.done @!p0 $0x0  }
0x110: {  	[sflag:s0] =	ssyncadd.s32 @!p0 s1  }
0x111: {  	[bflag:$0x3] =	sbarrier.arrive $0xFFFF  }
0x112: {  	_ =	shalt  }

// kernel: kernel.7.cloned.1.call-start
scs
__scs_entry_jumppad:
0x0: {  	(pc) =	sbr.rel $0x88, $3  }
0x1: {  	(tag) =	ssettag $0x0;
	lr =	simm.s32 $0x1  }
0x2: {  	[smem:$0x3F8D] =	sst lr;
	_ =	strace $0xD0000000  }
0x3: {  	_ = 	snop  }
0x4: {  	_ = 	snop  }
0x5: {  	_ = 	snop  }
0x6: {  	_ = 	snop  }
0x7: {  	_ = 	snop  }
__scs_overlays_trampoline_lowered:
0x8: {  	[smem:$0x3F9C] =	sst s0  }
0x9: {  	[smem:$0x3F9D] =	sst s1  }
0xa: {  	[smem:$0x3F9E] =	sst s2  }
0xb: {  	[smem:$0x3F9F] =	sst s3  }
0xc: {  	[smem:$0x3FA0] =	sst s4  }
0xd: {  	[smem:$0x3FA1] =	sst s5  }
0xe: {  	[smem:$0x3FA2] =	sst s6  }
0xf: {  	[smem:$0x3FA3] =	sst s7  }
0x10: {  	[smem:$0x3FA4] =	sst s8  }
0x11: {  	[smem:$0x3FA5] =	sst s9;
	s0 =	simm.s32 @!p0 $0x0  }
0x12: {  	s1 =	sld [smem:$0x3F8B];
	s0 =	simm.s32 @p0 $0x1  }
0x13: {  	[smem:$0x3FA6] =	sst s0;
	s0 =	simm.s32 @!p1 $0x0  }
0x14: {  	s2 =	sld [smem:$0x3F8A];
	s0 =	simm.s32 @p1 $0x1  }
0x15: {  	[smem:$0x3FA7] =	sst s0;
	s0 =	simm.s32 @!p2 $0x0  }
0x16: {  	s3 =	sld [smem:$0x3FDB];
	s0 =	simm.s32 @p2 $0x1  }
0x17: {  	s4 =	simm.s32 $0x1BF5;
	[smem:$0x3FA9] =	sst s0  }
0x18: {  	s0 =	sld [smem:$0x3F8C];
	_ =	swait.ge [sflag:s4], $0x0  }
0x19: {  	s7 =	sld [smem:$0x3F8D]  }
0x1a: {  	s8 =	sadd.s32 $0xFFFFE003, lr  }
0x1b: {  	s9 =	sadd.s32 $0xFFFFFEF7, lr;
	s5 =	simm.s32 $0xFFFFFFFF;
	p2 =	slt.u32 s8, $0xFFFFF086  }
0x1c: {  	p1 =	slt.u32 s9, $0xF7A;
	s5 =	simm.s32 @!p2 $0x0  }
0x1d: {  	s5 =	simm.s32 @p1 $0x1;
	p0 =	seq.s32 s7, s2  }
0x1e: {  	s7 =	smul.u32 @!p0 $0xF7A, s2;
	p2 =	seq.s32 @!p0 s5, $0x0  }
0x1f: {  	s9 =	smul.u32 $0xF7A, s1;
	s8 =	simm.s32 @!p0 $0x1BF5;
	p2 =	por !p2, p0  }
0x20: {  	[sflag:s8] =	ssyncset.s32 @!p0 $0xFFFFF086;
	s6 =	sadd.s32 @!p0 s3, s7;
	s7 =	simm.s32 @!p0 $0x108  }
0x21: {  	s3 =	sadd.s32 s3, s9;
	s6 =	sadd.s32 @!p0 $0x88, s6;
	s7 =	simm.s32 @p2 $0x1082  }
0x22: {  	[simem:s7], [sflag:s8] =	dma.local @!p0 [hbm:s6], $0xF7A  }
0x23: {  	s9 =	sor.u32 $0xD0000000, s2;
	s6 =	simm.s32 $0x108;
	_ =	swait.ge @!p0 [sflag:s8], $0x0  }
0x24: {  	s3 =	sadd.s32 $0x88, s3;
	s6 =	simm.s32 @!p1 $0x1082;
	[sflag:s4] =	ssyncset.s32 $0xFFFFF086  }
0x25: {  	[simem:s6], [sflag:s4] =	dma.local [hbm:s3], $0xF7A  }
0x26: {  	[smem:$0x3F8D] =	sst s1;
	(tag) =	ssettag s2;
	_ =	strace s9  }
0x27: {  	s1 =	sld [smem:$0x3F9D]  }
0x28: {  	s2 =	sld [smem:$0x3F9E]  }
0x29: {  	s4 =	sld [smem:$0x3FA0]  }
0x2a: {  	p0 =	seq.s32 s5, $0x0;
	s5 =	sld [smem:$0x3FA1]  }
0x2b: {  	s6 =	sld [smem:$0x3FA2]  }
0x2c: {  	s7 =	sld [smem:$0x3FA3]  }
0x2d: {  	s3 =	simm.s32 $0x108;
	s8 =	sld [smem:$0x3FA4]  }
0x2e: {  	s3 =	simm.s32 @!p0 $0x1082;
	s9 =	sld [smem:$0x3FA5]  }
0x2f: {  	lr =	sadd.s32 s0, s3;
	s0 =	sld [smem:$0x3F9C]  }
0x30: {  	s3 =	sld [smem:$0x3F9F]  }
0x31: {  	[smem:$0x3FA8] =	sst s10  }
0x32: {  	s10 =	sld [smem:$0x3FA6];
	_ =	sdelay $0x3  }
0x33: {  	p0 =	seq.s32 s10, $0x1;
	s10 =	sld [smem:$0x3FA8];
	_ =	sdelay $0x3  }
0x34: {  	[smem:$0x3FA8] =	sst s10  }
0x35: {  	s10 =	sld [smem:$0x3FA7];
	_ =	sdelay $0x3  }
0x36: {  	p1 =	seq.s32 s10, $0x1;
	s10 =	sld [smem:$0x3FA8];
	_ =	sdelay $0x3  }
0x37: {  	[smem:$0x3FA8] =	sst s10  }
0x38: {  	s10 =	sld [smem:$0x3FA9]  }
0x39: {  	_ = 	snop;
	(pc) =	sbr.ind lr, $3  }
0x3a: {  	_ = 	snop  }
0x3b: {  	_ = 	snop  }
0x3c: {  	p2 =	seq.s32 s10, $0x1;
	s10 =	sld [smem:$0x3FA8]  }
0x3d: {  	_ =	shalt  }
0x3e: {  	_ =	shalt  }
0x3f: {  	_ =	shalt  }
0x40: {  	_ =	shalt  }
0x41: {  	_ =	shalt  }
0x42: {  	_ =	shalt  }
0x43: {  	_ =	shalt  }
0x44: {  	_ =	shalt  }
0x45: {  	_ =	shalt  }
0x46: {  	_ =	shalt  }
0x47: {  	_ =	shalt  }
0x48: {  	_ =	shalt  }
0x49: {  	_ =	shalt  }
0x4a: {  	_ =	shalt  }
0x4b: {  	_ =	shalt  }
0x4c: {  	_ =	shalt  }
0x4d: {  	_ =	shalt  }
0x4e: {  	_ =	shalt  }
0x4f: {  	_ =	shalt  }
0x50: {  	_ =	shalt  }
0x51: {  	_ =	shalt  }
0x52: {  	_ =	shalt  }
0x53: {  	_ =	shalt  }
0x54: {  	_ =	shalt  }
0x55: {  	_ =	shalt  }
0x56: {  	_ =	shalt  }
0x57: {  	_ =	shalt  }
0x58: {  	_ =	shalt  }
0x59: {  	_ =	shalt  }
0x5a: {  	_ =	shalt  }
0x5b: {  	_ =	shalt  }
0x5c: {  	_ =	shalt  }
0x5d: {  	_ =	shalt  }
0x5e: {  	_ =	shalt  }
0x5f: {  	_ =	shalt  }
0x60: {  	_ =	shalt  }
0x61: {  	_ =	shalt  }
0x62: {  	_ =	shalt  }
0x63: {  	_ =	shalt  }
0x64: {  	_ =	shalt  }
0x65: {  	_ =	shalt  }
0x66: {  	_ =	shalt  }
0x67: {  	_ =	shalt  }
0x68: {  	_ =	shalt  }
0x69: {  	_ =	shalt  }
0x6a: {  	_ =	shalt  }
0x6b: {  	_ =	shalt  }
0x6c: {  	_ =	shalt  }
0x6d: {  	_ =	shalt  }
0x6e: {  	_ =	shalt  }
0x6f: {  	_ =	shalt  }
0x70: {  	_ =	shalt  }
0x71: {  	_ =	shalt  }
0x72: {  	_ =	shalt  }
0x73: {  	_ =	shalt  }
0x74: {  	_ =	shalt  }
0x75: {  	_ =	shalt  }
0x76: {  	_ =	shalt  }
0x77: {  	_ =	shalt  }
0x78: {  	_ =	shalt  }
0x79: {  	_ =	shalt  }
0x7a: {  	_ =	shalt  }
0x7b: {  	_ =	shalt  }
0x7c: {  	_ =	shalt  }
0x7d: {  	_ =	shalt  }
0x7e: {  	_ =	shalt  }
0x7f: {  	_ =	shalt  }
0x80: {  	_ =	shalt  }
0x81: {  	_ =	shalt  }
0x82: {  	_ =	shalt  }
0x83: {  	_ =	shalt  }
0x84: {  	_ =	shalt  }
0x85: {  	_ =	shalt  }
0x86: {  	_ =	shalt  }
0x87: {  	_ =	shalt  }
.Lfunc_end0:
.L_simem_size_0:
called_computation_lowered:
.L_overlay_start_0:
0x88: {  	s2 =	sld [smem:$0x3FD9]  }
0x89: {  	s3 =	sld [smem:$0x3FFE];
	_ =	sdelay $0x1  }
0x8a: {  	s1 =	srdreg.scid  }
0x8b: {  	s0 =	sand.u32 $0x1, s1  }
0x8c: {  	s16 =	sshll.u32 s0, $0xA;
	s2 =	sadd.s32 s3, s2  }
0x8d: {  	s2 =	sadd.s32 s2, s16  }
0x8e: {  	[smem:$0x3FB4] =	sst s2  }
0x8f: {  	_ = 	snop  }
0x90: {  	(tm) =	ssettm $0x1  }
0x91: {  	s17 =	sld [smem:$0x3FFB];
	_ =	sdelay $0x3  }
0x92: {  	_ =	strace s17  }
0x93: {  	s2 =	sld [smem:$0x3FFC];
	_ =	sdelay $0x3  }
0x94: {  	_ =	strace s2  }
0x95: {  	s2 =	sld [smem:$0x3FFD];
	_ =	sdelay $0x3  }
0x96: {  	_ =	strace s2  }
0x97: {  	_ =	strace $0x8FFFFFFF  }
0x98: {  	s18 =	sld [smem:$0x3FDB];
	_ =	sdelay $0x1  }
0x99: {  	s19 =	simm.s32 $_scs_section_size  }
0x9a: {  	s4 =	simm.s32 $_size__tile_overlayer_lowered;
	s5 =	simm.s32 $_tile_overlayer_lowered  }
0x9b: {  	s22 =	simm.s32 $0x1BFF;
	s21 =	sshll.u32 s5, $0x1;
	s2 =	sadd.s32 s19, s18  }
0x9c: {  	s6 =	simm.s32 $0x0;
	s20 =	sshll.u32 s4, $0x1;
	s4 =	sadd.s32 s21, s2  }
0x9d: {  	[timem:s6], [sflag:s22] =	dma.local [hbm:s4], s20  }
0x9e: {  	_ =	swait.ge [sflag:s22], s20  }
0x9f: {  	s3 =	ssub.s32 $0x0, s20;
	[sflag:s22] =	ssyncset.done $0x0  }
0xa0: {  	[sflag:s22] =	ssyncadd.s32 s3;
	_ =	sdelay $0x1  }
0xa1: {  	s23 =	simm.s32 $0x1B8B  }
0xa2: {  	_ =	swait.ge [sflag:s23], $0x1  }
0xa3: {  	[sflag:s23] =	ssyncset.done $0x0  }
0xa4: {  	s25 =	simm.s32 $0x1B8E;
	s24 =	sld [smem:$0x3FFE];
	[sflag:s23] =	ssyncadd.s32 $0xFFFFFFFF  }
0xa5: {  	s26 =	simm.s32 $execute0_lowered;
	[smem:$0x3FD2] =	sst s25  }
0xa6: {  	s4 =	sshll.u32 s26, $0x1;
	_ =	strace $0x80000046;
	[dreg:$0x1] =	wrdreg $0xFFFFFFFF  }
0xa7: {  	s28 =	simm.s32 $_size_execute0_lowered;
	s2 =	sadd.s32 s2, s4;
	[dreg:$0x0] =	wrdreg $0x0  }
0xa8: {  	s4 =	sshll.u32 s28, $0x1;
	[dreg:$0x2] =	wrdreg s2  }
0xa9: {  	[dreg:$0x3] =	wrdreg s4  }
0xaa: {  	[dreg:$0x4] =	wrdreg $0xC0  }
0xab: {  	_ =	task [dreg:s6], $0x5FFFF  }
0xac: {  	[dreg:$0x1] =	wrdreg $0xFFFFFFFF  }
0xad: {  	[dreg:$0x0] =	wrdreg $0x60  }
0xae: {  	[dreg:$0x2] =	wrdreg s24  }
0xaf: {  	[dreg:$0x3] =	wrdreg $0x0  }
0xb0: {  	[dreg:$0x4] =	wrdreg $0x9  }
0xb1: {  	_ =	task.clear_ibuf [dreg:s6], $0x5FFFF;
	_ =	strace $0x90000046  }
0xb2: {  	s29 =	simm.s32 $0x9;
	_ =	strace $0x80000048  }
0xb3: {  	_ =	swait.ge [sflag:s29], $0x1  }
0xb4: {  	[sflag:s29] =	ssyncadd.s32 $0xFFFFFFFF  }
0xb5: {  	_ =	strace $0x90000048  }
0xb6: {  	_ =	sfence  }
0xb7: {  	s30 =	sld [smem:$0x0];
	_ =	sdelay $0x2  }
0xb8: {  	s31 =	sshll.u32 s1, $0xD;
	s1 =	sshrl.u32 s1, $0x2  }
0xb9: {  	s3 =	sand.u32 $0x4000, s31;
	s1 =	sadd.s32 s1, s30  }
0xba: {  	s0 =	sor.u32 s3, s0;
	s1 =	sshll.u32 s1, $0x11  }
0xbb: {  	s0 =	sor.u32 s1, s0  }
0xbc: {  	s0 =	sadd.s32 $0x8F2B, s0  }
0xbd: {  	[sflag:s0] =	ssyncadd.remote.s32 $0x1  }
0xbe: {  	_ =	sfence.sel $0xFFFF  }
0xbf: {  	[dreg:$0x0] =	wrdreg $0xFFFFFFFF;
	(pc) =	sbr.abs _section_cstart, $3  }
0xc0: {  	[dreg:$0x1] =	wrdreg $0xFFFFFFFF  }
0xc1: {  	_ =	task.clear_ibuf [dreg:s6], $0x2FFFF;
	_ =	strace $0x9FFFFFFF  }
0xc2: {  	(tm) =	ssettm $0x7FFFFFFF  }
0xc3: {  	_ =	shalt  }
tec
execute0_lowered:
.L_overlay_start_1:
0x0: {  	(tag) =	ssettag $0x1  }
0x1: {  	s6 =	rddreg [dreg:$0x0]  }
0x2: {  	s0 =	srdreg.scid;
	s2 =	rddreg [dreg:$0x1]  }
0x3: {  	s3 =	simm.s32 $0x0;
	s12 =	simm.s32 $0x3;
	s13 =	simm.s32 $0x2800  }
0x4: {  	s14 =	simm.s32 $0x5000;
	s15 =	simm.s32 $0x80;
	s16 =	simm.s32 $0x7800  }
0x5: {  	s17 =	simm.s32 $0x8000;
	s18 =	simm.s32 $0x8800;
	s19 =	simm.s32 $0x9000  }
0x6: {  	s20 =	simm.s32 $0x9800;
	s21 =	simm.s32 $0xA000;
	s22 =	simm.s32 $0xA800  }
0x7: {  	s23 =	simm.s32 $0xB000;
	s24 =	simm.s32 $0x1;
	s25 =	simm.s32 $0x2  }
0x8: {  	s26 =	simm.s32 $0x0;
	s5 =	sand.u32 $0x1, s0;
	s0 =	stileid.u32  }
0x9: {  	[smem:$0x7FF] =	sst s3;
	s1 =	sshll.u32 s5, $0x4;
	s8 =	smul.u32 $0x2800, s0  }
0xa: {  	s4 =	sadd.s32 $0x3800, s6;
	s9 =	smul.u32 $0x28000, s5;
	s1 =	sor.u32 s0, s1  }
0xb: {  	_ =	strace $0x80000047;
	s5 =	ssub.s32 $0x2, s5;
	s7 =	smul.u32 $0x500, s1  }
0xc: {  	s11 =	sshrl.u32 s5, $0x1;
	s31 =	sshrl.u32 s8, $0x3;
	s9 =	sadd.s32 s8, s9  }
0xd: {  	s11 =	ssub.s32 s5, s11;
	s9 =	sshrl.u32 s9, $0x3;
	s10 =	sadd.s32 s7, s6  }
0xe: {  	s7 =	sadd.s32 s31, s6;
	s9 =	sadd.s32 s9, s6;
	s6 =	sadd.s32 s8, s2  }
0xf: {  	s5 =	sadd.s32 $0x1C800, s7;
	s7 =	sadd.s32 $0x12800, s10;
	s8 =	sadd.s32 $0x8800, s10  }
0x10: {  	s9 =	sadd.s32 $0x21800, s9;
	s10 =	smax.u32 s11, $0x1;
	s11 =	simm.s32 $0xB800  }
.LBB2_1:
0x11: {  	[tilespmem:s11], [sflag:$0x3] =	stream.linear.gather [hbm4b:s5+s3], $0x2800, $0x38;
	[tilespmem:$0xE000] =	vst v63  }
0x12: {  	_ =	swait.ge [sflag:s12], $0x2800  }
0x13: {  	[sflag:s12] =	ssyncset.done $0x0  }
0x14: {  	[sflag:s12] =	ssyncadd.s32 $0xFFFFD800  }
0x15: {  	[spmem:s6] =	stream.linear.scatter [tilespmem:s11], [sflag:$0x3], $0x2800, $0x38;
	[tilespmem:$0xE000] =	vst v63  }
0x16: {  	_ =	swait.ge [sflag:s12], $0x2800  }
0x17: {  	[sflag:s12] =	ssyncset.done $0x0  }
0x18: {  	[sflag:s12] =	ssyncadd.s32 $0xFFFFD800  }
0x19: {  	[tilespmem:s13], [sflag:$0x3] =	stream.linear.gather [hbm4b:s7+s3], $0x2800, $0x38;
	[tilespmem:$0xE000] =	vst v63  }
0x1a: {  	_ =	swait.ge [sflag:s12], $0x2800  }
0x1b: {  	[sflag:s12] =	ssyncset.done $0x0  }
0x1c: {  	[sflag:s12] =	ssyncadd.s32 $0xFFFFD800  }
0x1d: {  	[tilespmem:s14], [sflag:$0x3] =	stream.linear.gather [hbm4b:s8+s3], $0x2800, $0x38;
	[tilespmem:$0xE000] =	vst v63  }
0x1e: {  	_ =	swait.ge [sflag:s12], $0x2800  }
0x1f: {  	[sflag:s12] =	ssyncset.done $0x0  }
0x20: {  	[sflag:s12] =	ssyncadd.s32 $0xFFFFD800  }
0x21: {  	s28 =	simm.s32 $0x2800;
	[bflag:$0x0] =	sbarrier.arrive $0xFFFF  }
0x22: {  	[tilespmem:s16], [sflag:$0x1] =	stream.indirect.gather [hbm4b:s4+s15], $0x10, s28, s15, $0xb8;
	[tilespmem:$0xE000] =	vst v63  }
0x23: {  	s28 =	simm.s32 $0x2880  }
0x24: {  	[tilespmem:s17], [sflag:$0x1] =	stream.indirect.gather [hbm4b:s4+s15], $0x10, s28, s15, $0xb8;
	[tilespmem:$0xE000] =	vst v63  }
0x25: {  	s28 =	simm.s32 $0x2900  }
0x26: {  	[tilespmem:s18], [sflag:$0x1] =	stream.indirect.gather [hbm4b:s4+s15], $0x10, s28, s15, $0xb8;
	[tilespmem:$0xE000] =	vst v63  }
0x27: {  	s28 =	simm.s32 $0x2980  }
0x28: {  	[tilespmem:s19], [sflag:$0x1] =	stream.indirect.gather [hbm4b:s4+s15], $0x10, s28, s15, $0xb8;
	[tilespmem:$0xE000] =	vst v63  }
0x29: {  	s28 =	simm.s32 $0x2A00  }
0x2a: {  	[tilespmem:s20], [sflag:$0x1] =	stream.indirect.gather [hbm4b:s4+s15], $0x10, s28, s15, $0xb8;
	[tilespmem:$0xE000] =	vst v63  }
0x2b: {  	s28 =	simm.s32 $0x2A80  }
0x2c: {  	[tilespmem:s21], [sflag:$0x1] =	stream.indirect.gather [hbm4b:s4+s15], $0x10, s28, s15, $0xb8;
	[tilespmem:$0xE000] =	vst v63  }
0x2d: {  	s28 =	simm.s32 $0x2B00  }
0x2e: {  	[tilespmem:s22], [sflag:$0x1] =	stream.indirect.gather [hbm4b:s4+s15], $0x10, s28, s15, $0xb8;
	[tilespmem:$0xE000] =	vst v63  }
0x2f: {  	s28 =	simm.s32 $0x2B80  }
0x30: {  	[tilespmem:s23], [sflag:$0x1] =	stream.indirect.gather [hbm4b:s4+s15], $0x10, s28, s15, $0xb8;
	[tilespmem:$0xE000] =	vst v63  }
0x31: {  	_ =	swait.ge [sflag:s24], $0x800  }
0x32: {  	[sflag:s24] =	ssyncset.done $0x0  }
0x33: {  	s28 =	simm.s32 $0x5000;
	[sflag:s24] =	ssyncadd.s32 $0xFFFFF800  }
0x34: {  	[spmem:s2] =	stream.indirect.scatter.add.f32 [tilespmem:s16], [sflag:$0x2], $0x10, s28, s15, $0xb8;
	[tilespmem:$0xE000] =	vst v63  }
0x35: {  	_ =	swait.ge [sflag:s24], $0x800  }
0x36: {  	[sflag:s24] =	ssyncset.done $0x0  }
0x37: {  	s28 =	simm.s32 $0x5080;
	[sflag:s24] =	ssyncadd.s32 $0xFFFFF800  }
0x38: {  	[spmem:s2] =	stream.indirect.scatter.add.f32 [tilespmem:s17], [sflag:$0x2], $0x10, s28, s15, $0xb8;
	[tilespmem:$0xE000] =	vst v63  }
0x39: {  	_ =	swait.ge [sflag:s24], $0x800  }
0x3a: {  	[sflag:s24] =	ssyncset.done $0x0  }
0x3b: {  	s28 =	simm.s32 $0x5100;
	[sflag:s24] =	ssyncadd.s32 $0xFFFFF800  }
0x3c: {  	[spmem:s2] =	stream.indirect.scatter.add.f32 [tilespmem:s18], [sflag:$0x2], $0x10, s28, s15, $0xb8;
	[tilespmem:$0xE000] =	vst v63  }
0x3d: {  	_ =	swait.ge [sflag:s24], $0x800  }
0x3e: {  	[sflag:s24] =	ssyncset.done $0x0  }
0x3f: {  	s28 =	simm.s32 $0x5180;
	[sflag:s24] =	ssyncadd.s32 $0xFFFFF800  }
0x40: {  	[spmem:s2] =	stream.indirect.scatter.add.f32 [tilespmem:s19], [sflag:$0x2], $0x10, s28, s15, $0xb8;
	[tilespmem:$0xE000] =	vst v63  }
0x41: {  	_ =	swait.ge [sflag:s24], $0x800  }
0x42: {  	[sflag:s24] =	ssyncset.done $0x0  }
0x43: {  	s28 =	simm.s32 $0x5200;
	[sflag:s24] =	ssyncadd.s32 $0xFFFFF800  }
0x44: {  	[spmem:s2] =	stream.indirect.scatter.add.f32 [tilespmem:s20], [sflag:$0x2], $0x10, s28, s15, $0xb8;
	[tilespmem:$0xE000] =	vst v63  }
0x45: {  	_ =	swait.ge [sflag:s24], $0x800  }
0x46: {  	[sflag:s24] =	ssyncset.done $0x0  }
0x47: {  	s28 =	simm.s32 $0x5280;
	[sflag:s24] =	ssyncadd.s32 $0xFFFFF800  }
0x48: {  	[spmem:s2] =	stream.indirect.scatter.add.f32 [tilespmem:s21], [sflag:$0x2], $0x10, s28, s15, $0xb8;
	[tilespmem:$0xE000] =	vst v63  }
0x49: {  	_ =	swait.ge [sflag:s24], $0x800  }
0x4a: {  	[sflag:s24] =	ssyncset.done $0x0  }
0x4b: {  	s28 =	simm.s32 $0x5300;
	[sflag:s24] =	ssyncadd.s32 $0xFFFFF800  }
0x4c: {  	[spmem:s2] =	stream.indirect.scatter.add.f32 [tilespmem:s22], [sflag:$0x2], $0x10, s28, s15, $0xb8;
	[tilespmem:$0xE000] =	vst v63  }
0x4d: {  	_ =	swait.ge [sflag:s24], $0x800  }
0x4e: {  	[sflag:s24] =	ssyncset.done $0x0  }
0x4f: {  	s28 =	simm.s32 $0x5380;
	[sflag:s24] =	ssyncadd.s32 $0xFFFFF800  }
0x50: {  	[spmem:s2] =	stream.indirect.scatter.add.f32 [tilespmem:s23], [sflag:$0x2], $0x10, s28, s15, $0xb8;
	[tilespmem:$0xE000] =	vst v63  }
0x51: {  	_ =	swait.ge [sflag:s25], $0x800  }
0x52: {  	[sflag:s25] =	ssyncset.done $0x0  }
0x53: {  	[sflag:s25] =	ssyncadd.s32 $0xFFFFF800  }
0x54: {  	_ =	swait.ge [sflag:s25], $0x800  }
0x55: {  	[sflag:s25] =	ssyncset.done $0x0  }
0x56: {  	[sflag:s25] =	ssyncadd.s32 $0xFFFFF800  }
0x57: {  	_ =	swait.ge [sflag:s25], $0x800  }
0x58: {  	[sflag:s25] =	ssyncset.done $0x0  }
0x59: {  	[sflag:s25] =	ssyncadd.s32 $0xFFFFF800  }
0x5a: {  	_ =	swait.ge [sflag:s25], $0x800  }
0x5b: {  	[sflag:s25] =	ssyncset.done $0x0  }
0x5c: {  	[sflag:s25] =	ssyncadd.s32 $0xFFFFF800  }
0x5d: {  	_ =	swait.ge [sflag:s25], $0x800  }
0x5e: {  	[sflag:s25] =	ssyncset.done $0x0  }
0x5f: {  	[sflag:s25] =	ssyncadd.s32 $0xFFFFF800  }
0x60: {  	_ =	swait.ge [sflag:s25], $0x800  }
0x61: {  	[sflag:s25] =	ssyncset.done $0x0  }
0x62: {  	[sflag:s25] =	ssyncadd.s32 $0xFFFFF800  }
0x63: {  	_ =	swait.ge [sflag:s25], $0x800  }
0x64: {  	[sflag:s25] =	ssyncset.done $0x0  }
0x65: {  	[sflag:s25] =	ssyncadd.s32 $0xFFFFF800  }
0x66: {  	_ =	swait.ge [sflag:s25], $0x800  }
0x67: {  	s31 =	simm.s32 $0x2000;
	s28 =	simm.s32 $0x400;
	[sflag:s25] =	ssyncset.done $0x0  }
.LBB2_2:
0x68: {  	s1 =	sadd.s32 $0x2800, s28  }
0x69: {  	[sflag:s25] =	ssyncadd.s32 $0xFFFFF800;
	s30 =	smov.u32 s31;
	s29 =	sadd.s32 $0x1000, s31  }
0x6a: {  	[tilespmem:s16], [sflag:$0x1] =	stream.indirect.gather [hbm4b:s4+s15], $0x10, s1, s15, $0xb8;
	[tilespmem:$0xE000] =	vst v63  }
0x6b: {  	p0 =	sne.s32 s31, $0x9000;
	s1 =	sadd.s32 $0x2880, s28  }
0x6c: {  	[tilespmem:s17], [sflag:$0x1] =	stream.indirect.gather [hbm4b:s4+s15], $0x10, s1, s15, $0xb8;
	[tilespmem:$0xE000] =	vst v63  }
0x6d: {  	s1 =	sadd.s32 $0x2900, s28  }
0x6e: {  	[tilespmem:s18], [sflag:$0x1] =	stream.indirect.gather [hbm4b:s4+s15], $0x10, s1, s15, $0xb8;
	[tilespmem:$0xE000] =	vst v63  }
0x6f: {  	s1 =	sadd.s32 $0x2980, s28  }
0x70: {  	[tilespmem:s19], [sflag:$0x1] =	stream.indirect.gather [hbm4b:s4+s15], $0x10, s1, s15, $0xb8;
	[tilespmem:$0xE000] =	vst v63  }
0x71: {  	s1 =	sadd.s32 $0x2A00, s28  }
0x72: {  	[tilespmem:s20], [sflag:$0x1] =	stream.indirect.gather [hbm4b:s4+s15], $0x10, s1, s15, $0xb8;
	[tilespmem:$0xE000] =	vst v63  }
0x73: {  	s1 =	sadd.s32 $0x2A80, s28  }
0x74: {  	[tilespmem:s21], [sflag:$0x1] =	stream.indirect.gather [hbm4b:s4+s15], $0x10, s1, s15, $0xb8;
	[tilespmem:$0xE000] =	vst v63  }
0x75: {  	s1 =	sadd.s32 $0x2B00, s28  }
0x76: {  	[tilespmem:s22], [sflag:$0x1] =	stream.indirect.gather [hbm4b:s4+s15], $0x10, s1, s15, $0xb8;
	[tilespmem:$0xE000] =	vst v63  }
0x77: {  	s1 =	sadd.s32 $0x2B80, s28  }
0x78: {  	[tilespmem:s23], [sflag:$0x1] =	stream.indirect.gather [hbm4b:s4+s15], $0x10, s1, s15, $0xb8;
	[tilespmem:$0xE000] =	vst v63  }
0x79: {  	_ =	swait.ge [sflag:s24], $0x800  }
0x7a: {  	[sflag:s24] =	ssyncset.done $0x0  }
0x7b: {  	s1 =	sadd.s32 $0x5000, s28;
	[sflag:s24] =	ssyncadd.s32 $0xFFFFF800  }
0x7c: {  	[spmem:s2] =	stream.indirect.scatter.add.f32 [tilespmem:s16], [sflag:$0x2], $0x10, s1, s15, $0xb8;
	[tilespmem:$0xE000] =	vst v63  }
0x7d: {  	_ =	swait.ge [sflag:s24], $0x800  }
0x7e: {  	[sflag:s24] =	ssyncset.done $0x0  }
0x7f: {  	s1 =	sadd.s32 $0x5080, s28;
	[sflag:s24] =	ssyncadd.s32 $0xFFFFF800  }
0x80: {  	[spmem:s2] =	stream.indirect.scatter.add.f32 [tilespmem:s17], [sflag:$0x2], $0x10, s1, s15, $0xb8;
	[tilespmem:$0xE000] =	vst v63  }
0x81: {  	_ =	swait.ge [sflag:s24], $0x800  }
0x82: {  	[sflag:s24] =	ssyncset.done $0x0  }
0x83: {  	s1 =	sadd.s32 $0x5100, s28;
	[sflag:s24] =	ssyncadd.s32 $0xFFFFF800  }
0x84: {  	[spmem:s2] =	stream.indirect.scatter.add.f32 [tilespmem:s18], [sflag:$0x2], $0x10, s1, s15, $0xb8;
	[tilespmem:$0xE000] =	vst v63  }
0x85: {  	_ =	swait.ge [sflag:s24], $0x800  }
0x86: {  	[sflag:s24] =	ssyncset.done $0x0  }
0x87: {  	s1 =	sadd.s32 $0x5180, s28;
	[sflag:s24] =	ssyncadd.s32 $0xFFFFF800  }
0x88: {  	[spmem:s2] =	stream.indirect.scatter.add.f32 [tilespmem:s19], [sflag:$0x2], $0x10, s1, s15, $0xb8;
	[tilespmem:$0xE000] =	vst v63  }
0x89: {  	_ =	swait.ge [sflag:s24], $0x800  }
0x8a: {  	[sflag:s24] =	ssyncset.done $0x0  }
0x8b: {  	s1 =	sadd.s32 $0x5200, s28;
	[sflag:s24] =	ssyncadd.s32 $0xFFFFF800  }
0x8c: {  	[spmem:s2] =	stream.indirect.scatter.add.f32 [tilespmem:s20], [sflag:$0x2], $0x10, s1, s15, $0xb8;
	[tilespmem:$0xE000] =	vst v63  }
0x8d: {  	_ =	swait.ge [sflag:s24], $0x800  }
0x8e: {  	[sflag:s24] =	ssyncset.done $0x0  }
0x8f: {  	s1 =	sadd.s32 $0x5280, s28;
	[sflag:s24] =	ssyncadd.s32 $0xFFFFF800  }
0x90: {  	[spmem:s2] =	stream.indirect.scatter.add.f32 [tilespmem:s21], [sflag:$0x2], $0x10, s1, s15, $0xb8;
	[tilespmem:$0xE000] =	vst v63  }
0x91: {  	_ =	swait.ge [sflag:s24], $0x800  }
0x92: {  	[sflag:s24] =	ssyncset.done $0x0  }
0x93: {  	s1 =	sadd.s32 $0x5300, s28;
	[sflag:s24] =	ssyncadd.s32 $0xFFFFF800  }
0x94: {  	[spmem:s2] =	stream.indirect.scatter.add.f32 [tilespmem:s22], [sflag:$0x2], $0x10, s1, s15, $0xb8;
	[tilespmem:$0xE000] =	vst v63  }
0x95: {  	_ =	swait.ge [sflag:s24], $0x800  }
0x96: {  	[sflag:s24] =	ssyncset.done $0x0  }
0x97: {  	s1 =	sadd.s32 $0x5380, s28;
	[sflag:s24] =	ssyncadd.s32 $0xFFFFF800  }
0x98: {  	[spmem:s2] =	stream.indirect.scatter.add.f32 [tilespmem:s23], [sflag:$0x2], $0x10, s1, s15, $0xb8;
	[tilespmem:$0xE000] =	vst v63  }
0x99: {  	_ =	swait.ge [sflag:s25], $0x800  }
0x9a: {  	[sflag:s25] =	ssyncset.done $0x0  }
0x9b: {  	[sflag:s25] =	ssyncadd.s32 $0xFFFFF800  }
0x9c: {  	_ =	swait.ge [sflag:s25], $0x800  }
0x9d: {  	[sflag:s25] =	ssyncset.done $0x0  }
0x9e: {  	[sflag:s25] =	ssyncadd.s32 $0xFFFFF800  }
0x9f: {  	_ =	swait.ge [sflag:s25], $0x800  }
0xa0: {  	[sflag:s25] =	ssyncset.done $0x0  }
0xa1: {  	[sflag:s25] =	ssyncadd.s32 $0xFFFFF800  }
0xa2: {  	_ =	swait.ge [sflag:s25], $0x800  }
0xa3: {  	[sflag:s25] =	ssyncset.done $0x0  }
0xa4: {  	[sflag:s25] =	ssyncadd.s32 $0xFFFFF800  }
0xa5: {  	_ =	swait.ge [sflag:s25], $0x800  }
0xa6: {  	[sflag:s25] =	ssyncset.done $0x0  }
0xa7: {  	[sflag:s25] =	ssyncadd.s32 $0xFFFFF800  }
0xa8: {  	_ =	swait.ge [sflag:s25], $0x800  }
0xa9: {  	[sflag:s25] =	ssyncset.done $0x0  }
0xaa: {  	[sflag:s25] =	ssyncadd.s32 $0xFFFFF800  }
.Ltmp0:
0xab: {  	_ =	swait.ge [sflag:s25], $0x800;
	(pc) =	sbr.rel @p0 .LBB2_2-.Ltmp0, $4  }
0xac: {  	[sflag:s25] =	ssyncset.done $0x0  }
0xad: {  	[sflag:s25] =	ssyncadd.s32 $0xFFFFF800  }
0xae: {  	_ =	swait.ge [sflag:s25], $0x800  }
0xaf: {  	s31 =	smov.u32 s29;
	s28 =	sshra.s32 s30, $0x2;
	[sflag:s25] =	ssyncset.done $0x0  }
0xb0: {  	s1 =	sadd.s32 $0x2800, s28;
	[sflag:s25] =	ssyncadd.s32 $0xFFFFF800  }
0xb1: {  	[tilespmem:s16], [sflag:$0x1] =	stream.indirect.gather [hbm4b:s4+s15], $0x10, s1, s15, $0xb8;
	[tilespmem:$0xE000] =	vst v63  }
0xb2: {  	s29 =	sadd.s32 $0x2880, s28  }
0xb3: {  	[tilespmem:s17], [sflag:$0x1] =	stream.indirect.gather [hbm4b:s4+s15], $0x10, s29, s15, $0xb8;
	[tilespmem:$0xE000] =	vst v63  }
0xb4: {  	s30 =	sadd.s32 $0x2900, s28  }
0xb5: {  	[tilespmem:s18], [sflag:$0x1] =	stream.indirect.gather [hbm4b:s4+s15], $0x10, s30, s15, $0xb8;
	[tilespmem:$0xE000] =	vst v63  }
0xb6: {  	s31 =	sadd.s32 $0x2980, s28  }
0xb7: {  	[tilespmem:s19], [sflag:$0x1] =	stream.indirect.gather [hbm4b:s4+s15], $0x10, s31, s15, $0xb8;
	[tilespmem:$0xE000] =	vst v63  }
0xb8: {  	s29 =	sadd.s32 $0x2A00, s28  }
0xb9: {  	[tilespmem:s20], [sflag:$0x1] =	stream.indirect.gather [hbm4b:s4+s15], $0x10, s29, s15, $0xb8;
	[tilespmem:$0xE000] =	vst v63  }
0xba: {  	s30 =	sadd.s32 $0x2A80, s28  }
0xbb: {  	[tilespmem:s21], [sflag:$0x1] =	stream.indirect.gather [hbm4b:s4+s15], $0x10, s30, s15, $0xb8;
	[tilespmem:$0xE000] =	vst v63  }
0xbc: {  	s31 =	sadd.s32 $0x2B00, s28  }
0xbd: {  	[tilespmem:s22], [sflag:$0x1] =	stream.indirect.gather [hbm4b:s4+s15], $0x10, s31, s15, $0xb8;
	[tilespmem:$0xE000] =	vst v63  }
0xbe: {  	s29 =	sadd.s32 $0x2B80, s28  }
0xbf: {  	[tilespmem:s23], [sflag:$0x1] =	stream.indirect.gather [hbm4b:s4+s15], $0x10, s29, s15, $0xb8;
	[tilespmem:$0xE000] =	vst v63  }
0xc0: {  	_ =	swait.ge [sflag:s24], $0x800  }
0xc1: {  	[sflag:s24] =	ssyncset.done $0x0  }
0xc2: {  	s30 =	sadd.s32 $0x5000, s28;
	[sflag:s24] =	ssyncadd.s32 $0xFFFFF800  }
0xc3: {  	[spmem:s2] =	stream.indirect.scatter.add.f32 [tilespmem:s16], [sflag:$0x2], $0x10, s30, s15, $0xb8;
	[tilespmem:$0xE000] =	vst v63  }
0xc4: {  	_ =	swait.ge [sflag:s24], $0x800  }
0xc5: {  	[sflag:s24] =	ssyncset.done $0x0  }
0xc6: {  	s31 =	sadd.s32 $0x5080, s28;
	[sflag:s24] =	ssyncadd.s32 $0xFFFFF800  }
0xc7: {  	[spmem:s2] =	stream.indirect.scatter.add.f32 [tilespmem:s17], [sflag:$0x2], $0x10, s31, s15, $0xb8;
	[tilespmem:$0xE000] =	vst v63  }
0xc8: {  	_ =	swait.ge [sflag:s24], $0x800  }
0xc9: {  	[sflag:s24] =	ssyncset.done $0x0  }
0xca: {  	s29 =	sadd.s32 $0x5100, s28;
	[sflag:s24] =	ssyncadd.s32 $0xFFFFF800  }
0xcb: {  	[spmem:s2] =	stream.indirect.scatter.add.f32 [tilespmem:s18], [sflag:$0x2], $0x10, s29, s15, $0xb8;
	[tilespmem:$0xE000] =	vst v63  }
0xcc: {  	_ =	swait.ge [sflag:s24], $0x800  }
0xcd: {  	[sflag:s24] =	ssyncset.done $0x0  }
0xce: {  	s30 =	sadd.s32 $0x5180, s28;
	[sflag:s24] =	ssyncadd.s32 $0xFFFFF800  }
0xcf: {  	[spmem:s2] =	stream.indirect.scatter.add.f32 [tilespmem:s19], [sflag:$0x2], $0x10, s30, s15, $0xb8;
	[tilespmem:$0xE000] =	vst v63  }
0xd0: {  	_ =	swait.ge [sflag:s24], $0x800  }
0xd1: {  	[sflag:s24] =	ssyncset.done $0x0  }
0xd2: {  	s31 =	sadd.s32 $0x5200, s28;
	[sflag:s24] =	ssyncadd.s32 $0xFFFFF800  }
0xd3: {  	[spmem:s2] =	stream.indirect.scatter.add.f32 [tilespmem:s20], [sflag:$0x2], $0x10, s31, s15, $0xb8;
	[tilespmem:$0xE000] =	vst v63  }
0xd4: {  	_ =	swait.ge [sflag:s24], $0x800  }
0xd5: {  	[sflag:s24] =	ssyncset.done $0x0  }
0xd6: {  	s29 =	sadd.s32 $0x5280, s28;
	[sflag:s24] =	ssyncadd.s32 $0xFFFFF800  }
0xd7: {  	[spmem:s2] =	stream.indirect.scatter.add.f32 [tilespmem:s21], [sflag:$0x2], $0x10, s29, s15, $0xb8;
	[tilespmem:$0xE000] =	vst v63  }
0xd8: {  	_ =	swait.ge [sflag:s24], $0x800  }
0xd9: {  	[sflag:s24] =	ssyncset.done $0x0  }
0xda: {  	s30 =	sadd.s32 $0x5300, s28;
	[sflag:s24] =	ssyncadd.s32 $0xFFFFF800  }
0xdb: {  	[spmem:s2] =	stream.indirect.scatter.add.f32 [tilespmem:s22], [sflag:$0x2], $0x10, s30, s15, $0xb8;
	[tilespmem:$0xE000] =	vst v63  }
0xdc: {  	_ =	swait.ge [sflag:s24], $0x800  }
0xdd: {  	[sflag:s24] =	ssyncset.done $0x0  }
0xde: {  	s31 =	sadd.s32 $0x5380, s28;
	[sflag:s24] =	ssyncadd.s32 $0xFFFFF800  }
0xdf: {  	[spmem:s2] =	stream.indirect.scatter.add.f32 [tilespmem:s23], [sflag:$0x2], $0x10, s31, s15, $0xb8;
	[tilespmem:$0xE000] =	vst v63  }
0xe0: {  	_ =	swait.ge [sflag:s25], $0x800  }
0xe1: {  	[sflag:s25] =	ssyncset.done $0x0  }
0xe2: {  	[sflag:s25] =	ssyncadd.s32 $0xFFFFF800  }
0xe3: {  	_ =	swait.ge [sflag:s25], $0x800  }
0xe4: {  	[sflag:s25] =	ssyncset.done $0x0  }
0xe5: {  	[sflag:s25] =	ssyncadd.s32 $0xFFFFF800  }
0xe6: {  	_ =	swait.ge [sflag:s25], $0x800  }
0xe7: {  	[sflag:s25] =	ssyncset.done $0x0  }
0xe8: {  	[sflag:s25] =	ssyncadd.s32 $0xFFFFF800  }
0xe9: {  	_ =	swait.ge [sflag:s25], $0x800  }
0xea: {  	[sflag:s25] =	ssyncset.done $0x0  }
0xeb: {  	[sflag:s25] =	ssyncadd.s32 $0xFFFFF800  }
0xec: {  	_ =	swait.ge [sflag:s25], $0x800  }
0xed: {  	[sflag:s25] =	ssyncset.done $0x0  }
0xee: {  	[sflag:s25] =	ssyncadd.s32 $0xFFFFF800  }
0xef: {  	_ =	swait.ge [sflag:s25], $0x800  }
0xf0: {  	[sflag:s25] =	ssyncset.done $0x0  }
0xf1: {  	[sflag:s25] =	ssyncadd.s32 $0xFFFFF800  }
0xf2: {  	_ =	swait.ge [sflag:s25], $0x800  }
0xf3: {  	[sflag:s25] =	ssyncset.done $0x0  }
0xf4: {  	[sflag:s25] =	ssyncadd.s32 $0xFFFFF800  }
0xf5: {  	_ =	swait.ge [sflag:s25], $0x800  }
0xf6: {  	[sflag:s25] =	ssyncset.done $0x0  }
0xf7: {  	[sflag:s25] =	ssyncadd.s32 $0xFFFFF800  }
0xf8: {  	[bflag:$0x0] =	sbarrier.arrive $0xFFFF  }
0xf9: {  	[tilespmem:s11], [sflag:$0x3] =	stream.linear.gather [spmem:s6], $0x2800, $0x38;
	[tilespmem:$0xE000] =	vst v63  }
0xfa: {  	s26 =	sadd.s32 $0x1, s26;
	_ =	swait.ge [sflag:s12], $0x2800  }
0xfb: {  	p0 =	sne.s32 s26, s10;
	[sflag:s12] =	ssyncset.done $0x0  }
.Ltmp1:
0xfc: {  	[sflag:s12] =	ssyncadd.s32 $0xFFFFD800;
	(pc) =	sbr.rel @p0 .LBB2_1-.Ltmp1, $4  }
0xfd: {  	[hbm4b:s9+s3] =	stream.linear.scatter [tilespmem:s11], [sflag:$0x3], $0x2800, $0x38;
	[tilespmem:$0xE000] =	vst v63  }
0xfe: {  	_ =	swait.ge [sflag:s12], $0x2800  }
0xff: {  	[sflag:s12] =	ssyncset.done $0x0  }
0x100: {  	[sflag:s12] =	ssyncadd.s32 $0xFFFFD800  }
0x101: {  	_ =	sfence.sel $0x180000  }
0x102: {  	[bflag:$0x0] =	sbarrier.arrive $0xFFFF  }
0x103: {  	_ =	strace $0x90000047  }
0x104: {  	[bflag:$0x2] =	sbarrier.arrive $0xFFFF  }
0x105: {  	p0 =	sne.s32 s0, $0x0;
	s0 =	rddreg [dreg:$0x2]  }
0x106: {  	s0 =	sadd.s32 @!p0 $0x100000, s0  }
0x107: {  	[sflag:s0] =	ssyncadd.tile.s32 @!p0 $0x1;
	_ =	shalt  }
.Lfunc_end2:
_tile_overlayer_lowered:
.L_overlay_start_2:
0x108: {  	(tag) =	ssettag $0x2  }
0x109: {  	s0 =	rddreg [dreg:$0x0];
	s2 =	stileid.u32  }
0x10a: {  	s1 =	rddreg [dreg:$0x1];
	p0 =	sne.s32 s2, $0x0  }
0x10b: {  	s3 =	rddreg [dreg:$0x2];
	[bflag:$0x3] =	sbarrier.arrive $0xFFFF;
	s2 =	simm.s32 @!p0 $0x1C03  }
0x10c: {  	[timem:s3], [sflag:s2] =	dma.local @!p0 [hbm:s0], s1  }
0x10d: {  	s0 =	simm.s32 @!p0 $0x3  }
0x10e: {  	_ =	swait.ge @!p0 [sflag:s0], s1  }
0x10f: {  	s1 =	ssub.s32 @!p0 $0x0, s1;
	[sflag:s0] =	ssyncset.done @!p0 $0x0  }
0x110: {  	[sflag:s0] =	ssyncadd.s32 @!p0 s1  }
0x111: {  	[bflag:$0x3] =	sbarrier.arrive $0xFFFF  }
0x112: {  	_ =	shalt  }

</sc_bundles>
